<compile_context>
chip_gen: v7x
topology: tpu7x:2x2x1
jax: 0.10.2.dev20260603
libtpu: 0.0.44.dev20260713+nightly
codegen_flags: <defaults>
</compile_context>

<pallas_src>
import functools

import jax
import jax.numpy as jnp
from jax import lax
from jax.experimental import pallas as pl
from jax.experimental.pallas import tpu as pltpu
from jax.experimental.pallas import tpu_sc as plsc

O = 10000
T = 320000
D = 128
NEG = 0.01

NC = 2
NS = 16
GK = 80
EPW = T // (NC * NS)
GCHUNK = EPW // GK
SK = 64
NCHUNK = T // SK
SPS = NCHUNK // NS
SREM = NCHUNK - SPS * NS
CK = 128
CCHUNK = T // CK
OP = 10240
OSLICE = OP // NS


def _lrelu(x):
    return jnp.where(x >= 0, x, NEG * x)


def _premul_body(obj_ref, w1s_ref, w1o_ref, a_ref, b_ref):
    blk = obj_ref[...]
    a_ref[...] = jnp.dot(blk, w1s_ref[...], preferred_element_type=jnp.float32)
    b_ref[...] = jnp.dot(blk, w1o_ref[...], preferred_element_type=jnp.float32)


def _premul(obj_vecs, w1s, w1o):
    bo = 1000
    grid = (O // bo,)
    return pl.pallas_call(
        _premul_body,
        grid=grid,
        in_specs=[
            pl.BlockSpec((bo, D), lambda i: (i, 0)),
            pl.BlockSpec((D, D), lambda i: (0, 0)),
            pl.BlockSpec((D, D), lambda i: (0, 0)),
        ],
        out_specs=[
            pl.BlockSpec((bo, D), lambda i: (i, 0)),
            pl.BlockSpec((bo, D), lambda i: (i, 0)),
        ],
        out_shape=[
            jax.ShapeDtypeStruct((O, D), jnp.float32),
            jax.ShapeDtypeStruct((O, D), jnp.float32),
        ],
    )(obj_vecs, w1s, w1o)


def _gather_body(a_hbm, b_hbm, sidx_hbm, oidx_hbm, g_hbm,
                 sidx_v, oidx_v,
                 buf_a0, buf_a1, buf_b0, buf_b1,
                 sem_a0, sem_a1, sem_b0, sem_b1, sem_w0, sem_w1):
    cid = lax.axis_index("c")
    sid = lax.axis_index("s")
    wid = sid * NC + cid
    base = wid * EPW
    buf_a = (buf_a0, buf_a1)
    buf_b = (buf_b0, buf_b1)
    sem_a = (sem_a0, sem_a1)
    sem_b = (sem_b0, sem_b1)
    sem_w = (sem_w0, sem_w1)
    pltpu.sync_copy(sidx_hbm.at[wid], sidx_v)
    pltpu.sync_copy(oidx_hbm.at[wid], oidx_v)

    def issue(i, s):
        pltpu.async_copy(a_hbm.at[sidx_v.at[i]], buf_a[s], sem_a[s])
        pltpu.async_copy(b_hbm.at[oidx_v.at[i]], buf_b[s], sem_b[s])

    def g_dst(i):
        return g_hbm.at[pl.ds(base + i * GK, GK)]

    issue(0, 0)

    def process(i, s):
        @pl.when(i < GCHUNK)
        def _():
            pltpu.make_async_copy(a_hbm.at[sidx_v.at[i]], buf_a[s], sem_a[s]).wait()
            pltpu.make_async_copy(b_hbm.at[oidx_v.at[i]], buf_b[s], sem_b[s]).wait()

            @pl.when(i >= 1)
            def _():
                pltpu.make_async_copy(buf_a[1 - s], g_dst(i - 1), sem_w[1 - s]).wait()

            @pl.when(i + 1 < GCHUNK)
            def _():
                issue(i + 1, 1 - s)

            @pl.loop(0, GK)
            def _row(r):
                for c in range(D // 16):
                    sl = pl.ds(c * 16, 16)
                    buf_a[s][r, sl] = buf_a[s][r, sl] + buf_b[s][r, sl]

            pltpu.async_copy(buf_a[s], g_dst(i), sem_w[s])

    @pl.loop(0, (GCHUNK + 1) // 2)
    def _outer(k):
        process(2 * k, 0)
        process(2 * k + 1, 1)

    last = GCHUNK - 1
    pltpu.make_async_copy(buf_a[last % 2], g_dst(last), sem_w[last % 2]).wait()


def _gather(a, b, sidx3, oidx3):
    mesh = plsc.VectorSubcoreMesh(core_axis_name="c", subcore_axis_name="s")
    f = pl.kernel(
        _gather_body,
        out_type=jax.ShapeDtypeStruct((T, D), jnp.float32),
        mesh=mesh,
        scratch_types=[
            pltpu.VMEM((GCHUNK, GK), jnp.int32),
            pltpu.VMEM((GCHUNK, GK), jnp.int32),
            pltpu.VMEM((GK, D), jnp.float32),
            pltpu.VMEM((GK, D), jnp.float32),
            pltpu.VMEM((GK, D), jnp.float32),
            pltpu.VMEM((GK, D), jnp.float32),
            pltpu.SemaphoreType.DMA,
            pltpu.SemaphoreType.DMA,
            pltpu.SemaphoreType.DMA,
            pltpu.SemaphoreType.DMA,
            pltpu.SemaphoreType.DMA,
            pltpu.SemaphoreType.DMA,
        ],
    )
    return f(a, b, sidx3, oidx3)


def _edge_body(g_ref, pred_ref, w1p_ref, b1_ref, w2m_ref, b2m_ref,
               h_ref, np_ref):
    p = jnp.dot(pred_ref[...], w1p_ref[...], preferred_element_type=jnp.float32)
    h = _lrelu(g_ref[...] + p + b1_ref[...])
    h_ref[...] = h
    mid = jnp.dot(h, w2m_ref[...], preferred_element_type=jnp.float32) + b2m_ref[...]
    np_ref[...] = _lrelu(mid)


def _edge_mlp(g, pred, w1p, b1, w2m, b2m):
    bt = 2000
    grid = (T // bt,)
    return pl.pallas_call(
        _edge_body,
        grid=grid,
        in_specs=[
            pl.BlockSpec((bt, D), lambda i: (i, 0)),
            pl.BlockSpec((bt, D), lambda i: (i, 0)),
            pl.BlockSpec((D, D), lambda i: (0, 0)),
            pl.BlockSpec((1, D), lambda i: (0, 0)),
            pl.BlockSpec((D, D), lambda i: (0, 0)),
            pl.BlockSpec((1, D), lambda i: (0, 0)),
        ],
        out_specs=[
            pl.BlockSpec((bt, D), lambda i: (i, 0)),
            pl.BlockSpec((bt, D), lambda i: (i, 0)),
        ],
        out_shape=[
            jax.ShapeDtypeStruct((T, D), jnp.float32),
            jax.ShapeDtypeStruct((T, D), jnp.float32),
        ],
    )(g, pred, w1p, b1, w2m, b2m)


def _scatter_body(h_hbm, sidx_hbm, oidx_hbm, hs_hbm, ho_hbm,
                  acc, hbuf0, hbuf1, idxbuf0, idxbuf1,
                  sem_h0, sem_h1, sem_i0, sem_i1):
    cid = lax.axis_index("c")
    sid = lax.axis_index("s")
    hbuf = (hbuf0, hbuf1)
    idxbuf = (idxbuf0, idxbuf1)
    sem_h = (sem_h0, sem_h1)
    sem_i = (sem_i0, sem_i1)

    @pl.loop(0, SK)
    def _fill(r):
        for c in range(D // 16):
            hbuf0[r, pl.ds(c * 16, 16)] = jnp.zeros((16,), jnp.float32)

    @pl.loop(0, OSLICE // SK)
    def _zero(k):
        pltpu.sync_copy(hbuf0, acc.at[pl.ds(sid * OSLICE + k * SK, SK)])

    plsc.subcore_barrier()

    extra = jnp.where(sid < SREM, 1, 0)
    base_j = sid * SPS + jnp.minimum(sid, SREM)
    n = SPS + extra

    def run(idx_hbm):
        def issue(i, s):
            j = base_j + i
            pltpu.async_copy(idx_hbm.at[pl.ds(j * SK, SK)], idxbuf[s], sem_i[s])
            pltpu.async_copy(h_hbm.at[pl.ds(j * SK, SK)], hbuf[s], sem_h[s])

        def wait(i, s):
            j = base_j + i
            pltpu.make_async_copy(
                idx_hbm.at[pl.ds(j * SK, SK)], idxbuf[s], sem_i[s]).wait()
            pltpu.make_async_copy(
                h_hbm.at[pl.ds(j * SK, SK)], hbuf[s], sem_h[s]).wait()

        issue(0, 0)

        def process(i, s):
            @pl.when(i < n)
            def _():
                wait(i, s)

                @pl.when(i + 1 < n)
                def _():
                    issue(i + 1, 1 - s)

                pltpu.sync_copy(hbuf[s], acc.at[idxbuf[s]], add=True)

        @pl.loop(0, (SPS + 2) // 2)
        def _outer(k):
            process(2 * k, 0)
            process(2 * k + 1, 1)

    @pl.when(cid == 0)
    def _():
        run(sidx_hbm)

    @pl.when(cid == 1)
    def _():
        run(oidx_hbm)

    plsc.subcore_barrier()

    sl = pl.ds(sid * OSLICE, OSLICE)

    @pl.when(cid == 0)
    def _():
        pltpu.sync_copy(acc.at[sl], hs_hbm.at[sl])

    @pl.when(cid == 1)
    def _():
        pltpu.sync_copy(acc.at[sl], ho_hbm.at[sl])


def _scatter(h, sidx, oidx):
    mesh = plsc.VectorSubcoreMesh(core_axis_name="c", subcore_axis_name="s")
    f = pl.kernel(
        _scatter_body,
        out_type=[
            jax.ShapeDtypeStruct((OP, D), jnp.float32),
            jax.ShapeDtypeStruct((OP, D), jnp.float32),
        ],
        mesh=mesh,
        scratch_types=[
            pltpu.MemorySpace.VMEM_SHARED((OP, D), jnp.float32),
            pltpu.VMEM((SK, D), jnp.float32),
            pltpu.VMEM((SK, D), jnp.float32),
            pltpu.VMEM((SK,), jnp.int32),
            pltpu.VMEM((SK,), jnp.int32),
            pltpu.SemaphoreType.DMA,
            pltpu.SemaphoreType.DMA,
            pltpu.SemaphoreType.DMA,
            pltpu.SemaphoreType.DMA,
        ],
    )
    return f(h, sidx, oidx)


def _count_body(sidx_hbm, oidx_hbm, cs_hbm, co_hbm,
                cacc, onesbuf, idxbuf):
    cid = lax.axis_index("c")
    sid = lax.axis_index("s")

    @pl.loop(0, CK)
    def _fillz(r):
        for c in range(D // 16):
            onesbuf[r, pl.ds(c * 16, 16)] = jnp.zeros((16,), jnp.float32)

    @pl.loop(0, OSLICE // CK)
    def _zero(k):
        pltpu.sync_copy(onesbuf, cacc.at[pl.ds(sid * OSLICE + k * CK, CK)])

    @pl.loop(0, CK)
    def _fill1(r):
        for c in range(D // 16):
            onesbuf[r, pl.ds(c * 16, 16)] = jnp.ones((16,), jnp.float32)

    plsc.subcore_barrier()

    def run(idx_hbm):
        @pl.loop(0, (CCHUNK + NS - 1) // NS)
        def _chunk(i):
            j = i * NS + sid

            @pl.when(j < CCHUNK)
            def _():
                pltpu.sync_copy(idx_hbm.at[pl.ds(j * CK, CK)], idxbuf)
                pltpu.sync_copy(onesbuf, cacc.at[idxbuf], add=True)

    @pl.when(cid == 0)
    def _():
        run(sidx_hbm)

    @pl.when(cid == 1)
    def _():
        run(oidx_hbm)

    plsc.subcore_barrier()

    sl = pl.ds(sid * OSLICE, OSLICE)

    @pl.when(cid == 0)
    def _():
        pltpu.sync_copy(cacc.at[sl], cs_hbm.at[sl])

    @pl.when(cid == 1)
    def _():
        pltpu.sync_copy(cacc.at[sl], co_hbm.at[sl])


def _counts(sidx, oidx):
    mesh = plsc.VectorSubcoreMesh(core_axis_name="c", subcore_axis_name="s")
    f = pl.kernel(
        _count_body,
        out_type=[
            jax.ShapeDtypeStruct((OP, D), jnp.float32),
            jax.ShapeDtypeStruct((OP, D), jnp.float32),
        ],
        mesh=mesh,
        scratch_types=[
            pltpu.MemorySpace.VMEM_SHARED((OP, D), jnp.float32),
            pltpu.VMEM((CK, D), jnp.float32),
            pltpu.VMEM((CK,), jnp.int32),
        ],
    )
    return f(sidx, oidx)


def _node_body(hs_ref, ho_ref, cs_ref, co_ref,
               w2s_ref, w2o_ref,
               b2s_ref, b2o_ref, n2w1_ref, n2b1_ref, n2w2_ref, n2b2_ref,
               out_ref):
    cnt_s = cs_ref[:, 0:1]
    cnt_o = co_ref[:, 0:1]
    pooled = (
        jnp.dot(hs_ref[...], w2s_ref[...], preferred_element_type=jnp.float32)
        + jnp.dot(ho_ref[...], w2o_ref[...], preferred_element_type=jnp.float32)
        + cnt_s * b2s_ref[...]
        + cnt_o * b2o_ref[...]
    )
    pooled = pooled / jnp.maximum(cnt_s + cnt_o, 1.0)
    x = _lrelu(pooled)
    x = _lrelu(jnp.dot(x, n2w1_ref[...], preferred_element_type=jnp.float32)
               + n2b1_ref[...])
    out_ref[...] = _lrelu(jnp.dot(x, n2w2_ref[...],
                                  preferred_element_type=jnp.float32)
                          + n2b2_ref[...])


def _node_mlp(hs, ho, cs, co, w2s, w2o, b2s, b2o,
              n2w1, n2b1, n2w2, n2b2):
    bo = 1024
    grid = (OP // bo,)
    row = lambda i: (i, 0)
    fix = lambda i: (0, 0)
    return pl.pallas_call(
        _node_body,
        grid=grid,
        in_specs=[
            pl.BlockSpec((bo, D), row),
            pl.BlockSpec((bo, D), row),
            pl.BlockSpec((bo, D), row),
            pl.BlockSpec((bo, D), row),
            pl.BlockSpec((D, D), fix),
            pl.BlockSpec((D, D), fix),
            pl.BlockSpec((1, D), fix),
            pl.BlockSpec((1, D), fix),
            pl.BlockSpec((D, D), fix),
            pl.BlockSpec((1, D), fix),
            pl.BlockSpec((D, D), fix),
            pl.BlockSpec((1, D), fix),
        ],
        out_specs=pl.BlockSpec((bo, D), row),
        out_shape=jax.ShapeDtypeStruct((OP, D), jnp.float32),
    )(hs, ho, cs, co, w2s, w2o, b2s, b2o, n2w1, n2b1, n2w2, n2b2)


def kernel(obj_vecs, pred_vecs, edges,
           net1_W1, net1_b1, net1_W2, net1_b2,
           net2_W1, net2_b1, net2_W2, net2_b2):
    s_idx = edges[:, 0]
    o_idx = edges[:, 1]

    w1s = net1_W1[:D]
    w1p = net1_W1[D:2 * D]
    w1o = net1_W1[2 * D:]
    b1 = net1_b1.reshape(1, D)
    w2s = net1_W2[:, :D]
    w2m = net1_W2[:, D:2 * D]
    w2o = net1_W2[:, 2 * D:]
    b2s = net1_b2[:D].reshape(1, D)
    b2m = net1_b2[D:2 * D].reshape(1, D)
    b2o = net1_b2[2 * D:].reshape(1, D)

    nw = NC * NS
    sidx3 = s_idx.reshape(nw, GCHUNK, GK)
    oidx3 = o_idx.reshape(nw, GCHUNK, GK)

    a, b = _premul(obj_vecs, w1s, w1o)
    g = _gather(a, b, sidx3, oidx3)
    cs, co = _counts(s_idx, o_idx)
    h, new_p = _edge_mlp(g, pred_vecs, w1p, b1, w2m, b2m)
    hs, ho = _scatter(h, s_idx, o_idx)
    new_obj = _node_mlp(hs, ho, cs, co, w2s, w2o, b2s, b2o,
                        net2_W1, net2_b1.reshape(1, D),
                        net2_W2, net2_b2.reshape(1, D))
    return new_obj[:O], new_p

# --- scband reference (transcript-rebuilt; emitter-appended) ---
"""Pipeline reference for scband-graph-triple-conv-2559800508722 (READ-ONLY COPY).

The authoritative reference and input builder live on the scoring server;
editing this copy changes nothing except your own understanding.
"""

import jax, jax.numpy as jnp
import numpy as np

O = 10000
T = 320000
D = 128
H = 128
DOUT = 128
NEG_SLOPE = 0.01


def leaky_relu(x):
    return jnp.where(x >= 0, x, NEG_SLOPE * x)


def _kaiming(key, fan_in, fan_out):
    return jax.random.normal(key, (fan_in, fan_out), dtype=jnp.float32) * np.sqrt(2.0 / fan_in)


def setup_inputs(seed: int = 0):
    key = jax.random.key(seed)
    ks = jax.random.split(key, 8)
    obj_vecs = jax.random.normal(ks[0], (O, D), dtype=jnp.float32)
    pred_vecs = jax.random.normal(ks[1], (T, D), dtype=jnp.float32)
    edges = jax.random.randint(ks[2], (T, 2), 0, O, dtype=jnp.int32)
    # net1: Linear(3D -> H), LeakyReLU, Linear(H -> 2H + DOUT)   (no final nonlinearity)
    net1_W1 = _kaiming(ks[3], 3 * D, H)
    net1_b1 = jnp.zeros((H,), dtype=jnp.float32)
    net1_W2 = _kaiming(ks[4], H, 2 * H + DOUT)
    net1_b2 = jnp.zeros((2 * H + DOUT,), dtype=jnp.float32)
    # net2: LeakyReLU (start), Linear(H -> H), LeakyReLU, Linear(H -> D_out), LeakyReLU (final)
    net2_W1 = _kaiming(ks[5], H, H)
    net2_b1 = jnp.zeros((H,), dtype=jnp.float32)
    net2_W2 = _kaiming(ks[6], H, DOUT)
    net2_b2 = jnp.zeros((DOUT,), dtype=jnp.float32)
    return {
        "obj_vecs": obj_vecs,
        "pred_vecs": pred_vecs,
        "edges": edges,
        "net1_W1": net1_W1, "net1_b1": net1_b1,
        "net1_W2": net1_W2, "net1_b2": net1_b2,
        "net2_W1": net2_W1, "net2_b1": net2_b1,
        "net2_W2": net2_W2, "net2_b2": net2_b2,
    }


def reference(obj_vecs, pred_vecs, edges,
              net1_W1, net1_b1, net1_W2, net1_b2,
              net2_W1, net2_b1, net2_W2, net2_b2):
    s_idx = edges[:, 0]
    o_idx = edges[:, 1]
    # gather subject/object vectors and build triple vectors
    cur_s_vecs = jnp.take(obj_vecs, s_idx, axis=0)
    cur_o_vecs = jnp.take(obj_vecs, o_idx, axis=0)
    cur_t_vecs = jnp.concatenate([cur_s_vecs, pred_vecs, cur_o_vecs], axis=1)
    # net1
    h = leaky_relu(cur_t_vecs @ net1_W1 + net1_b1)
    new_t_vecs = h @ net1_W2 + net1_b2
    new_s_vecs = new_t_vecs[:, :H]
    new_p_vecs = leaky_relu(new_t_vecs[:, H:H + DOUT])
    new_o_vecs = new_t_vecs[:, H + DOUT:2 * H + DOUT]
    # scatter-add pooling over objects
    pooled_obj_vecs = jnp.zeros((O, H), dtype=obj_vecs.dtype)
    pooled_obj_vecs = pooled_obj_vecs.at[s_idx].add(new_s_vecs)
    pooled_obj_vecs = pooled_obj_vecs.at[o_idx].add(new_o_vecs)
    # avg pooling: divide by counts (clamped to >= 1)
    ones = jnp.ones((T,), dtype=obj_vecs.dtype)
    obj_counts = jnp.zeros((O,), dtype=obj_vecs.dtype)
    obj_counts = obj_counts.at[s_idx].add(ones)
    obj_counts = obj_counts.at[o_idx].add(ones)
    obj_counts = jnp.maximum(obj_counts, 1.0)
    pooled_obj_vecs = pooled_obj_vecs / obj_counts[:, None]
    # net2 (start nonlinearity, final nonlinearity)
    x = leaky_relu(pooled_obj_vecs)
    x = leaky_relu(x @ net2_W1 + net2_b1)
    new_obj_vecs = leaky_relu(x @ net2_W2 + net2_b2)
    return (new_obj_vecs, new_p_vecs)

if __name__ == "__main__":
    import jax
    _d = setup_inputs()
    print(jax.jit(kernel)(*tuple(_d.values())))

</pallas_src>

<mosaic_0001>
#map = affine_map<(d0, d1) -> (0)>
#map1 = affine_map<(d0, d1) -> (0, 0)>
module attributes {stable_mosaic.version = 14 : i64} {
  func.func @_count_body(%arg0: i32, %arg1: i32, %arg2: memref<320000xi32, #tpu.memory_space<hbm>>, %arg3: memref<320000xi32, #tpu.memory_space<hbm>>, %arg4: memref<10240x128xf32, #tpu.memory_space<hbm>>, %arg5: memref<10240x128xf32, #tpu.memory_space<hbm>>, %arg6: memref<10240x128xf32, #tpu.memory_space<vmem_shared>>, %arg7: memref<128x128xf32, #tpu.memory_space<vmem>>, %arg8: memref<128xi32, #tpu.memory_space<vmem>>) attributes {dimension_semantics = [#tpu.dimension_semantics<core_parallel>, #tpu.dimension_semantics<subcore_parallel>], iteration_bounds = array<i64: 2, 16>, scalar_prefetch = 0 : i64, scratch_operands = 3 : i64, tpu.core_type = #tpu.core_type<sc_vector_subcore>, window_params = [{transform_indices = #map}, {transform_indices = #map}, {transform_indices = #map1}, {transform_indices = #map1}]} {
    %scan3A = arith.constant 0 : i32
    %scan3A_0 = arith.constant 128 : i32
    %scan3A_1 = arith.addi %scan3A, %scan3A_0 : i32
    %scan3A_2 = arith.constant 1 : i32
    scf.for %scan3A_33 = %scan3A to %scan3A_1 step %scan3A_2  : i32 {
      %mul3A_34 = arith.constant 1 : i32
      %mul3A_35 = arith.muli %scan3A_33, %mul3A_34 : i32
      %add3A = arith.constant 0 : i32
      %add3A_36 = arith.addi %add3A, %mul3A_35 : i32
      %broadcast_in_dim3A = arith.constant 0.000000e+00 : f32
      %broadcast_in_dim3A_37 = vector.broadcast %broadcast_in_dim3A : f32 to vector<16xf32>
      %swap3A = arith.index_cast %add3A_36 : i32 to index
      %swap3A_38 = arith.constant 0 : index
      %swap3A_39 = tpu.vector_load %arg7[%swap3A, %swap3A_38] {strides = array<i32>} : memref<128x128xf32, #tpu.memory_space<vmem>>, vector<1x16xf32>,
      %swap3A_40 = vector.shape_cast %swap3A_39 : vector<1x16xf32> to vector<16xf32>
      %swap3A_41 = vector.shape_cast %broadcast_in_dim3A_37 : vector<16xf32> to vector<1x16xf32>
      tpu.vector_store %arg7[%swap3A, %swap3A_38], %swap3A_41 {strides = array<i32>} : memref<128x128xf32, #tpu.memory_space<vmem>>, vector<1x16xf32>,
      %broadcast_in_dim3A_42 = arith.constant 0.000000e+00 : f32
      %broadcast_in_dim3A_43 = vector.broadcast %broadcast_in_dim3A_42 : f32 to vector<16xf32>
      %swap3A_44 = arith.index_cast %add3A_36 : i32 to index
      %swap3A_45 = arith.constant 16 : index
      %swap3A_46 = tpu.vector_load %arg7[%swap3A_44, %swap3A_45] {strides = array<i32>} : memref<128x128xf32, #tpu.memory_space<vmem>>, vector<1x16xf32>,
      %swap3A_47 = vector.shape_cast %swap3A_46 : vector<1x16xf32> to vector<16xf32>
      %swap3A_48 = vector.shape_cast %broadcast_in_dim3A_43 : vector<16xf32> to vector<1x16xf32>
      tpu.vector_store %arg7[%swap3A_44, %swap3A_45], %swap3A_48 {strides = array<i32>} : memref<128x128xf32, #tpu.memory_space<vmem>>, vector<1x16xf32>,
      %broadcast_in_dim3A_49 = arith.constant 0.000000e+00 : f32
      %broadcast_in_dim3A_50 = vector.broadcast %broadcast_in_dim3A_49 : f32 to vector<16xf32>
      %swap3A_51 = arith.index_cast %add3A_36 : i32 to index
      %swap3A_52 = arith.constant 32 : index
      %swap3A_53 = tpu.vector_load %arg7[%swap3A_51, %swap3A_52] {strides = array<i32>} : memref<128x128xf32, #tpu.memory_space<vmem>>, vector<1x16xf32>,
      %swap3A_54 = vector.shape_cast %swap3A_53 : vector<1x16xf32> to vector<16xf32>
      %swap3A_55 = vector.shape_cast %broadcast_in_dim3A_50 : vector<16xf32> to vector<1x16xf32>
      tpu.vector_store %arg7[%swap3A_51, %swap3A_52], %swap3A_55 {strides = array<i32>} : memref<128x128xf32, #tpu.memory_space<vmem>>, vector<1x16xf32>,
      %broadcast_in_dim3A_56 = arith.constant 0.000000e+00 : f32
      %broadcast_in_dim3A_57 = vector.broadcast %broadcast_in_dim3A_56 : f32 to vector<16xf32>
      %swap3A_58 = arith.index_cast %add3A_36 : i32 to index
      %swap3A_59 = arith.constant 48 : index
      %swap3A_60 = tpu.vector_load %arg7[%swap3A_58, %swap3A_59] {strides = array<i32>} : memref<128x128xf32, #tpu.memory_space<vmem>>, vector<1x16xf32>,
      %swap3A_61 = vector.shape_cast %swap3A_60 : vector<1x16xf32> to vector<16xf32>
      %swap3A_62 = vector.shape_cast %broadcast_in_dim3A_57 : vector<16xf32> to vector<1x16xf32>
      tpu.vector_store %arg7[%swap3A_58, %swap3A_59], %swap3A_62 {strides = array<i32>} : memref<128x128xf32, #tpu.memory_space<vmem>>, vector<1x16xf32>,
      %broadcast_in_dim3A_63 = arith.constant 0.000000e+00 : f32
      %broadcast_in_dim3A_64 = vector.broadcast %broadcast_in_dim3A_63 : f32 to vector<16xf32>
      %swap3A_65 = arith.index_cast %add3A_36 : i32 to index
      %swap3A_66 = arith.constant 64 : index
      %swap3A_67 = tpu.vector_load %arg7[%swap3A_65, %swap3A_66] {strides = array<i32>} : memref<128x128xf32, #tpu.memory_space<vmem>>, vector<1x16xf32>,
      %swap3A_68 = vector.shape_cast %swap3A_67 : vector<1x16xf32> to vector<16xf32>
      %swap3A_69 = vector.shape_cast %broadcast_in_dim3A_64 : vector<16xf32> to vector<1x16xf32>
      tpu.vector_store %arg7[%swap3A_65, %swap3A_66], %swap3A_69 {strides = array<i32>} : memref<128x128xf32, #tpu.memory_space<vmem>>, vector<1x16xf32>,
      %broadcast_in_dim3A_70 = arith.constant 0.000000e+00 : f32
      %broadcast_in_dim3A_71 = vector.broadcast %broadcast_in_dim3A_70 : f32 to vector<16xf32>
      %swap3A_72 = arith.index_cast %add3A_36 : i32 to index
      %swap3A_73 = arith.constant 80 : index
      %swap3A_74 = tpu.vector_load %arg7[%swap3A_72, %swap3A_73] {strides = array<i32>} : memref<128x128xf32, #tpu.memory_space<vmem>>, vector<1x16xf32>,
      %swap3A_75 = vector.shape_cast %swap3A_74 : vector<1x16xf32> to vector<16xf32>
      %swap3A_76 = vector.shape_cast %broadcast_in_dim3A_71 : vector<16xf32> to vector<1x16xf32>
      tpu.vector_store %arg7[%swap3A_72, %swap3A_73], %swap3A_76 {strides = array<i32>} : memref<128x128xf32, #tpu.memory_space<vmem>>, vector<1x16xf32>,
      %broadcast_in_dim3A_77 = arith.constant 0.000000e+00 : f32
      %broadcast_in_dim3A_78 = vector.broadcast %broadcast_in_dim3A_77 : f32 to vector<16xf32>
      %swap3A_79 = arith.index_cast %add3A_36 : i32 to index
      %swap3A_80 = arith.constant 96 : index
      %swap3A_81 = tpu.vector_load %arg7[%swap3A_79, %swap3A_80] {strides = array<i32>} : memref<128x128xf32, #tpu.memory_space<vmem>>, vector<1x16xf32>,
      %swap3A_82 = vector.shape_cast %swap3A_81 : vector<1x16xf32> to vector<16xf32>
      %swap3A_83 = vector.shape_cast %broadcast_in_dim3A_78 : vector<16xf32> to vector<1x16xf32>
      tpu.vector_store %arg7[%swap3A_79, %swap3A_80], %swap3A_83 {strides = array<i32>} : memref<128x128xf32, #tpu.memory_space<vmem>>, vector<1x16xf32>,
      %broadcast_in_dim3A_84 = arith.constant 0.000000e+00 : f32
      %broadcast_in_dim3A_85 = vector.broadcast %broadcast_in_dim3A_84 : f32 to vector<16xf32>
      %swap3A_86 = arith.index_cast %add3A_36 : i32 to index
      %swap3A_87 = arith.constant 112 : index
      %swap3A_88 = tpu.vector_load %arg7[%swap3A_86, %swap3A_87] {strides = array<i32>} : memref<128x128xf32, #tpu.memory_space<vmem>>, vector<1x16xf32>,
      %swap3A_89 = vector.shape_cast %swap3A_88 : vector<1x16xf32> to vector<16xf32>
      %swap3A_90 = vector.shape_cast %broadcast_in_dim3A_85 : vector<16xf32> to vector<1x16xf32>
      tpu.vector_store %arg7[%swap3A_86, %swap3A_87], %swap3A_90 {strides = array<i32>} : memref<128x128xf32, #tpu.memory_space<vmem>>, vector<1x16xf32>,
    }
    %scan3A_3 = arith.constant 128 : i32
    %scan3A_4 = arith.constant 0 : i32
    %scan3A_5 = arith.constant 5 : i32
    %scan3A_6 = arith.addi %scan3A_4, %scan3A_5 : i32
    %scan3A_7 = arith.constant 1 : i32
    scf.for %scan3A_33 = %scan3A_4 to %scan3A_6 step %scan3A_7  : i32 {
      %mul3A_34 = arith.constant 1 : i32
      %mul3A_35 = arith.muli %scan3A_33, %mul3A_34 : i32
      %add3A = arith.constant 0 : i32
      %add3A_36 = arith.addi %add3A, %mul3A_35 : i32
      %mul3A_37 = arith.constant 640 : i32
      %mul3A_38 = arith.muli %arg1, %mul3A_37 : i32
      %mul3A_39 = arith.constant 128 : i32
      %mul3A_40 = arith.muli %add3A_36, %mul3A_39 : i32
      %add3A_41 = arith.addi %mul3A_38, %mul3A_40 : i32
      "tpu.region"() ({
        %run_scoped3A = tpu.sem_alloc : memref<!tpu.dma_semaphore, #tpu.memory_space<semaphore_mem>>
        %dma_start3A = arith.constant 0 : i32
        %dma_start3A_42 = tpu.memref_slice %arg6[%add3A_41, %dma_start3A] : memref<10240x128xf32, #tpu.memory_space<vmem_shared>> -> memref<128x128xf32, #tpu.memory_space<vmem_shared>>
        %dma_start3A_43 = arith.constant 0 : i32
        %dma_start3A_44 = tpu.memref_slice %arg6[%add3A_41, %dma_start3A_43] : memref<10240x128xf32, #tpu.memory_space<vmem_shared>> -> memref<128x128xf32, #tpu.memory_space<vmem_shared>>
        tpu.enqueue_dma source(%arg7 : memref<128x128xf32, #tpu.memory_space<vmem>>) target(%dma_start3A_44 : memref<128x128xf32, #tpu.memory_space<vmem_shared>>) target_semaphore(%run_scoped3A : memref<!tpu.dma_semaphore, #tpu.memory_space<semaphore_mem>>)
        %dma_wait3A = arith.constant 0 : i32
        %dma_wait3A_45 = tpu.memref_slice %arg6[%add3A_41, %dma_wait3A] : memref<10240x128xf32, #tpu.memory_space<vmem_shared>> -> memref<128x128xf32, #tpu.memory_space<vmem_shared>>
        %dma_wait3A_46 = arith.constant 0 : i32
        %dma_wait3A_47 = tpu.memref_slice %arg6[%add3A_41, %dma_wait3A_46] : memref<10240x128xf32, #tpu.memory_space<vmem_shared>> -> memref<128x128xf32, #tpu.memory_space<vmem_shared>>
        tpu.wait_dma2 semaphore(%run_scoped3A : memref<!tpu.dma_semaphore, #tpu.memory_space<semaphore_mem>>) src(%arg7 : memref<128x128xf32, #tpu.memory_space<vmem>>) dst(%dma_wait3A_47 : memref<128x128xf32, #tpu.memory_space<vmem_shared>>)
        tpu.yield
      }) : () -> ()
    }
    %scan3A_8 = arith.constant 5 : i32
    %scan3A_9 = arith.constant 0 : i32
    %scan3A_10 = arith.constant 128 : i32
    %scan3A_11 = arith.addi %scan3A_9, %scan3A_10 : i32
    %scan3A_12 = arith.constant 1 : i32
    scf.for %scan3A_33 = %scan3A_9 to %scan3A_11 step %scan3A_12  : i32 {
      %mul3A_34 = arith.constant 1 : i32
      %mul3A_35 = arith.muli %scan3A_33, %mul3A_34 : i32
      %add3A = arith.constant 0 : i32
      %add3A_36 = arith.addi %add3A, %mul3A_35 : i32
      %broadcast_in_dim3A = arith.constant 1.000000e+00 : f32
      %broadcast_in_dim3A_37 = vector.broadcast %broadcast_in_dim3A : f32 to vector<16xf32>
      %swap3A = arith.index_cast %add3A_36 : i32 to index
      %swap3A_38 = arith.constant 0 : index
      %swap3A_39 = tpu.vector_load %arg7[%swap3A, %swap3A_38] {strides = array<i32>} : memref<128x128xf32, #tpu.memory_space<vmem>>, vector<1x16xf32>,
      %swap3A_40 = vector.shape_cast %swap3A_39 : vector<1x16xf32> to vector<16xf32>
      %swap3A_41 = vector.shape_cast %broadcast_in_dim3A_37 : vector<16xf32> to vector<1x16xf32>
      tpu.vector_store %arg7[%swap3A, %swap3A_38], %swap3A_41 {strides = array<i32>} : memref<128x128xf32, #tpu.memory_space<vmem>>, vector<1x16xf32>,
      %broadcast_in_dim3A_42 = arith.constant 1.000000e+00 : f32
      %broadcast_in_dim3A_43 = vector.broadcast %broadcast_in_dim3A_42 : f32 to vector<16xf32>
      %swap3A_44 = arith.index_cast %add3A_36 : i32 to index
      %swap3A_45 = arith.constant 16 : index
      %swap3A_46 = tpu.vector_load %arg7[%swap3A_44, %swap3A_45] {strides = array<i32>} : memref<128x128xf32, #tpu.memory_space<vmem>>, vector<1x16xf32>,
      %swap3A_47 = vector.shape_cast %swap3A_46 : vector<1x16xf32> to vector<16xf32>
      %swap3A_48 = vector.shape_cast %broadcast_in_dim3A_43 : vector<16xf32> to vector<1x16xf32>
      tpu.vector_store %arg7[%swap3A_44, %swap3A_45], %swap3A_48 {strides = array<i32>} : memref<128x128xf32, #tpu.memory_space<vmem>>, vector<1x16xf32>,
      %broadcast_in_dim3A_49 = arith.constant 1.000000e+00 : f32
      %broadcast_in_dim3A_50 = vector.broadcast %broadcast_in_dim3A_49 : f32 to vector<16xf32>
      %swap3A_51 = arith.index_cast %add3A_36 : i32 to index
      %swap3A_52 = arith.constant 32 : index
      %swap3A_53 = tpu.vector_load %arg7[%swap3A_51, %swap3A_52] {strides = array<i32>} : memref<128x128xf32, #tpu.memory_space<vmem>>, vector<1x16xf32>,
      %swap3A_54 = vector.shape_cast %swap3A_53 : vector<1x16xf32> to vector<16xf32>
      %swap3A_55 = vector.shape_cast %broadcast_in_dim3A_50 : vector<16xf32> to vector<1x16xf32>
      tpu.vector_store %arg7[%swap3A_51, %swap3A_52], %swap3A_55 {strides = array<i32>} : memref<128x128xf32, #tpu.memory_space<vmem>>, vector<1x16xf32>,
      %broadcast_in_dim3A_56 = arith.constant 1.000000e+00 : f32
      %broadcast_in_dim3A_57 = vector.broadcast %broadcast_in_dim3A_56 : f32 to vector<16xf32>
      %swap3A_58 = arith.index_cast %add3A_36 : i32 to index
      %swap3A_59 = arith.constant 48 : index
      %swap3A_60 = tpu.vector_load %arg7[%swap3A_58, %swap3A_59] {strides = array<i32>} : memref<128x128xf32, #tpu.memory_space<vmem>>, vector<1x16xf32>,
      %swap3A_61 = vector.shape_cast %swap3A_60 : vector<1x16xf32> to vector<16xf32>
      %swap3A_62 = vector.shape_cast %broadcast_in_dim3A_57 : vector<16xf32> to vector<1x16xf32>
      tpu.vector_store %arg7[%swap3A_58, %swap3A_59], %swap3A_62 {strides = array<i32>} : memref<128x128xf32, #tpu.memory_space<vmem>>, vector<1x16xf32>,
      %broadcast_in_dim3A_63 = arith.constant 1.000000e+00 : f32
      %broadcast_in_dim3A_64 = vector.broadcast %broadcast_in_dim3A_63 : f32 to vector<16xf32>
      %swap3A_65 = arith.index_cast %add3A_36 : i32 to index
      %swap3A_66 = arith.constant 64 : index
      %swap3A_67 = tpu.vector_load %arg7[%swap3A_65, %swap3A_66] {strides = array<i32>} : memref<128x128xf32, #tpu.memory_space<vmem>>, vector<1x16xf32>,
      %swap3A_68 = vector.shape_cast %swap3A_67 : vector<1x16xf32> to vector<16xf32>
      %swap3A_69 = vector.shape_cast %broadcast_in_dim3A_64 : vector<16xf32> to vector<1x16xf32>
      tpu.vector_store %arg7[%swap3A_65, %swap3A_66], %swap3A_69 {strides = array<i32>} : memref<128x128xf32, #tpu.memory_space<vmem>>, vector<1x16xf32>,
      %broadcast_in_dim3A_70 = arith.constant 1.000000e+00 : f32
      %broadcast_in_dim3A_71 = vector.broadcast %broadcast_in_dim3A_70 : f32 to vector<16xf32>
      %swap3A_72 = arith.index_cast %add3A_36 : i32 to index
      %swap3A_73 = arith.constant 80 : index
      %swap3A_74 = tpu.vector_load %arg7[%swap3A_72, %swap3A_73] {strides = array<i32>} : memref<128x128xf32, #tpu.memory_space<vmem>>, vector<1x16xf32>,
      %swap3A_75 = vector.shape_cast %swap3A_74 : vector<1x16xf32> to vector<16xf32>
      %swap3A_76 = vector.shape_cast %broadcast_in_dim3A_71 : vector<16xf32> to vector<1x16xf32>
      tpu.vector_store %arg7[%swap3A_72, %swap3A_73], %swap3A_76 {strides = array<i32>} : memref<128x128xf32, #tpu.memory_space<vmem>>, vector<1x16xf32>,
      %broadcast_in_dim3A_77 = arith.constant 1.000000e+00 : f32
      %broadcast_in_dim3A_78 = vector.broadcast %broadcast_in_dim3A_77 : f32 to vector<16xf32>
      %swap3A_79 = arith.index_cast %add3A_36 : i32 to index
      %swap3A_80 = arith.constant 96 : index
      %swap3A_81 = tpu.vector_load %arg7[%swap3A_79, %swap3A_80] {strides = array<i32>} : memref<128x128xf32, #tpu.memory_space<vmem>>, vector<1x16xf32>,
      %swap3A_82 = vector.shape_cast %swap3A_81 : vector<1x16xf32> to vector<16xf32>
      %swap3A_83 = vector.shape_cast %broadcast_in_dim3A_78 : vector<16xf32> to vector<1x16xf32>
      tpu.vector_store %arg7[%swap3A_79, %swap3A_80], %swap3A_83 {strides = array<i32>} : memref<128x128xf32, #tpu.memory_space<vmem>>, vector<1x16xf32>,
      %broadcast_in_dim3A_84 = arith.constant 1.000000e+00 : f32
      %broadcast_in_dim3A_85 = vector.broadcast %broadcast_in_dim3A_84 : f32 to vector<16xf32>
      %swap3A_86 = arith.index_cast %add3A_36 : i32 to index
      %swap3A_87 = arith.constant 112 : index
      %swap3A_88 = tpu.vector_load %arg7[%swap3A_86, %swap3A_87] {strides = array<i32>} : memref<128x128xf32, #tpu.memory_space<vmem>>, vector<1x16xf32>,
      %swap3A_89 = vector.shape_cast %swap3A_88 : vector<1x16xf32> to vector<16xf32>
      %swap3A_90 = vector.shape_cast %broadcast_in_dim3A_85 : vector<16xf32> to vector<1x16xf32>
      tpu.vector_store %arg7[%swap3A_86, %swap3A_87], %swap3A_90 {strides = array<i32>} : memref<128x128xf32, #tpu.memory_space<vmem>>, vector<1x16xf32>,
    }
    %scan3A_13 = arith.constant 128 : i32
    %barrier3A = arith.constant 0 : index
    tpu.barrier barrier_id(%barrier3A)
    %eq3A = arith.constant 0 : i32
    %eq3A_14 = arith.cmpi eq, %arg0, %eq3A : i32
    %convert_element_type3A = arith.extui %eq3A_14 : i1 to i32
    %cond3A = arith.constant 0 : i32
    %cond3A_15 = arith.cmpi ne, %convert_element_type3A, %cond3A : i32
    scf.if %cond3A_15 {
      %scan3A_33 = arith.constant 0 : i32
      %scan3A_34 = arith.constant 157 : i32
      %scan3A_35 = arith.addi %scan3A_33, %scan3A_34 : i32
      %scan3A_36 = arith.constant 1 : i32
      scf.for %scan3A_38 = %scan3A_33 to %scan3A_35 step %scan3A_36  : i32 {
        %mul3A_39 = arith.constant 1 : i32
        %mul3A_40 = arith.muli %scan3A_38, %mul3A_39 : i32
        %add3A = arith.constant 0 : i32
        %add3A_41 = arith.addi %add3A, %mul3A_40 : i32
        %mul3A_42 = arith.constant 16 : i32
        %mul3A_43 = arith.muli %add3A_41, %mul3A_42 : i32
        %add3A_44 = arith.addi %mul3A_43, %arg1 : i32
        %lt3A = arith.constant 2500 : i32
        %lt3A_45 = arith.cmpi slt, %add3A_44, %lt3A : i32
        %convert_element_type3A_46 = arith.extui %lt3A_45 : i1 to i32
        %cond3A_47 = arith.constant 0 : i32
        %cond3A_48 = arith.cmpi ne, %convert_element_type3A_46, %cond3A_47 : i32
        scf.if %cond3A_48 {
          %mul3A_49 = arith.constant 128 : i32
          %mul3A_50 = arith.muli %add3A_44, %mul3A_49 : i32
          "tpu.region"() ({
            %run_scoped3A = tpu.sem_alloc : memref<!tpu.dma_semaphore, #tpu.memory_space<semaphore_mem>>
            %dma_start3A = tpu.memref_slice %arg2[%mul3A_50] : memref<320000xi32, #tpu.memory_space<hbm>> -> memref<128xi32, #tpu.memory_space<hbm>>
            %dma_start3A_51 = tpu.memref_slice %arg2[%mul3A_50] : memref<320000xi32, #tpu.memory_space<hbm>> -> memref<128xi32, #tpu.memory_space<hbm>>
            tpu.enqueue_dma source(%dma_start3A_51 : memref<128xi32, #tpu.memory_space<hbm>>) target(%arg8 : memref<128xi32, #tpu.memory_space<vmem>>) target_semaphore(%run_scoped3A : memref<!tpu.dma_semaphore, #tpu.memory_space<semaphore_mem>>)
            %dma_wait3A = tpu.memref_slice %arg2[%mul3A_50] : memref<320000xi32, #tpu.memory_space<hbm>> -> memref<128xi32, #tpu.memory_space<hbm>>
            %dma_wait3A_52 = tpu.memref_slice %arg2[%mul3A_50] : memref<320000xi32, #tpu.memory_space<hbm>> -> memref<128xi32, #tpu.memory_space<hbm>>
            tpu.wait_dma2 semaphore(%run_scoped3A : memref<!tpu.dma_semaphore, #tpu.memory_space<semaphore_mem>>) src(%dma_wait3A_52 : memref<128xi32, #tpu.memory_space<hbm>>) dst(%arg8 : memref<128xi32, #tpu.memory_space<vmem>>)
            tpu.yield
          }) : () -> ()
          "tpu.region"() ({
            %run_scoped3A = tpu.sem_alloc : memref<!tpu.dma_semaphore, #tpu.memory_space<semaphore_mem>>
            %dma_start3A = arith.constant 0 : i32
            %dma_start3A_51 = arith.constant 0 : i32
            %dma_start3A_52 = tpu.memref_slice %arg6[%dma_start3A, %dma_start3A_51] : memref<10240x128xf32, #tpu.memory_space<vmem_shared>> -> memref<10240x128xf32, #tpu.memory_space<vmem_shared>>
            tpu.enqueue_indirect_dma source(%arg7 : memref<128x128xf32, #tpu.memory_space<vmem>>) target(%dma_start3A_52 : memref<10240x128xf32, #tpu.memory_space<vmem_shared>>) offsets(%arg8 : memref<128xi32, #tpu.memory_space<vmem>>) semaphore(%run_scoped3A : memref<!tpu.dma_semaphore, #tpu.memory_space<semaphore_mem>>) {add = true}
            %dma_wait3A = arith.constant 0 : i32
            %dma_wait3A_53 = arith.constant 0 : i32
            %dma_wait3A_54 = tpu.memref_slice %arg6[%dma_wait3A, %dma_wait3A_53] : memref<10240x128xf32, #tpu.memory_space<vmem_shared>> -> memref<10240x128xf32, #tpu.memory_space<vmem_shared>>
            tpu.wait_indirect_dma semaphore(%run_scoped3A : memref<!tpu.dma_semaphore, #tpu.memory_space<semaphore_mem>>) src(%arg7 : memref<128x128xf32, #tpu.memory_space<vmem>>) dst(%dma_wait3A_54 : memref<10240x128xf32, #tpu.memory_space<vmem_shared>>)
            tpu.yield
          }) : () -> ()
        } else {
        }
      }
      %scan3A_37 = arith.constant 157 : i32
    } else {
    }
    %eq3A_16 = arith.constant 1 : i32
    %eq3A_17 = arith.cmpi eq, %arg0, %eq3A_16 : i32
    %convert_element_type3A_18 = arith.extui %eq3A_17 : i1 to i32
    %cond3A_19 = arith.constant 0 : i32
    %cond3A_20 = arith.cmpi ne, %convert_element_type3A_18, %cond3A_19 : i32
    scf.if %cond3A_20 {
      %scan3A_33 = arith.constant 0 : i32
      %scan3A_34 = arith.constant 157 : i32
      %scan3A_35 = arith.addi %scan3A_33, %scan3A_34 : i32
      %scan3A_36 = arith.constant 1 : i32
      scf.for %scan3A_38 = %scan3A_33 to %scan3A_35 step %scan3A_36  : i32 {
        %mul3A_39 = arith.constant 1 : i32
        %mul3A_40 = arith.muli %scan3A_38, %mul3A_39 : i32
        %add3A = arith.constant 0 : i32
        %add3A_41 = arith.addi %add3A, %mul3A_40 : i32
        %mul3A_42 = arith.constant 16 : i32
        %mul3A_43 = arith.muli %add3A_41, %mul3A_42 : i32
        %add3A_44 = arith.addi %mul3A_43, %arg1 : i32
        %lt3A = arith.constant 2500 : i32
        %lt3A_45 = arith.cmpi slt, %add3A_44, %lt3A : i32
        %convert_element_type3A_46 = arith.extui %lt3A_45 : i1 to i32
        %cond3A_47 = arith.constant 0 : i32
        %cond3A_48 = arith.cmpi ne, %convert_element_type3A_46, %cond3A_47 : i32
        scf.if %cond3A_48 {
          %mul3A_49 = arith.constant 128 : i32
          %mul3A_50 = arith.muli %add3A_44, %mul3A_49 : i32
          "tpu.region"() ({
            %run_scoped3A = tpu.sem_alloc : memref<!tpu.dma_semaphore, #tpu.memory_space<semaphore_mem>>
            %dma_start3A = tpu.memref_slice %arg3[%mul3A_50] : memref<320000xi32, #tpu.memory_space<hbm>> -> memref<128xi32, #tpu.memory_space<hbm>>
            %dma_start3A_51 = tpu.memref_slice %arg3[%mul3A_50] : memref<320000xi32, #tpu.memory_space<hbm>> -> memref<128xi32, #tpu.memory_space<hbm>>
            tpu.enqueue_dma source(%dma_start3A_51 : memref<128xi32, #tpu.memory_space<hbm>>) target(%arg8 : memref<128xi32, #tpu.memory_space<vmem>>) target_semaphore(%run_scoped3A : memref<!tpu.dma_semaphore, #tpu.memory_space<semaphore_mem>>)
            %dma_wait3A = tpu.memref_slice %arg3[%mul3A_50] : memref<320000xi32, #tpu.memory_space<hbm>> -> memref<128xi32, #tpu.memory_space<hbm>>
            %dma_wait3A_52 = tpu.memref_slice %arg3[%mul3A_50] : memref<320000xi32, #tpu.memory_space<hbm>> -> memref<128xi32, #tpu.memory_space<hbm>>
            tpu.wait_dma2 semaphore(%run_scoped3A : memref<!tpu.dma_semaphore, #tpu.memory_space<semaphore_mem>>) src(%dma_wait3A_52 : memref<128xi32, #tpu.memory_space<hbm>>) dst(%arg8 : memref<128xi32, #tpu.memory_space<vmem>>)
            tpu.yield
          }) : () -> ()
          "tpu.region"() ({
            %run_scoped3A = tpu.sem_alloc : memref<!tpu.dma_semaphore, #tpu.memory_space<semaphore_mem>>
            %dma_start3A = arith.constant 0 : i32
            %dma_start3A_51 = arith.constant 0 : i32
            %dma_start3A_52 = tpu.memref_slice %arg6[%dma_start3A, %dma_start3A_51] : memref<10240x128xf32, #tpu.memory_space<vmem_shared>> -> memref<10240x128xf32, #tpu.memory_space<vmem_shared>>
            tpu.enqueue_indirect_dma source(%arg7 : memref<128x128xf32, #tpu.memory_space<vmem>>) target(%dma_start3A_52 : memref<10240x128xf32, #tpu.memory_space<vmem_shared>>) offsets(%arg8 : memref<128xi32, #tpu.memory_space<vmem>>) semaphore(%run_scoped3A : memref<!tpu.dma_semaphore, #tpu.memory_space<semaphore_mem>>) {add = true}
            %dma_wait3A = arith.constant 0 : i32
            %dma_wait3A_53 = arith.constant 0 : i32
            %dma_wait3A_54 = tpu.memref_slice %arg6[%dma_wait3A, %dma_wait3A_53] : memref<10240x128xf32, #tpu.memory_space<vmem_shared>> -> memref<10240x128xf32, #tpu.memory_space<vmem_shared>>
            tpu.wait_indirect_dma semaphore(%run_scoped3A : memref<!tpu.dma_semaphore, #tpu.memory_space<semaphore_mem>>) src(%arg7 : memref<128x128xf32, #tpu.memory_space<vmem>>) dst(%dma_wait3A_54 : memref<10240x128xf32, #tpu.memory_space<vmem_shared>>)
            tpu.yield
          }) : () -> ()
        } else {
        }
      }
      %scan3A_37 = arith.constant 157 : i32
    } else {
    }
    %barrier3A_21 = arith.constant 0 : index
    tpu.barrier barrier_id(%barrier3A_21)
    %mul3A = arith.constant 640 : i32
    %mul3A_22 = arith.muli %arg1, %mul3A : i32
    %eq3A_23 = arith.constant 0 : i32
    %eq3A_24 = arith.cmpi eq, %arg0, %eq3A_23 : i32
    %convert_element_type3A_25 = arith.extui %eq3A_24 : i1 to i32
    %cond3A_26 = arith.constant 0 : i32
    %cond3A_27 = arith.cmpi ne, %convert_element_type3A_25, %cond3A_26 : i32
    scf.if %cond3A_27 {
      "tpu.region"() ({
        %run_scoped3A = tpu.sem_alloc : memref<!tpu.dma_semaphore, #tpu.memory_space<semaphore_mem>>
        %dma_start3A = arith.constant 0 : i32
        %dma_start3A_33 = tpu.memref_slice %arg4[%mul3A_22, %dma_start3A] : memref<10240x128xf32, #tpu.memory_space<hbm>> -> memref<640x128xf32, #tpu.memory_space<hbm>>
        %dma_start3A_34 = arith.constant 0 : i32
        %dma_start3A_35 = tpu.memref_slice %arg6[%mul3A_22, %dma_start3A_34] : memref<10240x128xf32, #tpu.memory_space<vmem_shared>> -> memref<640x128xf32, #tpu.memory_space<vmem_shared>>
        tpu.enqueue_dma source(%dma_start3A_35 : memref<640x128xf32, #tpu.memory_space<vmem_shared>>) target(%dma_start3A_33 : memref<640x128xf32, #tpu.memory_space<hbm>>) target_semaphore(%run_scoped3A : memref<!tpu.dma_semaphore, #tpu.memory_space<semaphore_mem>>)
        %dma_wait3A = arith.constant 0 : i32
        %dma_wait3A_36 = tpu.memref_slice %arg4[%mul3A_22, %dma_wait3A] : memref<10240x128xf32, #tpu.memory_space<hbm>> -> memref<640x128xf32, #tpu.memory_space<hbm>>
        %dma_wait3A_37 = arith.constant 0 : i32
        %dma_wait3A_38 = tpu.memref_slice %arg6[%mul3A_22, %dma_wait3A_37] : memref<10240x128xf32, #tpu.memory_space<vmem_shared>> -> memref<640x128xf32, #tpu.memory_space<vmem_shared>>
        tpu.wait_dma2 semaphore(%run_scoped3A : memref<!tpu.dma_semaphore, #tpu.memory_space<semaphore_mem>>) src(%dma_wait3A_38 : memref<640x128xf32, #tpu.memory_space<vmem_shared>>) dst(%dma_wait3A_36 : memref<640x128xf32, #tpu.memory_space<hbm>>)
        tpu.yield
      }) : () -> ()
    } else {
    }
    %eq3A_28 = arith.constant 1 : i32
    %eq3A_29 = arith.cmpi eq, %arg0, %eq3A_28 : i32
    %convert_element_type3A_30 = arith.extui %eq3A_29 : i1 to i32
    %cond3A_31 = arith.constant 0 : i32
    %cond3A_32 = arith.cmpi ne, %convert_element_type3A_30, %cond3A_31 : i32
    scf.if %cond3A_32 {
      "tpu.region"() ({
        %run_scoped3A = tpu.sem_alloc : memref<!tpu.dma_semaphore, #tpu.memory_space<semaphore_mem>>
        %dma_start3A = arith.constant 0 : i32
        %dma_start3A_33 = tpu.memref_slice %arg5[%mul3A_22, %dma_start3A] : memref<10240x128xf32, #tpu.memory_space<hbm>> -> memref<640x128xf32, #tpu.memory_space<hbm>>
        %dma_start3A_34 = arith.constant 0 : i32
        %dma_start3A_35 = tpu.memref_slice %arg6[%mul3A_22, %dma_start3A_34] : memref<10240x128xf32, #tpu.memory_space<vmem_shared>> -> memref<640x128xf32, #tpu.memory_space<vmem_shared>>
        tpu.enqueue_dma source(%dma_start3A_35 : memref<640x128xf32, #tpu.memory_space<vmem_shared>>) target(%dma_start3A_33 : memref<640x128xf32, #tpu.memory_space<hbm>>) target_semaphore(%run_scoped3A : memref<!tpu.dma_semaphore, #tpu.memory_space<semaphore_mem>>)
        %dma_wait3A = arith.constant 0 : i32
        %dma_wait3A_36 = tpu.memref_slice %arg5[%mul3A_22, %dma_wait3A] : memref<10240x128xf32, #tpu.memory_space<hbm>> -> memref<640x128xf32, #tpu.memory_space<hbm>>
        %dma_wait3A_37 = arith.constant 0 : i32
        %dma_wait3A_38 = tpu.memref_slice %arg6[%mul3A_22, %dma_wait3A_37] : memref<10240x128xf32, #tpu.memory_space<vmem_shared>> -> memref<640x128xf32, #tpu.memory_space<vmem_shared>>
        tpu.wait_dma2 semaphore(%run_scoped3A : memref<!tpu.dma_semaphore, #tpu.memory_space<semaphore_mem>>) src(%dma_wait3A_38 : memref<640x128xf32, #tpu.memory_space<vmem_shared>>) dst(%dma_wait3A_36 : memref<640x128xf32, #tpu.memory_space<hbm>>)
        tpu.yield
      }) : () -> ()
    } else {
    }
    return
  }
}

#map = affine_map<(d0, d1) -> (0, 0)>
#map1 = affine_map<(d0, d1) -> (0, 0, 0)>
module attributes {stable_mosaic.version = 14 : i64} {
  func.func @_gather_body(%arg0: i32, %arg1: i32, %arg2: memref<10000x128xf32, #tpu.memory_space<hbm>>, %arg3: memref<10000x128xf32, #tpu.memory_space<hbm>>, %arg4: memref<32x125x80xi32, #tpu.memory_space<hbm>>, %arg5: memref<32x125x80xi32, #tpu.memory_space<hbm>>, %arg6: memref<320000x128xf32, #tpu.memory_space<hbm>>, %arg7: memref<125x80xi32, #tpu.memory_space<vmem>>, %arg8: memref<125x80xi32, #tpu.memory_space<vmem>>, %arg9: memref<80x128xf32, #tpu.memory_space<vmem>>, %arg10: memref<80x128xf32, #tpu.memory_space<vmem>>, %arg11: memref<80x128xf32, #tpu.memory_space<vmem>>, %arg12: memref<80x128xf32, #tpu.memory_space<vmem>>, %arg13: memref<!tpu.dma_semaphore, #tpu.memory_space<semaphore_mem>>, %arg14: memref<!tpu.dma_semaphore, #tpu.memory_space<semaphore_mem>>, %arg15: memref<!tpu.dma_semaphore, #tpu.memory_space<semaphore_mem>>, %arg16: memref<!tpu.dma_semaphore, #tpu.memory_space<semaphore_mem>>, %arg17: memref<!tpu.dma_semaphore, #tpu.memory_space<semaphore_mem>>, %arg18: memref<!tpu.dma_semaphore, #tpu.memory_space<semaphore_mem>>) attributes {dimension_semantics = [#tpu.dimension_semantics<core_parallel>, #tpu.dimension_semantics<subcore_parallel>], iteration_bounds = array<i64: 2, 16>, scalar_prefetch = 0 : i64, scratch_operands = 12 : i64, tpu.core_type = #tpu.core_type<sc_vector_subcore>, window_params = [{transform_indices = #map}, {transform_indices = #map}, {transform_indices = #map1}, {transform_indices = #map1}, {transform_indices = #map}]} {
    %mul3A = arith.constant 2 : i32
    %mul3A_0 = arith.muli %arg1, %mul3A : i32
    %add3A = arith.addi %mul3A_0, %arg0 : i32
    %mul3A_1 = arith.constant 10000 : i32
    %mul3A_2 = arith.muli %add3A, %mul3A_1 : i32
    "tpu.region"() ({
      %run_scoped3A = tpu.sem_alloc : memref<!tpu.dma_semaphore, #tpu.memory_space<semaphore_mem>>
      %dma_start3A_25 = arith.constant 0 : i32
      %dma_start3A_26 = arith.constant 0 : i32
      %dma_start3A_27 = tpu.memref_slice %arg4[%add3A, %dma_start3A_25, %dma_start3A_26] : memref<32x125x80xi32, #tpu.memory_space<hbm>> -> memref<1x125x80xi32, #tpu.memory_space<hbm>>
      %dma_start3A_28 = tpu.memref_squeeze %dma_start3A_27 : memref<1x125x80xi32, #tpu.memory_space<hbm>> -> memref<125x80xi32, #tpu.memory_space<hbm>>
      %dma_start3A_29 = arith.constant 0 : i32
      %dma_start3A_30 = arith.constant 0 : i32
      %dma_start3A_31 = tpu.memref_slice %arg4[%add3A, %dma_start3A_29, %dma_start3A_30] : memref<32x125x80xi32, #tpu.memory_space<hbm>> -> memref<1x125x80xi32, #tpu.memory_space<hbm>>
      %dma_start3A_32 = tpu.memref_squeeze %dma_start3A_31 : memref<1x125x80xi32, #tpu.memory_space<hbm>> -> memref<125x80xi32, #tpu.memory_space<hbm>>
      tpu.enqueue_dma source(%dma_start3A_32 : memref<125x80xi32, #tpu.memory_space<hbm>>) target(%arg7 : memref<125x80xi32, #tpu.memory_space<vmem>>) target_semaphore(%run_scoped3A : memref<!tpu.dma_semaphore, #tpu.memory_space<semaphore_mem>>)
      %dma_wait3A_33 = arith.constant 0 : i32
      %dma_wait3A_34 = arith.constant 0 : i32
      %dma_wait3A_35 = tpu.memref_slice %arg4[%add3A, %dma_wait3A_33, %dma_wait3A_34] : memref<32x125x80xi32, #tpu.memory_space<hbm>> -> memref<1x125x80xi32, #tpu.memory_space<hbm>>
      %dma_wait3A_36 = tpu.memref_squeeze %dma_wait3A_35 : memref<1x125x80xi32, #tpu.memory_space<hbm>> -> memref<125x80xi32, #tpu.memory_space<hbm>>
      %dma_wait3A_37 = arith.constant 0 : i32
      %dma_wait3A_38 = arith.constant 0 : i32
      %dma_wait3A_39 = tpu.memref_slice %arg4[%add3A, %dma_wait3A_37, %dma_wait3A_38] : memref<32x125x80xi32, #tpu.memory_space<hbm>> -> memref<1x125x80xi32, #tpu.memory_space<hbm>>
      %dma_wait3A_40 = tpu.memref_squeeze %dma_wait3A_39 : memref<1x125x80xi32, #tpu.memory_space<hbm>> -> memref<125x80xi32, #tpu.memory_space<hbm>>
      tpu.wait_dma2 semaphore(%run_scoped3A : memref<!tpu.dma_semaphore, #tpu.memory_space<semaphore_mem>>) src(%dma_wait3A_40 : memref<125x80xi32, #tpu.memory_space<hbm>>) dst(%arg7 : memref<125x80xi32, #tpu.memory_space<vmem>>)
      tpu.yield
    }) : () -> ()
    "tpu.region"() ({
      %run_scoped3A = tpu.sem_alloc : memref<!tpu.dma_semaphore, #tpu.memory_space<semaphore_mem>>
      %dma_start3A_25 = arith.constant 0 : i32
      %dma_start3A_26 = arith.constant 0 : i32
      %dma_start3A_27 = tpu.memref_slice %arg5[%add3A, %dma_start3A_25, %dma_start3A_26] : memref<32x125x80xi32, #tpu.memory_space<hbm>> -> memref<1x125x80xi32, #tpu.memory_space<hbm>>
      %dma_start3A_28 = tpu.memref_squeeze %dma_start3A_27 : memref<1x125x80xi32, #tpu.memory_space<hbm>> -> memref<125x80xi32, #tpu.memory_space<hbm>>
      %dma_start3A_29 = arith.constant 0 : i32
      %dma_start3A_30 = arith.constant 0 : i32
      %dma_start3A_31 = tpu.memref_slice %arg5[%add3A, %dma_start3A_29, %dma_start3A_30] : memref<32x125x80xi32, #tpu.memory_space<hbm>> -> memref<1x125x80xi32, #tpu.memory_space<hbm>>
      %dma_start3A_32 = tpu.memref_squeeze %dma_start3A_31 : memref<1x125x80xi32, #tpu.memory_space<hbm>> -> memref<125x80xi32, #tpu.memory_space<hbm>>
      tpu.enqueue_dma source(%dma_start3A_32 : memref<125x80xi32, #tpu.memory_space<hbm>>) target(%arg8 : memref<125x80xi32, #tpu.memory_space<vmem>>) target_semaphore(%run_scoped3A : memref<!tpu.dma_semaphore, #tpu.memory_space<semaphore_mem>>)
      %dma_wait3A_33 = arith.constant 0 : i32
      %dma_wait3A_34 = arith.constant 0 : i32
      %dma_wait3A_35 = tpu.memref_slice %arg5[%add3A, %dma_wait3A_33, %dma_wait3A_34] : memref<32x125x80xi32, #tpu.memory_space<hbm>> -> memref<1x125x80xi32, #tpu.memory_space<hbm>>
      %dma_wait3A_36 = tpu.memref_squeeze %dma_wait3A_35 : memref<1x125x80xi32, #tpu.memory_space<hbm>> -> memref<125x80xi32, #tpu.memory_space<hbm>>
      %dma_wait3A_37 = arith.constant 0 : i32
      %dma_wait3A_38 = arith.constant 0 : i32
      %dma_wait3A_39 = tpu.memref_slice %arg5[%add3A, %dma_wait3A_37, %dma_wait3A_38] : memref<32x125x80xi32, #tpu.memory_space<hbm>> -> memref<1x125x80xi32, #tpu.memory_space<hbm>>
      %dma_wait3A_40 = tpu.memref_squeeze %dma_wait3A_39 : memref<1x125x80xi32, #tpu.memory_space<hbm>> -> memref<125x80xi32, #tpu.memory_space<hbm>>
      tpu.wait_dma2 semaphore(%run_scoped3A : memref<!tpu.dma_semaphore, #tpu.memory_space<semaphore_mem>>) src(%dma_wait3A_40 : memref<125x80xi32, #tpu.memory_space<hbm>>) dst(%arg8 : memref<125x80xi32, #tpu.memory_space<vmem>>)
      tpu.yield
    }) : () -> ()
    %dma_start3A = arith.constant 0 : i32
    %dma_start3A_3 = arith.constant 0 : i32
    %dma_start3A_4 = tpu.memref_slice %arg7[%dma_start3A, %dma_start3A_3] : memref<125x80xi32, #tpu.memory_space<vmem>> -> memref<1x80xi32, #tpu.memory_space<vmem>>
    %dma_start3A_5 = tpu.memref_squeeze %dma_start3A_4 : memref<1x80xi32, #tpu.memory_space<vmem>> -> memref<80xi32, #tpu.memory_space<vmem>>
    %dma_start3A_6 = arith.constant 0 : i32
    %dma_start3A_7 = arith.constant 0 : i32
    %dma_start3A_8 = tpu.memref_slice %arg2[%dma_start3A_6, %dma_start3A_7] : memref<10000x128xf32, #tpu.memory_space<hbm>> -> memref<10000x128xf32, #tpu.memory_space<hbm>>
    tpu.enqueue_indirect_dma source(%dma_start3A_8 : memref<10000x128xf32, #tpu.memory_space<hbm>>) target(%arg9 : memref<80x128xf32, #tpu.memory_space<vmem>>) offsets(%dma_start3A_5 : memref<80xi32, #tpu.memory_space<vmem>>) semaphore(%arg13 : memref<!tpu.dma_semaphore, #tpu.memory_space<semaphore_mem>>)
    %dma_start3A_9 = arith.constant 0 : i32
    %dma_start3A_10 = arith.constant 0 : i32
    %dma_start3A_11 = tpu.memref_slice %arg8[%dma_start3A_9, %dma_start3A_10] : memref<125x80xi32, #tpu.memory_space<vmem>> -> memref<1x80xi32, #tpu.memory_space<vmem>>
    %dma_start3A_12 = tpu.memref_squeeze %dma_start3A_11 : memref<1x80xi32, #tpu.memory_space<vmem>> -> memref<80xi32, #tpu.memory_space<vmem>>
    %dma_start3A_13 = arith.constant 0 : i32
    %dma_start3A_14 = arith.constant 0 : i32
    %dma_start3A_15 = tpu.memref_slice %arg3[%dma_start3A_13, %dma_start3A_14] : memref<10000x128xf32, #tpu.memory_space<hbm>> -> memref<10000x128xf32, #tpu.memory_space<hbm>>
    tpu.enqueue_indirect_dma source(%dma_start3A_15 : memref<10000x128xf32, #tpu.memory_space<hbm>>) target(%arg11 : memref<80x128xf32, #tpu.memory_space<vmem>>) offsets(%dma_start3A_12 : memref<80xi32, #tpu.memory_space<vmem>>) semaphore(%arg15 : memref<!tpu.dma_semaphore, #tpu.memory_space<semaphore_mem>>)
    %scan3A = arith.constant 0 : i32
    %scan3A_16 = arith.constant 63 : i32
    %scan3A_17 = arith.addi %scan3A, %scan3A_16 : i32
    %scan3A_18 = arith.constant 1 : i32
    scf.for %scan3A_25 = %scan3A to %scan3A_17 step %scan3A_18  : i32 {
      %mul3A_26 = arith.constant 1 : i32
      %mul3A_27 = arith.muli %scan3A_25, %mul3A_26 : i32
      %add3A_28 = arith.constant 0 : i32
      %add3A_29 = arith.addi %add3A_28, %mul3A_27 : i32
      %mul3A_30 = arith.constant 2 : i32
      %mul3A_31 = arith.muli %mul3A_30, %add3A_29 : i32
      %lt3A = arith.constant 125 : i32
      %lt3A_32 = arith.cmpi slt, %mul3A_31, %lt3A : i32
      %convert_element_type3A = arith.extui %lt3A_32 : i1 to i32
      %cond3A = arith.constant 0 : i32
      %cond3A_33 = arith.cmpi ne, %convert_element_type3A, %cond3A : i32
      scf.if %cond3A_33 {
        %dma_wait3A_43 = arith.constant 0 : i32
        %dma_wait3A_44 = tpu.memref_slice %arg7[%mul3A_31, %dma_wait3A_43] : memref<125x80xi32, #tpu.memory_space<vmem>> -> memref<1x80xi32, #tpu.memory_space<vmem>>
        %dma_wait3A_45 = tpu.memref_squeeze %dma_wait3A_44 : memref<1x80xi32, #tpu.memory_space<vmem>> -> memref<80xi32, #tpu.memory_space<vmem>>
        %dma_wait3A_46 = arith.constant 0 : i32
        %dma_wait3A_47 = arith.constant 0 : i32
        %dma_wait3A_48 = tpu.memref_slice %arg2[%dma_wait3A_46, %dma_wait3A_47] : memref<10000x128xf32, #tpu.memory_space<hbm>> -> memref<10000x128xf32, #tpu.memory_space<hbm>>
        tpu.wait_indirect_dma semaphore(%arg13 : memref<!tpu.dma_semaphore, #tpu.memory_space<semaphore_mem>>) src(%dma_wait3A_48 : memref<10000x128xf32, #tpu.memory_space<hbm>>) dst(%arg9 : memref<80x128xf32, #tpu.memory_space<vmem>>)
        %dma_wait3A_49 = arith.constant 0 : i32
        %dma_wait3A_50 = tpu.memref_slice %arg8[%mul3A_31, %dma_wait3A_49] : memref<125x80xi32, #tpu.memory_space<vmem>> -> memref<1x80xi32, #tpu.memory_space<vmem>>
        %dma_wait3A_51 = tpu.memref_squeeze %dma_wait3A_50 : memref<1x80xi32, #tpu.memory_space<vmem>> -> memref<80xi32, #tpu.memory_space<vmem>>
        %dma_wait3A_52 = arith.constant 0 : i32
        %dma_wait3A_53 = arith.constant 0 : i32
        %dma_wait3A_54 = tpu.memref_slice %arg3[%dma_wait3A_52, %dma_wait3A_53] : memref<10000x128xf32, #tpu.memory_space<hbm>> -> memref<10000x128xf32, #tpu.memory_space<hbm>>
        tpu.wait_indirect_dma semaphore(%arg15 : memref<!tpu.dma_semaphore, #tpu.memory_space<semaphore_mem>>) src(%dma_wait3A_54 : memref<10000x128xf32, #tpu.memory_space<hbm>>) dst(%arg11 : memref<80x128xf32, #tpu.memory_space<vmem>>)
        %ge3A = arith.constant 1 : i32
        %ge3A_55 = arith.cmpi sge, %mul3A_31, %ge3A : i32
        %convert_element_type3A_56 = arith.extui %ge3A_55 : i1 to i32
        %cond3A_57 = arith.constant 0 : i32
        %cond3A_58 = arith.cmpi ne, %convert_element_type3A_56, %cond3A_57 : i32
        scf.if %cond3A_58 {
          %sub3A = arith.constant 1 : i32
          %sub3A_78 = arith.subi %mul3A_31, %sub3A : i32
          %mul3A_79 = arith.constant 80 : i32
          %mul3A_80 = arith.muli %sub3A_78, %mul3A_79 : i32
          %add3A_81 = arith.addi %mul3A_2, %mul3A_80 : i32
          %dma_wait3A_82 = arith.constant 0 : i32
          %dma_wait3A_83 = tpu.memref_slice %arg6[%add3A_81, %dma_wait3A_82] : memref<320000x128xf32, #tpu.memory_space<hbm>> -> memref<80x128xf32, #tpu.memory_space<hbm>>
          %dma_wait3A_84 = arith.constant 0 : i32
          %dma_wait3A_85 = tpu.memref_slice %arg6[%add3A_81, %dma_wait3A_84] : memref<320000x128xf32, #tpu.memory_space<hbm>> -> memref<80x128xf32, #tpu.memory_space<hbm>>
          tpu.wait_dma2 semaphore(%arg18 : memref<!tpu.dma_semaphore, #tpu.memory_space<semaphore_mem>>) src(%arg10 : memref<80x128xf32, #tpu.memory_space<vmem>>) dst(%dma_wait3A_85 : memref<80x128xf32, #tpu.memory_space<hbm>>)
        } else {
        }
        %add3A_59 = arith.constant 1 : i32
        %add3A_60 = arith.addi %mul3A_31, %add3A_59 : i32
        %lt3A_61 = arith.constant 125 : i32
        %lt3A_62 = arith.cmpi slt, %add3A_60, %lt3A_61 : i32
        %convert_element_type3A_63 = arith.extui %lt3A_62 : i1 to i32
        %cond3A_64 = arith.constant 0 : i32
        %cond3A_65 = arith.cmpi ne, %convert_element_type3A_63, %cond3A_64 : i32
        scf.if %cond3A_65 {
          %add3A_78 = arith.constant 1 : i32
          %add3A_79 = arith.addi %mul3A_31, %add3A_78 : i32
          %dma_start3A_80 = arith.constant 0 : i32
          %dma_start3A_81 = tpu.memref_slice %arg7[%add3A_79, %dma_start3A_80] : memref<125x80xi32, #tpu.memory_space<vmem>> -> memref<1x80xi32, #tpu.memory_space<vmem>>
          %dma_start3A_82 = tpu.memref_squeeze %dma_start3A_81 : memref<1x80xi32, #tpu.memory_space<vmem>> -> memref<80xi32, #tpu.memory_space<vmem>>
          %dma_start3A_83 = arith.constant 0 : i32
          %dma_start3A_84 = arith.constant 0 : i32
          %dma_start3A_85 = tpu.memref_slice %arg2[%dma_start3A_83, %dma_start3A_84] : memref<10000x128xf32, #tpu.memory_space<hbm>> -> memref<10000x128xf32, #tpu.memory_space<hbm>>
          tpu.enqueue_indirect_dma source(%dma_start3A_85 : memref<10000x128xf32, #tpu.memory_space<hbm>>) target(%arg10 : memref<80x128xf32, #tpu.memory_space<vmem>>) offsets(%dma_start3A_82 : memref<80xi32, #tpu.memory_space<vmem>>) semaphore(%arg14 : memref<!tpu.dma_semaphore, #tpu.memory_space<semaphore_mem>>)
          %dma_start3A_86 = arith.constant 0 : i32
          %dma_start3A_87 = tpu.memref_slice %arg8[%add3A_79, %dma_start3A_86] : memref<125x80xi32, #tpu.memory_space<vmem>> -> memref<1x80xi32, #tpu.memory_space<vmem>>
          %dma_start3A_88 = tpu.memref_squeeze %dma_start3A_87 : memref<1x80xi32, #tpu.memory_space<vmem>> -> memref<80xi32, #tpu.memory_space<vmem>>
          %dma_start3A_89 = arith.constant 0 : i32
          %dma_start3A_90 = arith.constant 0 : i32
          %dma_start3A_91 = tpu.memref_slice %arg3[%dma_start3A_89, %dma_start3A_90] : memref<10000x128xf32, #tpu.memory_space<hbm>> -> memref<10000x128xf32, #tpu.memory_space<hbm>>
          tpu.enqueue_indirect_dma source(%dma_start3A_91 : memref<10000x128xf32, #tpu.memory_space<hbm>>) target(%arg12 : memref<80x128xf32, #tpu.memory_space<vmem>>) offsets(%dma_start3A_88 : memref<80xi32, #tpu.memory_space<vmem>>) semaphore(%arg16 : memref<!tpu.dma_semaphore, #tpu.memory_space<semaphore_mem>>)
        } else {
        }
        %scan3A_66 = arith.constant 0 : i32
        %scan3A_67 = arith.constant 80 : i32
        %scan3A_68 = arith.addi %scan3A_66, %scan3A_67 : i32
        %scan3A_69 = arith.constant 1 : i32
        scf.for %scan3A_78 = %scan3A_66 to %scan3A_68 step %scan3A_69  : i32 {
          %mul3A_79 = arith.constant 1 : i32
          %mul3A_80 = arith.muli %scan3A_78, %mul3A_79 : i32
          %add3A_81 = arith.constant 0 : i32
          %add3A_82 = arith.addi %add3A_81, %mul3A_80 : i32
          %get3A = arith.index_cast %add3A_82 : i32 to index
          %get3A_83 = arith.constant 0 : index
          %get3A_84 = tpu.vector_load %arg9[%get3A, %get3A_83] {strides = array<i32>} : memref<80x128xf32, #tpu.memory_space<vmem>>, vector<1x16xf32>,
          %get3A_85 = vector.shape_cast %get3A_84 : vector<1x16xf32> to vector<16xf32>
          %get3A_86 = arith.index_cast %add3A_82 : i32 to index
          %get3A_87 = arith.constant 0 : index
          %get3A_88 = tpu.vector_load %arg11[%get3A_86, %get3A_87] {strides = array<i32>} : memref<80x128xf32, #tpu.memory_space<vmem>>, vector<1x16xf32>,
          %get3A_89 = vector.shape_cast %get3A_88 : vector<1x16xf32> to vector<16xf32>
          %add3A_90 = arith.addf %get3A_85, %get3A_89 : vector<16xf32>
          %swap3A = arith.index_cast %add3A_82 : i32 to index
          %swap3A_91 = arith.constant 0 : index
          %swap3A_92 = tpu.vector_load %arg9[%swap3A, %swap3A_91] {strides = array<i32>} : memref<80x128xf32, #tpu.memory_space<vmem>>, vector<1x16xf32>,
          %swap3A_93 = vector.shape_cast %swap3A_92 : vector<1x16xf32> to vector<16xf32>
          %swap3A_94 = vector.shape_cast %add3A_90 : vector<16xf32> to vector<1x16xf32>
          tpu.vector_store %arg9[%swap3A, %swap3A_91], %swap3A_94 {strides = array<i32>} : memref<80x128xf32, #tpu.memory_space<vmem>>, vector<1x16xf32>,
          %get3A_95 = arith.index_cast %add3A_82 : i32 to index
          %get3A_96 = arith.constant 16 : index
          %get3A_97 = tpu.vector_load %arg9[%get3A_95, %get3A_96] {strides = array<i32>} : memref<80x128xf32, #tpu.memory_space<vmem>>, vector<1x16xf32>,
          %get3A_98 = vector.shape_cast %get3A_97 : vector<1x16xf32> to vector<16xf32>
          %get3A_99 = arith.index_cast %add3A_82 : i32 to index
          %get3A_100 = arith.constant 16 : index
          %get3A_101 = tpu.vector_load %arg11[%get3A_99, %get3A_100] {strides = array<i32>} : memref<80x128xf32, #tpu.memory_space<vmem>>, vector<1x16xf32>,
          %get3A_102 = vector.shape_cast %get3A_101 : vector<1x16xf32> to vector<16xf32>
          %add3A_103 = arith.addf %get3A_98, %get3A_102 : vector<16xf32>
          %swap3A_104 = arith.index_cast %add3A_82 : i32 to index
          %swap3A_105 = arith.constant 16 : index
          %swap3A_106 = tpu.vector_load %arg9[%swap3A_104, %swap3A_105] {strides = array<i32>} : memref<80x128xf32, #tpu.memory_space<vmem>>, vector<1x16xf32>,
          %swap3A_107 = vector.shape_cast %swap3A_106 : vector<1x16xf32> to vector<16xf32>
          %swap3A_108 = vector.shape_cast %add3A_103 : vector<16xf32> to vector<1x16xf32>
          tpu.vector_store %arg9[%swap3A_104, %swap3A_105], %swap3A_108 {strides = array<i32>} : memref<80x128xf32, #tpu.memory_space<vmem>>, vector<1x16xf32>,
          %get3A_109 = arith.index_cast %add3A_82 : i32 to index
          %get3A_110 = arith.constant 32 : index
          %get3A_111 = tpu.vector_load %arg9[%get3A_109, %get3A_110] {strides = array<i32>} : memref<80x128xf32, #tpu.memory_space<vmem>>, vector<1x16xf32>,
          %get3A_112 = vector.shape_cast %get3A_111 : vector<1x16xf32> to vector<16xf32>
          %get3A_113 = arith.index_cast %add3A_82 : i32 to index
          %get3A_114 = arith.constant 32 : index
          %get3A_115 = tpu.vector_load %arg11[%get3A_113, %get3A_114] {strides = array<i32>} : memref<80x128xf32, #tpu.memory_space<vmem>>, vector<1x16xf32>,
          %get3A_116 = vector.shape_cast %get3A_115 : vector<1x16xf32> to vector<16xf32>
          %add3A_117 = arith.addf %get3A_112, %get3A_116 : vector<16xf32>
          %swap3A_118 = arith.index_cast %add3A_82 : i32 to index
          %swap3A_119 = arith.constant 32 : index
          %swap3A_120 = tpu.vector_load %arg9[%swap3A_118, %swap3A_119] {strides = array<i32>} : memref<80x128xf32, #tpu.memory_space<vmem>>, vector<1x16xf32>,
          %swap3A_121 = vector.shape_cast %swap3A_120 : vector<1x16xf32> to vector<16xf32>
          %swap3A_122 = vector.shape_cast %add3A_117 : vector<16xf32> to vector<1x16xf32>
          tpu.vector_store %arg9[%swap3A_118, %swap3A_119], %swap3A_122 {strides = array<i32>} : memref<80x128xf32, #tpu.memory_space<vmem>>, vector<1x16xf32>,
          %get3A_123 = arith.index_cast %add3A_82 : i32 to index
          %get3A_124 = arith.constant 48 : index
          %get3A_125 = tpu.vector_load %arg9[%get3A_123, %get3A_124] {strides = array<i32>} : memref<80x128xf32, #tpu.memory_space<vmem>>, vector<1x16xf32>,
          %get3A_126 = vector.shape_cast %get3A_125 : vector<1x16xf32> to vector<16xf32>
          %get3A_127 = arith.index_cast %add3A_82 : i32 to index
          %get3A_128 = arith.constant 48 : index
          %get3A_129 = tpu.vector_load %arg11[%get3A_127, %get3A_128] {strides = array<i32>} : memref<80x128xf32, #tpu.memory_space<vmem>>, vector<1x16xf32>,
          %get3A_130 = vector.shape_cast %get3A_129 : vector<1x16xf32> to vector<16xf32>
          %add3A_131 = arith.addf %get3A_126, %get3A_130 : vector<16xf32>
          %swap3A_132 = arith.index_cast %add3A_82 : i32 to index
          %swap3A_133 = arith.constant 48 : index
          %swap3A_134 = tpu.vector_load %arg9[%swap3A_132, %swap3A_133] {strides = array<i32>} : memref<80x128xf32, #tpu.memory_space<vmem>>, vector<1x16xf32>,
          %swap3A_135 = vector.shape_cast %swap3A_134 : vector<1x16xf32> to vector<16xf32>
          %swap3A_136 = vector.shape_cast %add3A_131 : vector<16xf32> to vector<1x16xf32>
          tpu.vector_store %arg9[%swap3A_132, %swap3A_133], %swap3A_136 {strides = array<i32>} : memref<80x128xf32, #tpu.memory_space<vmem>>, vector<1x16xf32>,
          %get3A_137 = arith.index_cast %add3A_82 : i32 to index
          %get3A_138 = arith.constant 64 : index
          %get3A_139 = tpu.vector_load %arg9[%get3A_137, %get3A_138] {strides = array<i32>} : memref<80x128xf32, #tpu.memory_space<vmem>>, vector<1x16xf32>,
          %get3A_140 = vector.shape_cast %get3A_139 : vector<1x16xf32> to vector<16xf32>
          %get3A_141 = arith.index_cast %add3A_82 : i32 to index
          %get3A_142 = arith.constant 64 : index
          %get3A_143 = tpu.vector_load %arg11[%get3A_141, %get3A_142] {strides = array<i32>} : memref<80x128xf32, #tpu.memory_space<vmem>>, vector<1x16xf32>,
          %get3A_144 = vector.shape_cast %get3A_143 : vector<1x16xf32> to vector<16xf32>
          %add3A_145 = arith.addf %get3A_140, %get3A_144 : vector<16xf32>
          %swap3A_146 = arith.index_cast %add3A_82 : i32 to index
          %swap3A_147 = arith.constant 64 : index
          %swap3A_148 = tpu.vector_load %arg9[%swap3A_146, %swap3A_147] {strides = array<i32>} : memref<80x128xf32, #tpu.memory_space<vmem>>, vector<1x16xf32>,
          %swap3A_149 = vector.shape_cast %swap3A_148 : vector<1x16xf32> to vector<16xf32>
          %swap3A_150 = vector.shape_cast %add3A_145 : vector<16xf32> to vector<1x16xf32>
          tpu.vector_store %arg9[%swap3A_146, %swap3A_147], %swap3A_150 {strides = array<i32>} : memref<80x128xf32, #tpu.memory_space<vmem>>, vector<1x16xf32>,
          %get3A_151 = arith.index_cast %add3A_82 : i32 to index
          %get3A_152 = arith.constant 80 : index
          %get3A_153 = tpu.vector_load %arg9[%get3A_151, %get3A_152] {strides = array<i32>} : memref<80x128xf32, #tpu.memory_space<vmem>>, vector<1x16xf32>,
          %get3A_154 = vector.shape_cast %get3A_153 : vector<1x16xf32> to vector<16xf32>
          %get3A_155 = arith.index_cast %add3A_82 : i32 to index
          %get3A_156 = arith.constant 80 : index
          %get3A_157 = tpu.vector_load %arg11[%get3A_155, %get3A_156] {strides = array<i32>} : memref<80x128xf32, #tpu.memory_space<vmem>>, vector<1x16xf32>,
          %get3A_158 = vector.shape_cast %get3A_157 : vector<1x16xf32> to vector<16xf32>
          %add3A_159 = arith.addf %get3A_154, %get3A_158 : vector<16xf32>
          %swap3A_160 = arith.index_cast %add3A_82 : i32 to index
          %swap3A_161 = arith.constant 80 : index
          %swap3A_162 = tpu.vector_load %arg9[%swap3A_160, %swap3A_161] {strides = array<i32>} : memref<80x128xf32, #tpu.memory_space<vmem>>, vector<1x16xf32>,
          %swap3A_163 = vector.shape_cast %swap3A_162 : vector<1x16xf32> to vector<16xf32>
          %swap3A_164 = vector.shape_cast %add3A_159 : vector<16xf32> to vector<1x16xf32>
          tpu.vector_store %arg9[%swap3A_160, %swap3A_161], %swap3A_164 {strides = array<i32>} : memref<80x128xf32, #tpu.memory_space<vmem>>, vector<1x16xf32>,
          %get3A_165 = arith.index_cast %add3A_82 : i32 to index
          %get3A_166 = arith.constant 96 : index
          %get3A_167 = tpu.vector_load %arg9[%get3A_165, %get3A_166] {strides = array<i32>} : memref<80x128xf32, #tpu.memory_space<vmem>>, vector<1x16xf32>,
          %get3A_168 = vector.shape_cast %get3A_167 : vector<1x16xf32> to vector<16xf32>
          %get3A_169 = arith.index_cast %add3A_82 : i32 to index
          %get3A_170 = arith.constant 96 : index
          %get3A_171 = tpu.vector_load %arg11[%get3A_169, %get3A_170] {strides = array<i32>} : memref<80x128xf32, #tpu.memory_space<vmem>>, vector<1x16xf32>,
          %get3A_172 = vector.shape_cast %get3A_171 : vector<1x16xf32> to vector<16xf32>
          %add3A_173 = arith.addf %get3A_168, %get3A_172 : vector<16xf32>
          %swap3A_174 = arith.index_cast %add3A_82 : i32 to index
          %swap3A_175 = arith.constant 96 : index
          %swap3A_176 = tpu.vector_load %arg9[%swap3A_174, %swap3A_175] {strides = array<i32>} : memref<80x128xf32, #tpu.memory_space<vmem>>, vector<1x16xf32>,
          %swap3A_177 = vector.shape_cast %swap3A_176 : vector<1x16xf32> to vector<16xf32>
          %swap3A_178 = vector.shape_cast %add3A_173 : vector<16xf32> to vector<1x16xf32>
          tpu.vector_store %arg9[%swap3A_174, %swap3A_175], %swap3A_178 {strides = array<i32>} : memref<80x128xf32, #tpu.memory_space<vmem>>, vector<1x16xf32>,
          %get3A_179 = arith.index_cast %add3A_82 : i32 to index
          %get3A_180 = arith.constant 112 : index
          %get3A_181 = tpu.vector_load %arg9[%get3A_179, %get3A_180] {strides = array<i32>} : memref<80x128xf32, #tpu.memory_space<vmem>>, vector<1x16xf32>,
          %get3A_182 = vector.shape_cast %get3A_181 : vector<1x16xf32> to vector<16xf32>
          %get3A_183 = arith.index_cast %add3A_82 : i32 to index
          %get3A_184 = arith.constant 112 : index
          %get3A_185 = tpu.vector_load %arg11[%get3A_183, %get3A_184] {strides = array<i32>} : memref<80x128xf32, #tpu.memory_space<vmem>>, vector<1x16xf32>,
          %get3A_186 = vector.shape_cast %get3A_185 : vector<1x16xf32> to vector<16xf32>
          %add3A_187 = arith.addf %get3A_182, %get3A_186 : vector<16xf32>
          %swap3A_188 = arith.index_cast %add3A_82 : i32 to index
          %swap3A_189 = arith.constant 112 : index
          %swap3A_190 = tpu.vector_load %arg9[%swap3A_188, %swap3A_189] {strides = array<i32>} : memref<80x128xf32, #tpu.memory_space<vmem>>, vector<1x16xf32>,
          %swap3A_191 = vector.shape_cast %swap3A_190 : vector<1x16xf32> to vector<16xf32>
          %swap3A_192 = vector.shape_cast %add3A_187 : vector<16xf32> to vector<1x16xf32>
          tpu.vector_store %arg9[%swap3A_188, %swap3A_189], %swap3A_192 {strides = array<i32>} : memref<80x128xf32, #tpu.memory_space<vmem>>, vector<1x16xf32>,
        }
        %scan3A_70 = arith.constant 80 : i32
        %mul3A_71 = arith.constant 80 : i32
        %mul3A_72 = arith.muli %mul3A_31, %mul3A_71 : i32
        %add3A_73 = arith.addi %mul3A_2, %mul3A_72 : i32
        %dma_start3A_74 = arith.constant 0 : i32
        %dma_start3A_75 = tpu.memref_slice %arg6[%add3A_73, %dma_start3A_74] : memref<320000x128xf32, #tpu.memory_space<hbm>> -> memref<80x128xf32, #tpu.memory_space<hbm>>
        %dma_start3A_76 = arith.constant 0 : i32
        %dma_start3A_77 = tpu.memref_slice %arg6[%add3A_73, %dma_start3A_76] : memref<320000x128xf32, #tpu.memory_space<hbm>> -> memref<80x128xf32, #tpu.memory_space<hbm>>
        tpu.enqueue_dma source(%arg9 : memref<80x128xf32, #tpu.memory_space<vmem>>) target(%dma_start3A_77 : memref<80x128xf32, #tpu.memory_space<hbm>>) target_semaphore(%arg17 : memref<!tpu.dma_semaphore, #tpu.memory_space<semaphore_mem>>)
      } else {
      }
      %mul3A_34 = arith.constant 2 : i32
      %mul3A_35 = arith.muli %mul3A_34, %add3A_29 : i32
      %add3A_36 = arith.constant 1 : i32
      %add3A_37 = arith.addi %mul3A_35, %add3A_36 : i32
      %lt3A_38 = arith.constant 125 : i32
      %lt3A_39 = arith.cmpi slt, %add3A_37, %lt3A_38 : i32
      %convert_element_type3A_40 = arith.extui %lt3A_39 : i1 to i32
      %cond3A_41 = arith.constant 0 : i32
      %cond3A_42 = arith.cmpi ne, %convert_element_type3A_40, %cond3A_41 : i32
      scf.if %cond3A_42 {
        %dma_wait3A_43 = arith.constant 0 : i32
        %dma_wait3A_44 = tpu.memref_slice %arg7[%add3A_37, %dma_wait3A_43] : memref<125x80xi32, #tpu.memory_space<vmem>> -> memref<1x80xi32, #tpu.memory_space<vmem>>
        %dma_wait3A_45 = tpu.memref_squeeze %dma_wait3A_44 : memref<1x80xi32, #tpu.memory_space<vmem>> -> memref<80xi32, #tpu.memory_space<vmem>>
        %dma_wait3A_46 = arith.constant 0 : i32
        %dma_wait3A_47 = arith.constant 0 : i32
        %dma_wait3A_48 = tpu.memref_slice %arg2[%dma_wait3A_46, %dma_wait3A_47] : memref<10000x128xf32, #tpu.memory_space<hbm>> -> memref<10000x128xf32, #tpu.memory_space<hbm>>
        tpu.wait_indirect_dma semaphore(%arg14 : memref<!tpu.dma_semaphore, #tpu.memory_space<semaphore_mem>>) src(%dma_wait3A_48 : memref<10000x128xf32, #tpu.memory_space<hbm>>) dst(%arg10 : memref<80x128xf32, #tpu.memory_space<vmem>>)
        %dma_wait3A_49 = arith.constant 0 : i32
        %dma_wait3A_50 = tpu.memref_slice %arg8[%add3A_37, %dma_wait3A_49] : memref<125x80xi32, #tpu.memory_space<vmem>> -> memref<1x80xi32, #tpu.memory_space<vmem>>
        %dma_wait3A_51 = tpu.memref_squeeze %dma_wait3A_50 : memref<1x80xi32, #tpu.memory_space<vmem>> -> memref<80xi32, #tpu.memory_space<vmem>>
        %dma_wait3A_52 = arith.constant 0 : i32
        %dma_wait3A_53 = arith.constant 0 : i32
        %dma_wait3A_54 = tpu.memref_slice %arg3[%dma_wait3A_52, %dma_wait3A_53] : memref<10000x128xf32, #tpu.memory_space<hbm>> -> memref<10000x128xf32, #tpu.memory_space<hbm>>
        tpu.wait_indirect_dma semaphore(%arg16 : memref<!tpu.dma_semaphore, #tpu.memory_space<semaphore_mem>>) src(%dma_wait3A_54 : memref<10000x128xf32, #tpu.memory_space<hbm>>) dst(%arg12 : memref<80x128xf32, #tpu.memory_space<vmem>>)
        %ge3A = arith.constant 1 : i32
        %ge3A_55 = arith.cmpi sge, %add3A_37, %ge3A : i32
        %convert_element_type3A_56 = arith.extui %ge3A_55 : i1 to i32
        %cond3A_57 = arith.constant 0 : i32
        %cond3A_58 = arith.cmpi ne, %convert_element_type3A_56, %cond3A_57 : i32
        scf.if %cond3A_58 {
          %sub3A = arith.constant 1 : i32
          %sub3A_78 = arith.subi %add3A_37, %sub3A : i32
          %mul3A_79 = arith.constant 80 : i32
          %mul3A_80 = arith.muli %sub3A_78, %mul3A_79 : i32
          %add3A_81 = arith.addi %mul3A_2, %mul3A_80 : i32
          %dma_wait3A_82 = arith.constant 0 : i32
          %dma_wait3A_83 = tpu.memref_slice %arg6[%add3A_81, %dma_wait3A_82] : memref<320000x128xf32, #tpu.memory_space<hbm>> -> memref<80x128xf32, #tpu.memory_space<hbm>>
          %dma_wait3A_84 = arith.constant 0 : i32
          %dma_wait3A_85 = tpu.memref_slice %arg6[%add3A_81, %dma_wait3A_84] : memref<320000x128xf32, #tpu.memory_space<hbm>> -> memref<80x128xf32, #tpu.memory_space<hbm>>
          tpu.wait_dma2 semaphore(%arg17 : memref<!tpu.dma_semaphore, #tpu.memory_space<semaphore_mem>>) src(%arg9 : memref<80x128xf32, #tpu.memory_space<vmem>>) dst(%dma_wait3A_85 : memref<80x128xf32, #tpu.memory_space<hbm>>)
        } else {
        }
        %add3A_59 = arith.constant 1 : i32
        %add3A_60 = arith.addi %add3A_37, %add3A_59 : i32
        %lt3A_61 = arith.constant 125 : i32
        %lt3A_62 = arith.cmpi slt, %add3A_60, %lt3A_61 : i32
        %convert_element_type3A_63 = arith.extui %lt3A_62 : i1 to i32
        %cond3A_64 = arith.constant 0 : i32
        %cond3A_65 = arith.cmpi ne, %convert_element_type3A_63, %cond3A_64 : i32
        scf.if %cond3A_65 {
          %add3A_78 = arith.constant 1 : i32
          %add3A_79 = arith.addi %add3A_37, %add3A_78 : i32
          %dma_start3A_80 = arith.constant 0 : i32
          %dma_start3A_81 = tpu.memref_slice %arg7[%add3A_79, %dma_start3A_80] : memref<125x80xi32, #tpu.memory_space<vmem>> -> memref<1x80xi32, #tpu.memory_space<vmem>>
          %dma_start3A_82 = tpu.memref_squeeze %dma_start3A_81 : memref<1x80xi32, #tpu.memory_space<vmem>> -> memref<80xi32, #tpu.memory_space<vmem>>
          %dma_start3A_83 = arith.constant 0 : i32
          %dma_start3A_84 = arith.constant 0 : i32
          %dma_start3A_85 = tpu.memref_slice %arg2[%dma_start3A_83, %dma_start3A_84] : memref<10000x128xf32, #tpu.memory_space<hbm>> -> memref<10000x128xf32, #tpu.memory_space<hbm>>
          tpu.enqueue_indirect_dma source(%dma_start3A_85 : memref<10000x128xf32, #tpu.memory_space<hbm>>) target(%arg9 : memref<80x128xf32, #tpu.memory_space<vmem>>) offsets(%dma_start3A_82 : memref<80xi32, #tpu.memory_space<vmem>>) semaphore(%arg13 : memref<!tpu.dma_semaphore, #tpu.memory_space<semaphore_mem>>)
          %dma_start3A_86 = arith.constant 0 : i32
          %dma_start3A_87 = tpu.memref_slice %arg8[%add3A_79, %dma_start3A_86] : memref<125x80xi32, #tpu.memory_space<vmem>> -> memref<1x80xi32, #tpu.memory_space<vmem>>
          %dma_start3A_88 = tpu.memref_squeeze %dma_start3A_87 : memref<1x80xi32, #tpu.memory_space<vmem>> -> memref<80xi32, #tpu.memory_space<vmem>>
          %dma_start3A_89 = arith.constant 0 : i32
          %dma_start3A_90 = arith.constant 0 : i32
          %dma_start3A_91 = tpu.memref_slice %arg3[%dma_start3A_89, %dma_start3A_90] : memref<10000x128xf32, #tpu.memory_space<hbm>> -> memref<10000x128xf32, #tpu.memory_space<hbm>>
          tpu.enqueue_indirect_dma source(%dma_start3A_91 : memref<10000x128xf32, #tpu.memory_space<hbm>>) target(%arg11 : memref<80x128xf32, #tpu.memory_space<vmem>>) offsets(%dma_start3A_88 : memref<80xi32, #tpu.memory_space<vmem>>) semaphore(%arg15 : memref<!tpu.dma_semaphore, #tpu.memory_space<semaphore_mem>>)
        } else {
        }
        %scan3A_66 = arith.constant 0 : i32
        %scan3A_67 = arith.constant 80 : i32
        %scan3A_68 = arith.addi %scan3A_66, %scan3A_67 : i32
        %scan3A_69 = arith.constant 1 : i32
        scf.for %scan3A_78 = %scan3A_66 to %scan3A_68 step %scan3A_69  : i32 {
          %mul3A_79 = arith.constant 1 : i32
          %mul3A_80 = arith.muli %scan3A_78, %mul3A_79 : i32
          %add3A_81 = arith.constant 0 : i32
          %add3A_82 = arith.addi %add3A_81, %mul3A_80 : i32
          %get3A = arith.index_cast %add3A_82 : i32 to index
          %get3A_83 = arith.constant 0 : index
          %get3A_84 = tpu.vector_load %arg10[%get3A, %get3A_83] {strides = array<i32>} : memref<80x128xf32, #tpu.memory_space<vmem>>, vector<1x16xf32>,
          %get3A_85 = vector.shape_cast %get3A_84 : vector<1x16xf32> to vector<16xf32>
          %get3A_86 = arith.index_cast %add3A_82 : i32 to index
          %get3A_87 = arith.constant 0 : index
          %get3A_88 = tpu.vector_load %arg12[%get3A_86, %get3A_87] {strides = array<i32>} : memref<80x128xf32, #tpu.memory_space<vmem>>, vector<1x16xf32>,
          %get3A_89 = vector.shape_cast %get3A_88 : vector<1x16xf32> to vector<16xf32>
          %add3A_90 = arith.addf %get3A_85, %get3A_89 : vector<16xf32>
          %swap3A = arith.index_cast %add3A_82 : i32 to index
          %swap3A_91 = arith.constant 0 : index
          %swap3A_92 = tpu.vector_load %arg10[%swap3A, %swap3A_91] {strides = array<i32>} : memref<80x128xf32, #tpu.memory_space<vmem>>, vector<1x16xf32>,
          %swap3A_93 = vector.shape_cast %swap3A_92 : vector<1x16xf32> to vector<16xf32>
          %swap3A_94 = vector.shape_cast %add3A_90 : vector<16xf32> to vector<1x16xf32>
          tpu.vector_store %arg10[%swap3A, %swap3A_91], %swap3A_94 {strides = array<i32>} : memref<80x128xf32, #tpu.memory_space<vmem>>, vector<1x16xf32>,
          %get3A_95 = arith.index_cast %add3A_82 : i32 to index
          %get3A_96 = arith.constant 16 : index
          %get3A_97 = tpu.vector_load %arg10[%get3A_95, %get3A_96] {strides = array<i32>} : memref<80x128xf32, #tpu.memory_space<vmem>>, vector<1x16xf32>,
          %get3A_98 = vector.shape_cast %get3A_97 : vector<1x16xf32> to vector<16xf32>
          %get3A_99 = arith.index_cast %add3A_82 : i32 to index
          %get3A_100 = arith.constant 16 : index
          %get3A_101 = tpu.vector_load %arg12[%get3A_99, %get3A_100] {strides = array<i32>} : memref<80x128xf32, #tpu.memory_space<vmem>>, vector<1x16xf32>,
          %get3A_102 = vector.shape_cast %get3A_101 : vector<1x16xf32> to vector<16xf32>
          %add3A_103 = arith.addf %get3A_98, %get3A_102 : vector<16xf32>
          %swap3A_104 = arith.index_cast %add3A_82 : i32 to index
          %swap3A_105 = arith.constant 16 : index
          %swap3A_106 = tpu.vector_load %arg10[%swap3A_104, %swap3A_105] {strides = array<i32>} : memref<80x128xf32, #tpu.memory_space<vmem>>, vector<1x16xf32>,
          %swap3A_107 = vector.shape_cast %swap3A_106 : vector<1x16xf32> to vector<16xf32>
          %swap3A_108 = vector.shape_cast %add3A_103 : vector<16xf32> to vector<1x16xf32>
          tpu.vector_store %arg10[%swap3A_104, %swap3A_105], %swap3A_108 {strides = array<i32>} : memref<80x128xf32, #tpu.memory_space<vmem>>, vector<1x16xf32>,
          %get3A_109 = arith.index_cast %add3A_82 : i32 to index
          %get3A_110 = arith.constant 32 : index
          %get3A_111 = tpu.vector_load %arg10[%get3A_109, %get3A_110] {strides = array<i32>} : memref<80x128xf32, #tpu.memory_space<vmem>>, vector<1x16xf32>,
          %get3A_112 = vector.shape_cast %get3A_111 : vector<1x16xf32> to vector<16xf32>
          %get3A_113 = arith.index_cast %add3A_82 : i32 to index
          %get3A_114 = arith.constant 32 : index
          %get3A_115 = tpu.vector_load %arg12[%get3A_113, %get3A_114] {strides = array<i32>} : memref<80x128xf32, #tpu.memory_space<vmem>>, vector<1x16xf32>,
          %get3A_116 = vector.shape_cast %get3A_115 : vector<1x16xf32> to vector<16xf32>
          %add3A_117 = arith.addf %get3A_112, %get3A_116 : vector<16xf32>
          %swap3A_118 = arith.index_cast %add3A_82 : i32 to index
          %swap3A_119 = arith.constant 32 : index
          %swap3A_120 = tpu.vector_load %arg10[%swap3A_118, %swap3A_119] {strides = array<i32>} : memref<80x128xf32, #tpu.memory_space<vmem>>, vector<1x16xf32>,
          %swap3A_121 = vector.shape_cast %swap3A_120 : vector<1x16xf32> to vector<16xf32>
          %swap3A_122 = vector.shape_cast %add3A_117 : vector<16xf32> to vector<1x16xf32>
          tpu.vector_store %arg10[%swap3A_118, %swap3A_119], %swap3A_122 {strides = array<i32>} : memref<80x128xf32, #tpu.memory_space<vmem>>, vector<1x16xf32>,
          %get3A_123 = arith.index_cast %add3A_82 : i32 to index
          %get3A_124 = arith.constant 48 : index
          %get3A_125 = tpu.vector_load %arg10[%get3A_123, %get3A_124] {strides = array<i32>} : memref<80x128xf32, #tpu.memory_space<vmem>>, vector<1x16xf32>,
          %get3A_126 = vector.shape_cast %get3A_125 : vector<1x16xf32> to vector<16xf32>
          %get3A_127 = arith.index_cast %add3A_82 : i32 to index
          %get3A_128 = arith.constant 48 : index
          %get3A_129 = tpu.vector_load %arg12[%get3A_127, %get3A_128] {strides = array<i32>} : memref<80x128xf32, #tpu.memory_space<vmem>>, vector<1x16xf32>,
          %get3A_130 = vector.shape_cast %get3A_129 : vector<1x16xf32> to vector<16xf32>
          %add3A_131 = arith.addf %get3A_126, %get3A_130 : vector<16xf32>
          %swap3A_132 = arith.index_cast %add3A_82 : i32 to index
          %swap3A_133 = arith.constant 48 : index
          %swap3A_134 = tpu.vector_load %arg10[%swap3A_132, %swap3A_133] {strides = array<i32>} : memref<80x128xf32, #tpu.memory_space<vmem>>, vector<1x16xf32>,
          %swap3A_135 = vector.shape_cast %swap3A_134 : vector<1x16xf32> to vector<16xf32>
          %swap3A_136 = vector.shape_cast %add3A_131 : vector<16xf32> to vector<1x16xf32>
          tpu.vector_store %arg10[%swap3A_132, %swap3A_133], %swap3A_136 {strides = array<i32>} : memref<80x128xf32, #tpu.memory_space<vmem>>, vector<1x16xf32>,
          %get3A_137 = arith.index_cast %add3A_82 : i32 to index
          %get3A_138 = arith.constant 64 : index
          %get3A_139 = tpu.vector_load %arg10[%get3A_137, %get3A_138] {strides = array<i32>} : memref<80x128xf32, #tpu.memory_space<vmem>>, vector<1x16xf32>,
          %get3A_140 = vector.shape_cast %get3A_139 : vector<1x16xf32> to vector<16xf32>
          %get3A_141 = arith.index_cast %add3A_82 : i32 to index
          %get3A_142 = arith.constant 64 : index
          %get3A_143 = tpu.vector_load %arg12[%get3A_141, %get3A_142] {strides = array<i32>} : memref<80x128xf32, #tpu.memory_space<vmem>>, vector<1x16xf32>,
          %get3A_144 = vector.shape_cast %get3A_143 : vector<1x16xf32> to vector<16xf32>
          %add3A_145 = arith.addf %get3A_140, %get3A_144 : vector<16xf32>
          %swap3A_146 = arith.index_cast %add3A_82 : i32 to index
          %swap3A_147 = arith.constant 64 : index
          %swap3A_148 = tpu.vector_load %arg10[%swap3A_146, %swap3A_147] {strides = array<i32>} : memref<80x128xf32, #tpu.memory_space<vmem>>, vector<1x16xf32>,
          %swap3A_149 = vector.shape_cast %swap3A_148 : vector<1x16xf32> to vector<16xf32>
          %swap3A_150 = vector.shape_cast %add3A_145 : vector<16xf32> to vector<1x16xf32>
          tpu.vector_store %arg10[%swap3A_146, %swap3A_147], %swap3A_150 {strides = array<i32>} : memref<80x128xf32, #tpu.memory_space<vmem>>, vector<1x16xf32>,
          %get3A_151 = arith.index_cast %add3A_82 : i32 to index
          %get3A_152 = arith.constant 80 : index
          %get3A_153 = tpu.vector_load %arg10[%get3A_151, %get3A_152] {strides = array<i32>} : memref<80x128xf32, #tpu.memory_space<vmem>>, vector<1x16xf32>,
          %get3A_154 = vector.shape_cast %get3A_153 : vector<1x16xf32> to vector<16xf32>
          %get3A_155 = arith.index_cast %add3A_82 : i32 to index
          %get3A_156 = arith.constant 80 : index
          %get3A_157 = tpu.vector_load %arg12[%get3A_155, %get3A_156] {strides = array<i32>} : memref<80x128xf32, #tpu.memory_space<vmem>>, vector<1x16xf32>,
          %get3A_158 = vector.shape_cast %get3A_157 : vector<1x16xf32> to vector<16xf32>
          %add3A_159 = arith.addf %get3A_154, %get3A_158 : vector<16xf32>
          %swap3A_160 = arith.index_cast %add3A_82 : i32 to index
          %swap3A_161 = arith.constant 80 : index
          %swap3A_162 = tpu.vector_load %arg10[%swap3A_160, %swap3A_161] {strides = array<i32>} : memref<80x128xf32, #tpu.memory_space<vmem>>, vector<1x16xf32>,
          %swap3A_163 = vector.shape_cast %swap3A_162 : vector<1x16xf32> to vector<16xf32>
          %swap3A_164 = vector.shape_cast %add3A_159 : vector<16xf32> to vector<1x16xf32>
          tpu.vector_store %arg10[%swap3A_160, %swap3A_161], %swap3A_164 {strides = array<i32>} : memref<80x128xf32, #tpu.memory_space<vmem>>, vector<1x16xf32>,
          %get3A_165 = arith.index_cast %add3A_82 : i32 to index
          %get3A_166 = arith.constant 96 : index
          %get3A_167 = tpu.vector_load %arg10[%get3A_165, %get3A_166] {strides = array<i32>} : memref<80x128xf32, #tpu.memory_space<vmem>>, vector<1x16xf32>,
          %get3A_168 = vector.shape_cast %get3A_167 : vector<1x16xf32> to vector<16xf32>
          %get3A_169 = arith.index_cast %add3A_82 : i32 to index
          %get3A_170 = arith.constant 96 : index
          %get3A_171 = tpu.vector_load %arg12[%get3A_169, %get3A_170] {strides = array<i32>} : memref<80x128xf32, #tpu.memory_space<vmem>>, vector<1x16xf32>,
          %get3A_172 = vector.shape_cast %get3A_171 : vector<1x16xf32> to vector<16xf32>
          %add3A_173 = arith.addf %get3A_168, %get3A_172 : vector<16xf32>
          %swap3A_174 = arith.index_cast %add3A_82 : i32 to index
          %swap3A_175 = arith.constant 96 : index
          %swap3A_176 = tpu.vector_load %arg10[%swap3A_174, %swap3A_175] {strides = array<i32>} : memref<80x128xf32, #tpu.memory_space<vmem>>, vector<1x16xf32>,
          %swap3A_177 = vector.shape_cast %swap3A_176 : vector<1x16xf32> to vector<16xf32>
          %swap3A_178 = vector.shape_cast %add3A_173 : vector<16xf32> to vector<1x16xf32>
          tpu.vector_store %arg10[%swap3A_174, %swap3A_175], %swap3A_178 {strides = array<i32>} : memref<80x128xf32, #tpu.memory_space<vmem>>, vector<1x16xf32>,
          %get3A_179 = arith.index_cast %add3A_82 : i32 to index
          %get3A_180 = arith.constant 112 : index
          %get3A_181 = tpu.vector_load %arg10[%get3A_179, %get3A_180] {strides = array<i32>} : memref<80x128xf32, #tpu.memory_space<vmem>>, vector<1x16xf32>,
          %get3A_182 = vector.shape_cast %get3A_181 : vector<1x16xf32> to vector<16xf32>
          %get3A_183 = arith.index_cast %add3A_82 : i32 to index
          %get3A_184 = arith.constant 112 : index
          %get3A_185 = tpu.vector_load %arg12[%get3A_183, %get3A_184] {strides = array<i32>} : memref<80x128xf32, #tpu.memory_space<vmem>>, vector<1x16xf32>,
          %get3A_186 = vector.shape_cast %get3A_185 : vector<1x16xf32> to vector<16xf32>
          %add3A_187 = arith.addf %get3A_182, %get3A_186 : vector<16xf32>
          %swap3A_188 = arith.index_cast %add3A_82 : i32 to index
          %swap3A_189 = arith.constant 112 : index
          %swap3A_190 = tpu.vector_load %arg10[%swap3A_188, %swap3A_189] {strides = array<i32>} : memref<80x128xf32, #tpu.memory_space<vmem>>, vector<1x16xf32>,
          %swap3A_191 = vector.shape_cast %swap3A_190 : vector<1x16xf32> to vector<16xf32>
          %swap3A_192 = vector.shape_cast %add3A_187 : vector<16xf32> to vector<1x16xf32>
          tpu.vector_store %arg10[%swap3A_188, %swap3A_189], %swap3A_192 {strides = array<i32>} : memref<80x128xf32, #tpu.memory_space<vmem>>, vector<1x16xf32>,
        }
        %scan3A_70 = arith.constant 80 : i32
        %mul3A_71 = arith.constant 80 : i32
        %mul3A_72 = arith.muli %add3A_37, %mul3A_71 : i32
        %add3A_73 = arith.addi %mul3A_2, %mul3A_72 : i32
        %dma_start3A_74 = arith.constant 0 : i32
        %dma_start3A_75 = tpu.memref_slice %arg6[%add3A_73, %dma_start3A_74] : memref<320000x128xf32, #tpu.memory_space<hbm>> -> memref<80x128xf32, #tpu.memory_space<hbm>>
        %dma_start3A_76 = arith.constant 0 : i32
        %dma_start3A_77 = tpu.memref_slice %arg6[%add3A_73, %dma_start3A_76] : memref<320000x128xf32, #tpu.memory_space<hbm>> -> memref<80x128xf32, #tpu.memory_space<hbm>>
        tpu.enqueue_dma source(%arg10 : memref<80x128xf32, #tpu.memory_space<vmem>>) target(%dma_start3A_77 : memref<80x128xf32, #tpu.memory_space<hbm>>) target_semaphore(%arg18 : memref<!tpu.dma_semaphore, #tpu.memory_space<semaphore_mem>>)
      } else {
      }
    }
    %scan3A_19 = arith.constant 63 : i32
    %add3A_20 = arith.constant 9920 : i32
    %add3A_21 = arith.addi %mul3A_2, %add3A_20 : i32
    %dma_wait3A = arith.constant 0 : i32
    %dma_wait3A_22 = tpu.memref_slice %arg6[%add3A_21, %dma_wait3A] : memref<320000x128xf32, #tpu.memory_space<hbm>> -> memref<80x128xf32, #tpu.memory_space<hbm>>
    %dma_wait3A_23 = arith.constant 0 : i32
    %dma_wait3A_24 = tpu.memref_slice %arg6[%add3A_21, %dma_wait3A_23] : memref<320000x128xf32, #tpu.memory_space<hbm>> -> memref<80x128xf32, #tpu.memory_space<hbm>>
    tpu.wait_dma2 semaphore(%arg17 : memref<!tpu.dma_semaphore, #tpu.memory_space<semaphore_mem>>) src(%arg9 : memref<80x128xf32, #tpu.memory_space<vmem>>) dst(%dma_wait3A_24 : memref<80x128xf32, #tpu.memory_space<hbm>>)
    return
  }
}

#map = affine_map<(d0, d1) -> (0, 0)>
#map1 = affine_map<(d0, d1) -> (0)>
module attributes {stable_mosaic.version = 14 : i64} {
  func.func @_scatter_body(%arg0: i32, %arg1: i32, %arg2: memref<320000x128xf32, #tpu.memory_space<hbm>>, %arg3: memref<320000xi32, #tpu.memory_space<hbm>>, %arg4: memref<320000xi32, #tpu.memory_space<hbm>>, %arg5: memref<10240x128xf32, #tpu.memory_space<hbm>>, %arg6: memref<10240x128xf32, #tpu.memory_space<hbm>>, %arg7: memref<10240x128xf32, #tpu.memory_space<vmem_shared>>, %arg8: memref<64x128xf32, #tpu.memory_space<vmem>>, %arg9: memref<64x128xf32, #tpu.memory_space<vmem>>, %arg10: memref<64xi32, #tpu.memory_space<vmem>>, %arg11: memref<64xi32, #tpu.memory_space<vmem>>, %arg12: memref<!tpu.dma_semaphore, #tpu.memory_space<semaphore_mem>>, %arg13: memref<!tpu.dma_semaphore, #tpu.memory_space<semaphore_mem>>, %arg14: memref<!tpu.dma_semaphore, #tpu.memory_space<semaphore_mem>>, %arg15: memref<!tpu.dma_semaphore, #tpu.memory_space<semaphore_mem>>) attributes {dimension_semantics = [#tpu.dimension_semantics<core_parallel>, #tpu.dimension_semantics<subcore_parallel>], iteration_bounds = array<i64: 2, 16>, scalar_prefetch = 0 : i64, scratch_operands = 9 : i64, tpu.core_type = #tpu.core_type<sc_vector_subcore>, window_params = [{transform_indices = #map}, {transform_indices = #map1}, {transform_indices = #map1}, {transform_indices = #map}, {transform_indices = #map}]} {
    %scan3A = arith.constant 0 : i32
    %scan3A_0 = arith.constant 64 : i32
    %scan3A_1 = arith.addi %scan3A, %scan3A_0 : i32
    %scan3A_2 = arith.constant 1 : i32
    scf.for %scan3A_35 = %scan3A to %scan3A_1 step %scan3A_2  : i32 {
      %mul3A_36 = arith.constant 1 : i32
      %mul3A_37 = arith.muli %scan3A_35, %mul3A_36 : i32
      %add3A_38 = arith.constant 0 : i32
      %add3A_39 = arith.addi %add3A_38, %mul3A_37 : i32
      %broadcast_in_dim3A = arith.constant 0.000000e+00 : f32
      %broadcast_in_dim3A_40 = vector.broadcast %broadcast_in_dim3A : f32 to vector<16xf32>
      %swap3A = arith.index_cast %add3A_39 : i32 to index
      %swap3A_41 = arith.constant 0 : index
      %swap3A_42 = tpu.vector_load %arg8[%swap3A, %swap3A_41] {strides = array<i32>} : memref<64x128xf32, #tpu.memory_space<vmem>>, vector<1x16xf32>,
      %swap3A_43 = vector.shape_cast %swap3A_42 : vector<1x16xf32> to vector<16xf32>
      %swap3A_44 = vector.shape_cast %broadcast_in_dim3A_40 : vector<16xf32> to vector<1x16xf32>
      tpu.vector_store %arg8[%swap3A, %swap3A_41], %swap3A_44 {strides = array<i32>} : memref<64x128xf32, #tpu.memory_space<vmem>>, vector<1x16xf32>,
      %broadcast_in_dim3A_45 = arith.constant 0.000000e+00 : f32
      %broadcast_in_dim3A_46 = vector.broadcast %broadcast_in_dim3A_45 : f32 to vector<16xf32>
      %swap3A_47 = arith.index_cast %add3A_39 : i32 to index
      %swap3A_48 = arith.constant 16 : index
      %swap3A_49 = tpu.vector_load %arg8[%swap3A_47, %swap3A_48] {strides = array<i32>} : memref<64x128xf32, #tpu.memory_space<vmem>>, vector<1x16xf32>,
      %swap3A_50 = vector.shape_cast %swap3A_49 : vector<1x16xf32> to vector<16xf32>
      %swap3A_51 = vector.shape_cast %broadcast_in_dim3A_46 : vector<16xf32> to vector<1x16xf32>
      tpu.vector_store %arg8[%swap3A_47, %swap3A_48], %swap3A_51 {strides = array<i32>} : memref<64x128xf32, #tpu.memory_space<vmem>>, vector<1x16xf32>,
      %broadcast_in_dim3A_52 = arith.constant 0.000000e+00 : f32
      %broadcast_in_dim3A_53 = vector.broadcast %broadcast_in_dim3A_52 : f32 to vector<16xf32>
      %swap3A_54 = arith.index_cast %add3A_39 : i32 to index
      %swap3A_55 = arith.constant 32 : index
      %swap3A_56 = tpu.vector_load %arg8[%swap3A_54, %swap3A_55] {strides = array<i32>} : memref<64x128xf32, #tpu.memory_space<vmem>>, vector<1x16xf32>,
      %swap3A_57 = vector.shape_cast %swap3A_56 : vector<1x16xf32> to vector<16xf32>
      %swap3A_58 = vector.shape_cast %broadcast_in_dim3A_53 : vector<16xf32> to vector<1x16xf32>
      tpu.vector_store %arg8[%swap3A_54, %swap3A_55], %swap3A_58 {strides = array<i32>} : memref<64x128xf32, #tpu.memory_space<vmem>>, vector<1x16xf32>,
      %broadcast_in_dim3A_59 = arith.constant 0.000000e+00 : f32
      %broadcast_in_dim3A_60 = vector.broadcast %broadcast_in_dim3A_59 : f32 to vector<16xf32>
      %swap3A_61 = arith.index_cast %add3A_39 : i32 to index
      %swap3A_62 = arith.constant 48 : index
      %swap3A_63 = tpu.vector_load %arg8[%swap3A_61, %swap3A_62] {strides = array<i32>} : memref<64x128xf32, #tpu.memory_space<vmem>>, vector<1x16xf32>,
      %swap3A_64 = vector.shape_cast %swap3A_63 : vector<1x16xf32> to vector<16xf32>
      %swap3A_65 = vector.shape_cast %broadcast_in_dim3A_60 : vector<16xf32> to vector<1x16xf32>
      tpu.vector_store %arg8[%swap3A_61, %swap3A_62], %swap3A_65 {strides = array<i32>} : memref<64x128xf32, #tpu.memory_space<vmem>>, vector<1x16xf32>,
      %broadcast_in_dim3A_66 = arith.constant 0.000000e+00 : f32
      %broadcast_in_dim3A_67 = vector.broadcast %broadcast_in_dim3A_66 : f32 to vector<16xf32>
      %swap3A_68 = arith.index_cast %add3A_39 : i32 to index
      %swap3A_69 = arith.constant 64 : index
      %swap3A_70 = tpu.vector_load %arg8[%swap3A_68, %swap3A_69] {strides = array<i32>} : memref<64x128xf32, #tpu.memory_space<vmem>>, vector<1x16xf32>,
      %swap3A_71 = vector.shape_cast %swap3A_70 : vector<1x16xf32> to vector<16xf32>
      %swap3A_72 = vector.shape_cast %broadcast_in_dim3A_67 : vector<16xf32> to vector<1x16xf32>
      tpu.vector_store %arg8[%swap3A_68, %swap3A_69], %swap3A_72 {strides = array<i32>} : memref<64x128xf32, #tpu.memory_space<vmem>>, vector<1x16xf32>,
      %broadcast_in_dim3A_73 = arith.constant 0.000000e+00 : f32
      %broadcast_in_dim3A_74 = vector.broadcast %broadcast_in_dim3A_73 : f32 to vector<16xf32>
      %swap3A_75 = arith.index_cast %add3A_39 : i32 to index
      %swap3A_76 = arith.constant 80 : index
      %swap3A_77 = tpu.vector_load %arg8[%swap3A_75, %swap3A_76] {strides = array<i32>} : memref<64x128xf32, #tpu.memory_space<vmem>>, vector<1x16xf32>,
      %swap3A_78 = vector.shape_cast %swap3A_77 : vector<1x16xf32> to vector<16xf32>
      %swap3A_79 = vector.shape_cast %broadcast_in_dim3A_74 : vector<16xf32> to vector<1x16xf32>
      tpu.vector_store %arg8[%swap3A_75, %swap3A_76], %swap3A_79 {strides = array<i32>} : memref<64x128xf32, #tpu.memory_space<vmem>>, vector<1x16xf32>,
      %broadcast_in_dim3A_80 = arith.constant 0.000000e+00 : f32
      %broadcast_in_dim3A_81 = vector.broadcast %broadcast_in_dim3A_80 : f32 to vector<16xf32>
      %swap3A_82 = arith.index_cast %add3A_39 : i32 to index
      %swap3A_83 = arith.constant 96 : index
      %swap3A_84 = tpu.vector_load %arg8[%swap3A_82, %swap3A_83] {strides = array<i32>} : memref<64x128xf32, #tpu.memory_space<vmem>>, vector<1x16xf32>,
      %swap3A_85 = vector.shape_cast %swap3A_84 : vector<1x16xf32> to vector<16xf32>
      %swap3A_86 = vector.shape_cast %broadcast_in_dim3A_81 : vector<16xf32> to vector<1x16xf32>
      tpu.vector_store %arg8[%swap3A_82, %swap3A_83], %swap3A_86 {strides = array<i32>} : memref<64x128xf32, #tpu.memory_space<vmem>>, vector<1x16xf32>,
      %broadcast_in_dim3A_87 = arith.constant 0.000000e+00 : f32
      %broadcast_in_dim3A_88 = vector.broadcast %broadcast_in_dim3A_87 : f32 to vector<16xf32>
      %swap3A_89 = arith.index_cast %add3A_39 : i32 to index
      %swap3A_90 = arith.constant 112 : index
      %swap3A_91 = tpu.vector_load %arg8[%swap3A_89, %swap3A_90] {strides = array<i32>} : memref<64x128xf32, #tpu.memory_space<vmem>>, vector<1x16xf32>,
      %swap3A_92 = vector.shape_cast %swap3A_91 : vector<1x16xf32> to vector<16xf32>
      %swap3A_93 = vector.shape_cast %broadcast_in_dim3A_88 : vector<16xf32> to vector<1x16xf32>
      tpu.vector_store %arg8[%swap3A_89, %swap3A_90], %swap3A_93 {strides = array<i32>} : memref<64x128xf32, #tpu.memory_space<vmem>>, vector<1x16xf32>,
    }
    %scan3A_3 = arith.constant 64 : i32
    %scan3A_4 = arith.constant 0 : i32
    %scan3A_5 = arith.constant 10 : i32
    %scan3A_6 = arith.addi %scan3A_4, %scan3A_5 : i32
    %scan3A_7 = arith.constant 1 : i32
    scf.for %scan3A_35 = %scan3A_4 to %scan3A_6 step %scan3A_7  : i32 {
      %mul3A_36 = arith.constant 1 : i32
      %mul3A_37 = arith.muli %scan3A_35, %mul3A_36 : i32
      %add3A_38 = arith.constant 0 : i32
      %add3A_39 = arith.addi %add3A_38, %mul3A_37 : i32
      %mul3A_40 = arith.constant 640 : i32
      %mul3A_41 = arith.muli %arg1, %mul3A_40 : i32
      %mul3A_42 = arith.constant 64 : i32
      %mul3A_43 = arith.muli %add3A_39, %mul3A_42 : i32
      %add3A_44 = arith.addi %mul3A_41, %mul3A_43 : i32
      "tpu.region"() ({
        %run_scoped3A = tpu.sem_alloc : memref<!tpu.dma_semaphore, #tpu.memory_space<semaphore_mem>>
        %dma_start3A = arith.constant 0 : i32
        %dma_start3A_45 = tpu.memref_slice %arg7[%add3A_44, %dma_start3A] : memref<10240x128xf32, #tpu.memory_space<vmem_shared>> -> memref<64x128xf32, #tpu.memory_space<vmem_shared>>
        %dma_start3A_46 = arith.constant 0 : i32
        %dma_start3A_47 = tpu.memref_slice %arg7[%add3A_44, %dma_start3A_46] : memref<10240x128xf32, #tpu.memory_space<vmem_shared>> -> memref<64x128xf32, #tpu.memory_space<vmem_shared>>
        tpu.enqueue_dma source(%arg8 : memref<64x128xf32, #tpu.memory_space<vmem>>) target(%dma_start3A_47 : memref<64x128xf32, #tpu.memory_space<vmem_shared>>) target_semaphore(%run_scoped3A : memref<!tpu.dma_semaphore, #tpu.memory_space<semaphore_mem>>)
        %dma_wait3A = arith.constant 0 : i32
        %dma_wait3A_48 = tpu.memref_slice %arg7[%add3A_44, %dma_wait3A] : memref<10240x128xf32, #tpu.memory_space<vmem_shared>> -> memref<64x128xf32, #tpu.memory_space<vmem_shared>>
        %dma_wait3A_49 = arith.constant 0 : i32
        %dma_wait3A_50 = tpu.memref_slice %arg7[%add3A_44, %dma_wait3A_49] : memref<10240x128xf32, #tpu.memory_space<vmem_shared>> -> memref<64x128xf32, #tpu.memory_space<vmem_shared>>
        tpu.wait_dma2 semaphore(%run_scoped3A : memref<!tpu.dma_semaphore, #tpu.memory_space<semaphore_mem>>) src(%arg8 : memref<64x128xf32, #tpu.memory_space<vmem>>) dst(%dma_wait3A_50 : memref<64x128xf32, #tpu.memory_space<vmem_shared>>)
        tpu.yield
      }) : () -> ()
    }
    %scan3A_8 = arith.constant 10 : i32
    %barrier3A = arith.constant 0 : index
    tpu.barrier barrier_id(%barrier3A)
    %lt3A = arith.constant 8 : i32
    %lt3A_9 = arith.cmpi slt, %arg1, %lt3A : i32
    %jit3A = arith.constant 1 : i32
    %jit3A_10 = arith.constant 0 : i32
    %select_n3A = arith.select %lt3A_9, %jit3A, %jit3A_10 : i32
    %mul3A = arith.constant 312 : i32
    %mul3A_11 = arith.muli %arg1, %mul3A : i32
    %min3A = arith.constant 8 : i32
    %min3A_12 = arith.minsi %arg1, %min3A : i32
    %add3A = arith.addi %mul3A_11, %min3A_12 : i32
    %add3A_13 = arith.constant 312 : i32
    %add3A_14 = arith.addi %add3A_13, %select_n3A : i32
    %eq3A = arith.constant 0 : i32
    %eq3A_15 = arith.cmpi eq, %arg0, %eq3A : i32
    %convert_element_type3A = arith.extui %eq3A_15 : i1 to i32
    %cond3A = arith.constant 0 : i32
    %cond3A_16 = arith.cmpi ne, %convert_element_type3A, %cond3A : i32
    scf.if %cond3A_16 {
      %add3A_35 = arith.constant 0 : i32
      %add3A_36 = arith.addi %add3A, %add3A_35 : i32
      %mul3A_37 = arith.constant 64 : i32
      %mul3A_38 = arith.muli %add3A_36, %mul3A_37 : i32
      %dma_start3A = tpu.memref_slice %arg3[%mul3A_38] : memref<320000xi32, #tpu.memory_space<hbm>> -> memref<64xi32, #tpu.memory_space<hbm>>
      %dma_start3A_39 = tpu.memref_slice %arg3[%mul3A_38] : memref<320000xi32, #tpu.memory_space<hbm>> -> memref<64xi32, #tpu.memory_space<hbm>>
      tpu.enqueue_dma source(%dma_start3A_39 : memref<64xi32, #tpu.memory_space<hbm>>) target(%arg10 : memref<64xi32, #tpu.memory_space<vmem>>) target_semaphore(%arg14 : memref<!tpu.dma_semaphore, #tpu.memory_space<semaphore_mem>>)
      %mul3A_40 = arith.constant 64 : i32
      %mul3A_41 = arith.muli %add3A_36, %mul3A_40 : i32
      %dma_start3A_42 = arith.constant 0 : i32
      %dma_start3A_43 = tpu.memref_slice %arg2[%mul3A_41, %dma_start3A_42] : memref<320000x128xf32, #tpu.memory_space<hbm>> -> memref<64x128xf32, #tpu.memory_space<hbm>>
      %dma_start3A_44 = arith.constant 0 : i32
      %dma_start3A_45 = tpu.memref_slice %arg2[%mul3A_41, %dma_start3A_44] : memref<320000x128xf32, #tpu.memory_space<hbm>> -> memref<64x128xf32, #tpu.memory_space<hbm>>
      tpu.enqueue_dma source(%dma_start3A_45 : memref<64x128xf32, #tpu.memory_space<hbm>>) target(%arg8 : memref<64x128xf32, #tpu.memory_space<vmem>>) target_semaphore(%arg12 : memref<!tpu.dma_semaphore, #tpu.memory_space<semaphore_mem>>)
      %scan3A_46 = arith.constant 0 : i32
      %scan3A_47 = arith.constant 157 : i32
      %scan3A_48 = arith.addi %scan3A_46, %scan3A_47 : i32
      %scan3A_49 = arith.constant 1 : i32
      scf.for %scan3A_51 = %scan3A_46 to %scan3A_48 step %scan3A_49  : i32 {
        %mul3A_52 = arith.constant 1 : i32
        %mul3A_53 = arith.muli %scan3A_51, %mul3A_52 : i32
        %add3A_54 = arith.constant 0 : i32
        %add3A_55 = arith.addi %add3A_54, %mul3A_53 : i32
        %mul3A_56 = arith.constant 2 : i32
        %mul3A_57 = arith.muli %mul3A_56, %add3A_55 : i32
        %lt3A_58 = arith.cmpi slt, %mul3A_57, %add3A_14 : i32
        %convert_element_type3A_59 = arith.extui %lt3A_58 : i1 to i32
        %cond3A_60 = arith.constant 0 : i32
        %cond3A_61 = arith.cmpi ne, %convert_element_type3A_59, %cond3A_60 : i32
        scf.if %cond3A_61 {
          %add3A_70 = arith.addi %add3A, %mul3A_57 : i32
          %mul3A_71 = arith.constant 64 : i32
          %mul3A_72 = arith.muli %add3A_70, %mul3A_71 : i32
          %dma_wait3A = tpu.memref_slice %arg3[%mul3A_72] : memref<320000xi32, #tpu.memory_space<hbm>> -> memref<64xi32, #tpu.memory_space<hbm>>
          %dma_wait3A_73 = tpu.memref_slice %arg3[%mul3A_72] : memref<320000xi32, #tpu.memory_space<hbm>> -> memref<64xi32, #tpu.memory_space<hbm>>
          tpu.wait_dma2 semaphore(%arg14 : memref<!tpu.dma_semaphore, #tpu.memory_space<semaphore_mem>>) src(%dma_wait3A_73 : memref<64xi32, #tpu.memory_space<hbm>>) dst(%arg10 : memref<64xi32, #tpu.memory_space<vmem>>)
          %mul3A_74 = arith.constant 64 : i32
          %mul3A_75 = arith.muli %add3A_70, %mul3A_74 : i32
          %dma_wait3A_76 = arith.constant 0 : i32
          %dma_wait3A_77 = tpu.memref_slice %arg2[%mul3A_75, %dma_wait3A_76] : memref<320000x128xf32, #tpu.memory_space<hbm>> -> memref<64x128xf32, #tpu.memory_space<hbm>>
          %dma_wait3A_78 = arith.constant 0 : i32
          %dma_wait3A_79 = tpu.memref_slice %arg2[%mul3A_75, %dma_wait3A_78] : memref<320000x128xf32, #tpu.memory_space<hbm>> -> memref<64x128xf32, #tpu.memory_space<hbm>>
          tpu.wait_dma2 semaphore(%arg12 : memref<!tpu.dma_semaphore, #tpu.memory_space<semaphore_mem>>) src(%dma_wait3A_79 : memref<64x128xf32, #tpu.memory_space<hbm>>) dst(%arg8 : memref<64x128xf32, #tpu.memory_space<vmem>>)
          %add3A_80 = arith.constant 1 : i32
          %add3A_81 = arith.addi %mul3A_57, %add3A_80 : i32
          %lt3A_82 = arith.cmpi slt, %add3A_81, %add3A_14 : i32
          %convert_element_type3A_83 = arith.extui %lt3A_82 : i1 to i32
          %cond3A_84 = arith.constant 0 : i32
          %cond3A_85 = arith.cmpi ne, %convert_element_type3A_83, %cond3A_84 : i32
          scf.if %cond3A_85 {
            %add3A_86 = arith.constant 1 : i32
            %add3A_87 = arith.addi %mul3A_57, %add3A_86 : i32
            %add3A_88 = arith.addi %add3A, %add3A_87 : i32
            %mul3A_89 = arith.constant 64 : i32
            %mul3A_90 = arith.muli %add3A_88, %mul3A_89 : i32
            %dma_start3A_91 = tpu.memref_slice %arg3[%mul3A_90] : memref<320000xi32, #tpu.memory_space<hbm>> -> memref<64xi32, #tpu.memory_space<hbm>>
            %dma_start3A_92 = tpu.memref_slice %arg3[%mul3A_90] : memref<320000xi32, #tpu.memory_space<hbm>> -> memref<64xi32, #tpu.memory_space<hbm>>
            tpu.enqueue_dma source(%dma_start3A_92 : memref<64xi32, #tpu.memory_space<hbm>>) target(%arg11 : memref<64xi32, #tpu.memory_space<vmem>>) target_semaphore(%arg15 : memref<!tpu.dma_semaphore, #tpu.memory_space<semaphore_mem>>)
            %mul3A_93 = arith.constant 64 : i32
            %mul3A_94 = arith.muli %add3A_88, %mul3A_93 : i32
            %dma_start3A_95 = arith.constant 0 : i32
            %dma_start3A_96 = tpu.memref_slice %arg2[%mul3A_94, %dma_start3A_95] : memref<320000x128xf32, #tpu.memory_space<hbm>> -> memref<64x128xf32, #tpu.memory_space<hbm>>
            %dma_start3A_97 = arith.constant 0 : i32
            %dma_start3A_98 = tpu.memref_slice %arg2[%mul3A_94, %dma_start3A_97] : memref<320000x128xf32, #tpu.memory_space<hbm>> -> memref<64x128xf32, #tpu.memory_space<hbm>>
            tpu.enqueue_dma source(%dma_start3A_98 : memref<64x128xf32, #tpu.memory_space<hbm>>) target(%arg9 : memref<64x128xf32, #tpu.memory_space<vmem>>) target_semaphore(%arg13 : memref<!tpu.dma_semaphore, #tpu.memory_space<semaphore_mem>>)
          } else {
          }
          "tpu.region"() ({
            %run_scoped3A = tpu.sem_alloc : memref<!tpu.dma_semaphore, #tpu.memory_space<semaphore_mem>>
            %dma_start3A_86 = arith.constant 0 : i32
            %dma_start3A_87 = arith.constant 0 : i32
            %dma_start3A_88 = tpu.memref_slice %arg7[%dma_start3A_86, %dma_start3A_87] : memref<10240x128xf32, #tpu.memory_space<vmem_shared>> -> memref<10240x128xf32, #tpu.memory_space<vmem_shared>>
            tpu.enqueue_indirect_dma source(%arg8 : memref<64x128xf32, #tpu.memory_space<vmem>>) target(%dma_start3A_88 : memref<10240x128xf32, #tpu.memory_space<vmem_shared>>) offsets(%arg10 : memref<64xi32, #tpu.memory_space<vmem>>) semaphore(%run_scoped3A : memref<!tpu.dma_semaphore, #tpu.memory_space<semaphore_mem>>) {add = true}
            %dma_wait3A_89 = arith.constant 0 : i32
            %dma_wait3A_90 = arith.constant 0 : i32
            %dma_wait3A_91 = tpu.memref_slice %arg7[%dma_wait3A_89, %dma_wait3A_90] : memref<10240x128xf32, #tpu.memory_space<vmem_shared>> -> memref<10240x128xf32, #tpu.memory_space<vmem_shared>>
            tpu.wait_indirect_dma semaphore(%run_scoped3A : memref<!tpu.dma_semaphore, #tpu.memory_space<semaphore_mem>>) src(%arg8 : memref<64x128xf32, #tpu.memory_space<vmem>>) dst(%dma_wait3A_91 : memref<10240x128xf32, #tpu.memory_space<vmem_shared>>)
            tpu.yield
          }) : () -> ()
        } else {
        }
        %mul3A_62 = arith.constant 2 : i32
        %mul3A_63 = arith.muli %mul3A_62, %add3A_55 : i32
        %add3A_64 = arith.constant 1 : i32
        %add3A_65 = arith.addi %mul3A_63, %add3A_64 : i32
        %lt3A_66 = arith.cmpi slt, %add3A_65, %add3A_14 : i32
        %convert_element_type3A_67 = arith.extui %lt3A_66 : i1 to i32
        %cond3A_68 = arith.constant 0 : i32
        %cond3A_69 = arith.cmpi ne, %convert_element_type3A_67, %cond3A_68 : i32
        scf.if %cond3A_69 {
          %add3A_70 = arith.addi %add3A, %add3A_65 : i32
          %mul3A_71 = arith.constant 64 : i32
          %mul3A_72 = arith.muli %add3A_70, %mul3A_71 : i32
          %dma_wait3A = tpu.memref_slice %arg3[%mul3A_72] : memref<320000xi32, #tpu.memory_space<hbm>> -> memref<64xi32, #tpu.memory_space<hbm>>
          %dma_wait3A_73 = tpu.memref_slice %arg3[%mul3A_72] : memref<320000xi32, #tpu.memory_space<hbm>> -> memref<64xi32, #tpu.memory_space<hbm>>
          tpu.wait_dma2 semaphore(%arg15 : memref<!tpu.dma_semaphore, #tpu.memory_space<semaphore_mem>>) src(%dma_wait3A_73 : memref<64xi32, #tpu.memory_space<hbm>>) dst(%arg11 : memref<64xi32, #tpu.memory_space<vmem>>)
          %mul3A_74 = arith.constant 64 : i32
          %mul3A_75 = arith.muli %add3A_70, %mul3A_74 : i32
          %dma_wait3A_76 = arith.constant 0 : i32
          %dma_wait3A_77 = tpu.memref_slice %arg2[%mul3A_75, %dma_wait3A_76] : memref<320000x128xf32, #tpu.memory_space<hbm>> -> memref<64x128xf32, #tpu.memory_space<hbm>>
          %dma_wait3A_78 = arith.constant 0 : i32
          %dma_wait3A_79 = tpu.memref_slice %arg2[%mul3A_75, %dma_wait3A_78] : memref<320000x128xf32, #tpu.memory_space<hbm>> -> memref<64x128xf32, #tpu.memory_space<hbm>>
          tpu.wait_dma2 semaphore(%arg13 : memref<!tpu.dma_semaphore, #tpu.memory_space<semaphore_mem>>) src(%dma_wait3A_79 : memref<64x128xf32, #tpu.memory_space<hbm>>) dst(%arg9 : memref<64x128xf32, #tpu.memory_space<vmem>>)
          %add3A_80 = arith.constant 1 : i32
          %add3A_81 = arith.addi %add3A_65, %add3A_80 : i32
          %lt3A_82 = arith.cmpi slt, %add3A_81, %add3A_14 : i32
          %convert_element_type3A_83 = arith.extui %lt3A_82 : i1 to i32
          %cond3A_84 = arith.constant 0 : i32
          %cond3A_85 = arith.cmpi ne, %convert_element_type3A_83, %cond3A_84 : i32
          scf.if %cond3A_85 {
            %add3A_86 = arith.constant 1 : i32
            %add3A_87 = arith.addi %add3A_65, %add3A_86 : i32
            %add3A_88 = arith.addi %add3A, %add3A_87 : i32
            %mul3A_89 = arith.constant 64 : i32
            %mul3A_90 = arith.muli %add3A_88, %mul3A_89 : i32
            %dma_start3A_91 = tpu.memref_slice %arg3[%mul3A_90] : memref<320000xi32, #tpu.memory_space<hbm>> -> memref<64xi32, #tpu.memory_space<hbm>>
            %dma_start3A_92 = tpu.memref_slice %arg3[%mul3A_90] : memref<320000xi32, #tpu.memory_space<hbm>> -> memref<64xi32, #tpu.memory_space<hbm>>
            tpu.enqueue_dma source(%dma_start3A_92 : memref<64xi32, #tpu.memory_space<hbm>>) target(%arg10 : memref<64xi32, #tpu.memory_space<vmem>>) target_semaphore(%arg14 : memref<!tpu.dma_semaphore, #tpu.memory_space<semaphore_mem>>)
            %mul3A_93 = arith.constant 64 : i32
            %mul3A_94 = arith.muli %add3A_88, %mul3A_93 : i32
            %dma_start3A_95 = arith.constant 0 : i32
            %dma_start3A_96 = tpu.memref_slice %arg2[%mul3A_94, %dma_start3A_95] : memref<320000x128xf32, #tpu.memory_space<hbm>> -> memref<64x128xf32, #tpu.memory_space<hbm>>
            %dma_start3A_97 = arith.constant 0 : i32
            %dma_start3A_98 = tpu.memref_slice %arg2[%mul3A_94, %dma_start3A_97] : memref<320000x128xf32, #tpu.memory_space<hbm>> -> memref<64x128xf32, #tpu.memory_space<hbm>>
            tpu.enqueue_dma source(%dma_start3A_98 : memref<64x128xf32, #tpu.memory_space<hbm>>) target(%arg8 : memref<64x128xf32, #tpu.memory_space<vmem>>) target_semaphore(%arg12 : memref<!tpu.dma_semaphore, #tpu.memory_space<semaphore_mem>>)
          } else {
          }
          "tpu.region"() ({
            %run_scoped3A = tpu.sem_alloc : memref<!tpu.dma_semaphore, #tpu.memory_space<semaphore_mem>>
            %dma_start3A_86 = arith.constant 0 : i32
            %dma_start3A_87 = arith.constant 0 : i32
            %dma_start3A_88 = tpu.memref_slice %arg7[%dma_start3A_86, %dma_start3A_87] : memref<10240x128xf32, #tpu.memory_space<vmem_shared>> -> memref<10240x128xf32, #tpu.memory_space<vmem_shared>>
            tpu.enqueue_indirect_dma source(%arg9 : memref<64x128xf32, #tpu.memory_space<vmem>>) target(%dma_start3A_88 : memref<10240x128xf32, #tpu.memory_space<vmem_shared>>) offsets(%arg11 : memref<64xi32, #tpu.memory_space<vmem>>) semaphore(%run_scoped3A : memref<!tpu.dma_semaphore, #tpu.memory_space<semaphore_mem>>) {add = true}
            %dma_wait3A_89 = arith.constant 0 : i32
            %dma_wait3A_90 = arith.constant 0 : i32
            %dma_wait3A_91 = tpu.memref_slice %arg7[%dma_wait3A_89, %dma_wait3A_90] : memref<10240x128xf32, #tpu.memory_space<vmem_shared>> -> memref<10240x128xf32, #tpu.memory_space<vmem_shared>>
            tpu.wait_indirect_dma semaphore(%run_scoped3A : memref<!tpu.dma_semaphore, #tpu.memory_space<semaphore_mem>>) src(%arg9 : memref<64x128xf32, #tpu.memory_space<vmem>>) dst(%dma_wait3A_91 : memref<10240x128xf32, #tpu.memory_space<vmem_shared>>)
            tpu.yield
          }) : () -> ()
        } else {
        }
      }
      %scan3A_50 = arith.constant 157 : i32
    } else {
    }
    %eq3A_17 = arith.constant 1 : i32
    %eq3A_18 = arith.cmpi eq, %arg0, %eq3A_17 : i32
    %convert_element_type3A_19 = arith.extui %eq3A_18 : i1 to i32
    %cond3A_20 = arith.constant 0 : i32
    %cond3A_21 = arith.cmpi ne, %convert_element_type3A_19, %cond3A_20 : i32
    scf.if %cond3A_21 {
      %add3A_35 = arith.constant 0 : i32
      %add3A_36 = arith.addi %add3A, %add3A_35 : i32
      %mul3A_37 = arith.constant 64 : i32
      %mul3A_38 = arith.muli %add3A_36, %mul3A_37 : i32
      %dma_start3A = tpu.memref_slice %arg4[%mul3A_38] : memref<320000xi32, #tpu.memory_space<hbm>> -> memref<64xi32, #tpu.memory_space<hbm>>
      %dma_start3A_39 = tpu.memref_slice %arg4[%mul3A_38] : memref<320000xi32, #tpu.memory_space<hbm>> -> memref<64xi32, #tpu.memory_space<hbm>>
      tpu.enqueue_dma source(%dma_start3A_39 : memref<64xi32, #tpu.memory_space<hbm>>) target(%arg10 : memref<64xi32, #tpu.memory_space<vmem>>) target_semaphore(%arg14 : memref<!tpu.dma_semaphore, #tpu.memory_space<semaphore_mem>>)
      %mul3A_40 = arith.constant 64 : i32
      %mul3A_41 = arith.muli %add3A_36, %mul3A_40 : i32
      %dma_start3A_42 = arith.constant 0 : i32
      %dma_start3A_43 = tpu.memref_slice %arg2[%mul3A_41, %dma_start3A_42] : memref<320000x128xf32, #tpu.memory_space<hbm>> -> memref<64x128xf32, #tpu.memory_space<hbm>>
      %dma_start3A_44 = arith.constant 0 : i32
      %dma_start3A_45 = tpu.memref_slice %arg2[%mul3A_41, %dma_start3A_44] : memref<320000x128xf32, #tpu.memory_space<hbm>> -> memref<64x128xf32, #tpu.memory_space<hbm>>
      tpu.enqueue_dma source(%dma_start3A_45 : memref<64x128xf32, #tpu.memory_space<hbm>>) target(%arg8 : memref<64x128xf32, #tpu.memory_space<vmem>>) target_semaphore(%arg12 : memref<!tpu.dma_semaphore, #tpu.memory_space<semaphore_mem>>)
      %scan3A_46 = arith.constant 0 : i32
      %scan3A_47 = arith.constant 157 : i32
      %scan3A_48 = arith.addi %scan3A_46, %scan3A_47 : i32
      %scan3A_49 = arith.constant 1 : i32
      scf.for %scan3A_51 = %scan3A_46 to %scan3A_48 step %scan3A_49  : i32 {
        %mul3A_52 = arith.constant 1 : i32
        %mul3A_53 = arith.muli %scan3A_51, %mul3A_52 : i32
        %add3A_54 = arith.constant 0 : i32
        %add3A_55 = arith.addi %add3A_54, %mul3A_53 : i32
        %mul3A_56 = arith.constant 2 : i32
        %mul3A_57 = arith.muli %mul3A_56, %add3A_55 : i32
        %lt3A_58 = arith.cmpi slt, %mul3A_57, %add3A_14 : i32
        %convert_element_type3A_59 = arith.extui %lt3A_58 : i1 to i32
        %cond3A_60 = arith.constant 0 : i32
        %cond3A_61 = arith.cmpi ne, %convert_element_type3A_59, %cond3A_60 : i32
        scf.if %cond3A_61 {
          %add3A_70 = arith.addi %add3A, %mul3A_57 : i32
          %mul3A_71 = arith.constant 64 : i32
          %mul3A_72 = arith.muli %add3A_70, %mul3A_71 : i32
          %dma_wait3A = tpu.memref_slice %arg4[%mul3A_72] : memref<320000xi32, #tpu.memory_space<hbm>> -> memref<64xi32, #tpu.memory_space<hbm>>
          %dma_wait3A_73 = tpu.memref_slice %arg4[%mul3A_72] : memref<320000xi32, #tpu.memory_space<hbm>> -> memref<64xi32, #tpu.memory_space<hbm>>
          tpu.wait_dma2 semaphore(%arg14 : memref<!tpu.dma_semaphore, #tpu.memory_space<semaphore_mem>>) src(%dma_wait3A_73 : memref<64xi32, #tpu.memory_space<hbm>>) dst(%arg10 : memref<64xi32, #tpu.memory_space<vmem>>)
          %mul3A_74 = arith.constant 64 : i32
          %mul3A_75 = arith.muli %add3A_70, %mul3A_74 : i32
          %dma_wait3A_76 = arith.constant 0 : i32
          %dma_wait3A_77 = tpu.memref_slice %arg2[%mul3A_75, %dma_wait3A_76] : memref<320000x128xf32, #tpu.memory_space<hbm>> -> memref<64x128xf32, #tpu.memory_space<hbm>>
          %dma_wait3A_78 = arith.constant 0 : i32
          %dma_wait3A_79 = tpu.memref_slice %arg2[%mul3A_75, %dma_wait3A_78] : memref<320000x128xf32, #tpu.memory_space<hbm>> -> memref<64x128xf32, #tpu.memory_space<hbm>>
          tpu.wait_dma2 semaphore(%arg12 : memref<!tpu.dma_semaphore, #tpu.memory_space<semaphore_mem>>) src(%dma_wait3A_79 : memref<64x128xf32, #tpu.memory_space<hbm>>) dst(%arg8 : memref<64x128xf32, #tpu.memory_space<vmem>>)
          %add3A_80 = arith.constant 1 : i32
          %add3A_81 = arith.addi %mul3A_57, %add3A_80 : i32
          %lt3A_82 = arith.cmpi slt, %add3A_81, %add3A_14 : i32
          %convert_element_type3A_83 = arith.extui %lt3A_82 : i1 to i32
          %cond3A_84 = arith.constant 0 : i32
          %cond3A_85 = arith.cmpi ne, %convert_element_type3A_83, %cond3A_84 : i32
          scf.if %cond3A_85 {
            %add3A_86 = arith.constant 1 : i32
            %add3A_87 = arith.addi %mul3A_57, %add3A_86 : i32
            %add3A_88 = arith.addi %add3A, %add3A_87 : i32
            %mul3A_89 = arith.constant 64 : i32
            %mul3A_90 = arith.muli %add3A_88, %mul3A_89 : i32
            %dma_start3A_91 = tpu.memref_slice %arg4[%mul3A_90] : memref<320000xi32, #tpu.memory_space<hbm>> -> memref<64xi32, #tpu.memory_space<hbm>>
            %dma_start3A_92 = tpu.memref_slice %arg4[%mul3A_90] : memref<320000xi32, #tpu.memory_space<hbm>> -> memref<64xi32, #tpu.memory_space<hbm>>
            tpu.enqueue_dma source(%dma_start3A_92 : memref<64xi32, #tpu.memory_space<hbm>>) target(%arg11 : memref<64xi32, #tpu.memory_space<vmem>>) target_semaphore(%arg15 : memref<!tpu.dma_semaphore, #tpu.memory_space<semaphore_mem>>)
            %mul3A_93 = arith.constant 64 : i32
            %mul3A_94 = arith.muli %add3A_88, %mul3A_93 : i32
            %dma_start3A_95 = arith.constant 0 : i32
            %dma_start3A_96 = tpu.memref_slice %arg2[%mul3A_94, %dma_start3A_95] : memref<320000x128xf32, #tpu.memory_space<hbm>> -> memref<64x128xf32, #tpu.memory_space<hbm>>
            %dma_start3A_97 = arith.constant 0 : i32
            %dma_start3A_98 = tpu.memref_slice %arg2[%mul3A_94, %dma_start3A_97] : memref<320000x128xf32, #tpu.memory_space<hbm>> -> memref<64x128xf32, #tpu.memory_space<hbm>>
            tpu.enqueue_dma source(%dma_start3A_98 : memref<64x128xf32, #tpu.memory_space<hbm>>) target(%arg9 : memref<64x128xf32, #tpu.memory_space<vmem>>) target_semaphore(%arg13 : memref<!tpu.dma_semaphore, #tpu.memory_space<semaphore_mem>>)
          } else {
          }
          "tpu.region"() ({
            %run_scoped3A = tpu.sem_alloc : memref<!tpu.dma_semaphore, #tpu.memory_space<semaphore_mem>>
            %dma_start3A_86 = arith.constant 0 : i32
            %dma_start3A_87 = arith.constant 0 : i32
            %dma_start3A_88 = tpu.memref_slice %arg7[%dma_start3A_86, %dma_start3A_87] : memref<10240x128xf32, #tpu.memory_space<vmem_shared>> -> memref<10240x128xf32, #tpu.memory_space<vmem_shared>>
            tpu.enqueue_indirect_dma source(%arg8 : memref<64x128xf32, #tpu.memory_space<vmem>>) target(%dma_start3A_88 : memref<10240x128xf32, #tpu.memory_space<vmem_shared>>) offsets(%arg10 : memref<64xi32, #tpu.memory_space<vmem>>) semaphore(%run_scoped3A : memref<!tpu.dma_semaphore, #tpu.memory_space<semaphore_mem>>) {add = true}
            %dma_wait3A_89 = arith.constant 0 : i32
            %dma_wait3A_90 = arith.constant 0 : i32
            %dma_wait3A_91 = tpu.memref_slice %arg7[%dma_wait3A_89, %dma_wait3A_90] : memref<10240x128xf32, #tpu.memory_space<vmem_shared>> -> memref<10240x128xf32, #tpu.memory_space<vmem_shared>>
            tpu.wait_indirect_dma semaphore(%run_scoped3A : memref<!tpu.dma_semaphore, #tpu.memory_space<semaphore_mem>>) src(%arg8 : memref<64x128xf32, #tpu.memory_space<vmem>>) dst(%dma_wait3A_91 : memref<10240x128xf32, #tpu.memory_space<vmem_shared>>)
            tpu.yield
          }) : () -> ()
        } else {
        }
        %mul3A_62 = arith.constant 2 : i32
        %mul3A_63 = arith.muli %mul3A_62, %add3A_55 : i32
        %add3A_64 = arith.constant 1 : i32
        %add3A_65 = arith.addi %mul3A_63, %add3A_64 : i32
        %lt3A_66 = arith.cmpi slt, %add3A_65, %add3A_14 : i32
        %convert_element_type3A_67 = arith.extui %lt3A_66 : i1 to i32
        %cond3A_68 = arith.constant 0 : i32
        %cond3A_69 = arith.cmpi ne, %convert_element_type3A_67, %cond3A_68 : i32
        scf.if %cond3A_69 {
          %add3A_70 = arith.addi %add3A, %add3A_65 : i32
          %mul3A_71 = arith.constant 64 : i32
          %mul3A_72 = arith.muli %add3A_70, %mul3A_71 : i32
          %dma_wait3A = tpu.memref_slice %arg4[%mul3A_72] : memref<320000xi32, #tpu.memory_space<hbm>> -> memref<64xi32, #tpu.memory_space<hbm>>
          %dma_wait3A_73 = tpu.memref_slice %arg4[%mul3A_72] : memref<320000xi32, #tpu.memory_space<hbm>> -> memref<64xi32, #tpu.memory_space<hbm>>
          tpu.wait_dma2 semaphore(%arg15 : memref<!tpu.dma_semaphore, #tpu.memory_space<semaphore_mem>>) src(%dma_wait3A_73 : memref<64xi32, #tpu.memory_space<hbm>>) dst(%arg11 : memref<64xi32, #tpu.memory_space<vmem>>)
          %mul3A_74 = arith.constant 64 : i32
          %mul3A_75 = arith.muli %add3A_70, %mul3A_74 : i32
          %dma_wait3A_76 = arith.constant 0 : i32
          %dma_wait3A_77 = tpu.memref_slice %arg2[%mul3A_75, %dma_wait3A_76] : memref<320000x128xf32, #tpu.memory_space<hbm>> -> memref<64x128xf32, #tpu.memory_space<hbm>>
          %dma_wait3A_78 = arith.constant 0 : i32
          %dma_wait3A_79 = tpu.memref_slice %arg2[%mul3A_75, %dma_wait3A_78] : memref<320000x128xf32, #tpu.memory_space<hbm>> -> memref<64x128xf32, #tpu.memory_space<hbm>>
          tpu.wait_dma2 semaphore(%arg13 : memref<!tpu.dma_semaphore, #tpu.memory_space<semaphore_mem>>) src(%dma_wait3A_79 : memref<64x128xf32, #tpu.memory_space<hbm>>) dst(%arg9 : memref<64x128xf32, #tpu.memory_space<vmem>>)
          %add3A_80 = arith.constant 1 : i32
          %add3A_81 = arith.addi %add3A_65, %add3A_80 : i32
          %lt3A_82 = arith.cmpi slt, %add3A_81, %add3A_14 : i32
          %convert_element_type3A_83 = arith.extui %lt3A_82 : i1 to i32
          %cond3A_84 = arith.constant 0 : i32
          %cond3A_85 = arith.cmpi ne, %convert_element_type3A_83, %cond3A_84 : i32
          scf.if %cond3A_85 {
            %add3A_86 = arith.constant 1 : i32
            %add3A_87 = arith.addi %add3A_65, %add3A_86 : i32
            %add3A_88 = arith.addi %add3A, %add3A_87 : i32
            %mul3A_89 = arith.constant 64 : i32
            %mul3A_90 = arith.muli %add3A_88, %mul3A_89 : i32
            %dma_start3A_91 = tpu.memref_slice %arg4[%mul3A_90] : memref<320000xi32, #tpu.memory_space<hbm>> -> memref<64xi32, #tpu.memory_space<hbm>>
            %dma_start3A_92 = tpu.memref_slice %arg4[%mul3A_90] : memref<320000xi32, #tpu.memory_space<hbm>> -> memref<64xi32, #tpu.memory_space<hbm>>
            tpu.enqueue_dma source(%dma_start3A_92 : memref<64xi32, #tpu.memory_space<hbm>>) target(%arg10 : memref<64xi32, #tpu.memory_space<vmem>>) target_semaphore(%arg14 : memref<!tpu.dma_semaphore, #tpu.memory_space<semaphore_mem>>)
            %mul3A_93 = arith.constant 64 : i32
            %mul3A_94 = arith.muli %add3A_88, %mul3A_93 : i32
            %dma_start3A_95 = arith.constant 0 : i32
            %dma_start3A_96 = tpu.memref_slice %arg2[%mul3A_94, %dma_start3A_95] : memref<320000x128xf32, #tpu.memory_space<hbm>> -> memref<64x128xf32, #tpu.memory_space<hbm>>
            %dma_start3A_97 = arith.constant 0 : i32
            %dma_start3A_98 = tpu.memref_slice %arg2[%mul3A_94, %dma_start3A_97] : memref<320000x128xf32, #tpu.memory_space<hbm>> -> memref<64x128xf32, #tpu.memory_space<hbm>>
            tpu.enqueue_dma source(%dma_start3A_98 : memref<64x128xf32, #tpu.memory_space<hbm>>) target(%arg8 : memref<64x128xf32, #tpu.memory_space<vmem>>) target_semaphore(%arg12 : memref<!tpu.dma_semaphore, #tpu.memory_space<semaphore_mem>>)
          } else {
          }
          "tpu.region"() ({
            %run_scoped3A = tpu.sem_alloc : memref<!tpu.dma_semaphore, #tpu.memory_space<semaphore_mem>>
            %dma_start3A_86 = arith.constant 0 : i32
            %dma_start3A_87 = arith.constant 0 : i32
            %dma_start3A_88 = tpu.memref_slice %arg7[%dma_start3A_86, %dma_start3A_87] : memref<10240x128xf32, #tpu.memory_space<vmem_shared>> -> memref<10240x128xf32, #tpu.memory_space<vmem_shared>>
            tpu.enqueue_indirect_dma source(%arg9 : memref<64x128xf32, #tpu.memory_space<vmem>>) target(%dma_start3A_88 : memref<10240x128xf32, #tpu.memory_space<vmem_shared>>) offsets(%arg11 : memref<64xi32, #tpu.memory_space<vmem>>) semaphore(%run_scoped3A : memref<!tpu.dma_semaphore, #tpu.memory_space<semaphore_mem>>) {add = true}
            %dma_wait3A_89 = arith.constant 0 : i32
            %dma_wait3A_90 = arith.constant 0 : i32
            %dma_wait3A_91 = tpu.memref_slice %arg7[%dma_wait3A_89, %dma_wait3A_90] : memref<10240x128xf32, #tpu.memory_space<vmem_shared>> -> memref<10240x128xf32, #tpu.memory_space<vmem_shared>>
            tpu.wait_indirect_dma semaphore(%run_scoped3A : memref<!tpu.dma_semaphore, #tpu.memory_space<semaphore_mem>>) src(%arg9 : memref<64x128xf32, #tpu.memory_space<vmem>>) dst(%dma_wait3A_91 : memref<10240x128xf32, #tpu.memory_space<vmem_shared>>)
            tpu.yield
          }) : () -> ()
        } else {
        }
      }
      %scan3A_50 = arith.constant 157 : i32
    } else {
    }
    %barrier3A_22 = arith.constant 0 : index
    tpu.barrier barrier_id(%barrier3A_22)
    %mul3A_23 = arith.constant 640 : i32
    %mul3A_24 = arith.muli %arg1, %mul3A_23 : i32
    %eq3A_25 = arith.constant 0 : i32
    %eq3A_26 = arith.cmpi eq, %arg0, %eq3A_25 : i32
    %convert_element_type3A_27 = arith.extui %eq3A_26 : i1 to i32
    %cond3A_28 = arith.constant 0 : i32
    %cond3A_29 = arith.cmpi ne, %convert_element_type3A_27, %cond3A_28 : i32
    scf.if %cond3A_29 {
      "tpu.region"() ({
        %run_scoped3A = tpu.sem_alloc : memref<!tpu.dma_semaphore, #tpu.memory_space<semaphore_mem>>
        %dma_start3A = arith.constant 0 : i32
        %dma_start3A_35 = tpu.memref_slice %arg5[%mul3A_24, %dma_start3A] : memref<10240x128xf32, #tpu.memory_space<hbm>> -> memref<640x128xf32, #tpu.memory_space<hbm>>
        %dma_start3A_36 = arith.constant 0 : i32
        %dma_start3A_37 = tpu.memref_slice %arg7[%mul3A_24, %dma_start3A_36] : memref<10240x128xf32, #tpu.memory_space<vmem_shared>> -> memref<640x128xf32, #tpu.memory_space<vmem_shared>>
        tpu.enqueue_dma source(%dma_start3A_37 : memref<640x128xf32, #tpu.memory_space<vmem_shared>>) target(%dma_start3A_35 : memref<640x128xf32, #tpu.memory_space<hbm>>) target_semaphore(%run_scoped3A : memref<!tpu.dma_semaphore, #tpu.memory_space<semaphore_mem>>)
        %dma_wait3A = arith.constant 0 : i32
        %dma_wait3A_38 = tpu.memref_slice %arg5[%mul3A_24, %dma_wait3A] : memref<10240x128xf32, #tpu.memory_space<hbm>> -> memref<640x128xf32, #tpu.memory_space<hbm>>
        %dma_wait3A_39 = arith.constant 0 : i32
        %dma_wait3A_40 = tpu.memref_slice %arg7[%mul3A_24, %dma_wait3A_39] : memref<10240x128xf32, #tpu.memory_space<vmem_shared>> -> memref<640x128xf32, #tpu.memory_space<vmem_shared>>
        tpu.wait_dma2 semaphore(%run_scoped3A : memref<!tpu.dma_semaphore, #tpu.memory_space<semaphore_mem>>) src(%dma_wait3A_40 : memref<640x128xf32, #tpu.memory_space<vmem_shared>>) dst(%dma_wait3A_38 : memref<640x128xf32, #tpu.memory_space<hbm>>)
        tpu.yield
      }) : () -> ()
    } else {
    }
    %eq3A_30 = arith.constant 1 : i32
    %eq3A_31 = arith.cmpi eq, %arg0, %eq3A_30 : i32
    %convert_element_type3A_32 = arith.extui %eq3A_31 : i1 to i32
    %cond3A_33 = arith.constant 0 : i32
    %cond3A_34 = arith.cmpi ne, %convert_element_type3A_32, %cond3A_33 : i32
    scf.if %cond3A_34 {
      "tpu.region"() ({
        %run_scoped3A = tpu.sem_alloc : memref<!tpu.dma_semaphore, #tpu.memory_space<semaphore_mem>>
        %dma_start3A = arith.constant 0 : i32
        %dma_start3A_35 = tpu.memref_slice %arg6[%mul3A_24, %dma_start3A] : memref<10240x128xf32, #tpu.memory_space<hbm>> -> memref<640x128xf32, #tpu.memory_space<hbm>>
        %dma_start3A_36 = arith.constant 0 : i32
        %dma_start3A_37 = tpu.memref_slice %arg7[%mul3A_24, %dma_start3A_36] : memref<10240x128xf32, #tpu.memory_space<vmem_shared>> -> memref<640x128xf32, #tpu.memory_space<vmem_shared>>
        tpu.enqueue_dma source(%dma_start3A_37 : memref<640x128xf32, #tpu.memory_space<vmem_shared>>) target(%dma_start3A_35 : memref<640x128xf32, #tpu.memory_space<hbm>>) target_semaphore(%run_scoped3A : memref<!tpu.dma_semaphore, #tpu.memory_space<semaphore_mem>>)
        %dma_wait3A = arith.constant 0 : i32
        %dma_wait3A_38 = tpu.memref_slice %arg6[%mul3A_24, %dma_wait3A] : memref<10240x128xf32, #tpu.memory_space<hbm>> -> memref<640x128xf32, #tpu.memory_space<hbm>>
        %dma_wait3A_39 = arith.constant 0 : i32
        %dma_wait3A_40 = tpu.memref_slice %arg7[%mul3A_24, %dma_wait3A_39] : memref<10240x128xf32, #tpu.memory_space<vmem_shared>> -> memref<640x128xf32, #tpu.memory_space<vmem_shared>>
        tpu.wait_dma2 semaphore(%run_scoped3A : memref<!tpu.dma_semaphore, #tpu.memory_space<semaphore_mem>>) src(%dma_wait3A_40 : memref<640x128xf32, #tpu.memory_space<vmem_shared>>) dst(%dma_wait3A_38 : memref<640x128xf32, #tpu.memory_space<hbm>>)
        tpu.yield
      }) : () -> ()
    } else {
    }
    return
  }
}

module attributes {stable_mosaic.version = 14 : i64} {
  func.func @_premul_body(%arg0: i32, %arg1: memref<1000x128xf32, #tpu.memory_space<vmem>>, %arg2: memref<128x128xf32, #tpu.memory_space<vmem>>, %arg3: memref<128x128xf32, #tpu.memory_space<vmem>>, %arg4: memref<1000x128xf32, #tpu.memory_space<vmem>>, %arg5: memref<1000x128xf32, #tpu.memory_space<vmem>>) attributes {dimension_semantics = [#tpu.dimension_semantics<arbitrary>], iteration_bounds = array<i64: 10>, scalar_prefetch = 0 : i64, scratch_operands = 0 : i64, tpu.core_type = #tpu.core_type<tc>, window_params = [{transform_indices = @transform_0, window_bounds = array<i64: 1000, 128>}, {pipeline_mode = #tpu.pipeline_mode<synchronous>, transform_indices = @transform_1, window_bounds = array<i64: 128, 128>}, {pipeline_mode = #tpu.pipeline_mode<synchronous>, transform_indices = @transform_2, window_bounds = array<i64: 128, 128>}, {transform_indices = @transform_3, window_bounds = array<i64: 1000, 128>}, {transform_indices = @transform_4, window_bounds = array<i64: 1000, 128>}]} {
    %get3A = arith.constant 0 : index
    %get3A_0 = arith.constant 0 : index
    %get3A_1 = vector.load %arg1[%get3A, %get3A_0] : memref<1000x128xf32, #tpu.memory_space<vmem>>, vector<1000x128xf32>
    %get3A_2 = arith.constant 0 : index
    %get3A_3 = arith.constant 0 : index
    %get3A_4 = vector.load %arg2[%get3A_2, %get3A_3] : memref<128x128xf32, #tpu.memory_space<vmem>>, vector<128x128xf32>
    %dot_general3A = arith.constant dense<0.000000e+00> : vector<1000x128xf32>
    %dot_general3A_5 = tpu.matmul %get3A_1, %get3A_4, %dot_general3A {dimension_numbers = #tpu.dot_dimension_numbers<[1], [0], [0], [1], [0, 0, 1, 1], [], []>, transpose_lhs_hint = false} : vector<1000x128xf32>, vector<128x128xf32>, vector<1000x128xf32> -> vector<1000x128xf32>
    %swap3A = arith.constant 0 : index
    %swap3A_6 = arith.constant 0 : index
    %swap3A_7 = vector.load %arg4[%swap3A, %swap3A_6] : memref<1000x128xf32, #tpu.memory_space<vmem>>, vector<1000x128xf32>
    tpu.vector_store %arg4[%swap3A, %swap3A_6], %dot_general3A_5 {strides = array<i32>} : memref<1000x128xf32, #tpu.memory_space<vmem>>, vector<1000x128xf32>,
    %get3A_8 = arith.constant 0 : index
    %get3A_9 = arith.constant 0 : index
    %get3A_10 = vector.load %arg3[%get3A_8, %get3A_9] : memref<128x128xf32, #tpu.memory_space<vmem>>, vector<128x128xf32>
    %dot_general3A_11 = arith.constant dense<0.000000e+00> : vector<1000x128xf32>
    %dot_general3A_12 = tpu.matmul %get3A_1, %get3A_10, %dot_general3A_11 {dimension_numbers = #tpu.dot_dimension_numbers<[1], [0], [0], [1], [0, 0, 1, 1], [], []>, transpose_lhs_hint = false} : vector<1000x128xf32>, vector<128x128xf32>, vector<1000x128xf32> -> vector<1000x128xf32>
    %swap3A_13 = arith.constant 0 : index
    %swap3A_14 = arith.constant 0 : index
    %swap3A_15 = vector.load %arg5[%swap3A_13, %swap3A_14] : memref<1000x128xf32, #tpu.memory_space<vmem>>, vector<1000x128xf32>
    tpu.vector_store %arg5[%swap3A_13, %swap3A_14], %dot_general3A_12 {strides = array<i32>} : memref<1000x128xf32, #tpu.memory_space<vmem>>, vector<1000x128xf32>,
    return
  }
  func.func @transform_0(%arg0: i32) -> (i32, i32) {
    %c0_i32 = arith.constant 0 : i32
    %c0_i32_0 = arith.constant 0 : i32
    return %arg0, %c0_i32 : i32, i32
  }
  func.func @transform_1(%arg0: i32) -> (i32, i32) {
    %c0_i32 = arith.constant 0 : i32
    %c0_i32_0 = arith.constant 0 : i32
    %c0_i32_1 = arith.constant 0 : i32
    return %c0_i32, %c0_i32_0 : i32, i32
  }
  func.func @transform_2(%arg0: i32) -> (i32, i32) {
    %c0_i32 = arith.constant 0 : i32
    %c0_i32_0 = arith.constant 0 : i32
    %c0_i32_1 = arith.constant 0 : i32
    return %c0_i32, %c0_i32_0 : i32, i32
  }
  func.func @transform_3(%arg0: i32) -> (i32, i32) {
    %c0_i32 = arith.constant 0 : i32
    %c0_i32_0 = arith.constant 0 : i32
    return %arg0, %c0_i32 : i32, i32
  }
  func.func @transform_4(%arg0: i32) -> (i32, i32) {
    %c0_i32 = arith.constant 0 : i32
    %c0_i32_0 = arith.constant 0 : i32
    return %arg0, %c0_i32 : i32, i32
  }
}

module attributes {stable_mosaic.version = 14 : i64} {
  func.func @_edge_body(%arg0: i32, %arg1: memref<2000x128xf32, #tpu.memory_space<vmem>>, %arg2: memref<2000x128xf32, #tpu.memory_space<vmem>>, %arg3: memref<128x128xf32, #tpu.memory_space<vmem>>, %arg4: memref<1x128xf32, #tpu.memory_space<vmem>>, %arg5: memref<128x128xf32, #tpu.memory_space<vmem>>, %arg6: memref<1x128xf32, #tpu.memory_space<vmem>>, %arg7: memref<2000x128xf32, #tpu.memory_space<vmem>>, %arg8: memref<2000x128xf32, #tpu.memory_space<vmem>>) attributes {dimension_semantics = [#tpu.dimension_semantics<arbitrary>], iteration_bounds = array<i64: 160>, scalar_prefetch = 0 : i64, scratch_operands = 0 : i64, tpu.core_type = #tpu.core_type<tc>, window_params = [{transform_indices = @transform_0, window_bounds = array<i64: 2000, 128>}, {transform_indices = @transform_1, window_bounds = array<i64: 2000, 128>}, {pipeline_mode = #tpu.pipeline_mode<synchronous>, transform_indices = @transform_2, window_bounds = array<i64: 128, 128>}, {pipeline_mode = #tpu.pipeline_mode<synchronous>, transform_indices = @transform_3, window_bounds = array<i64: 1, 128>}, {pipeline_mode = #tpu.pipeline_mode<synchronous>, transform_indices = @transform_4, window_bounds = array<i64: 128, 128>}, {pipeline_mode = #tpu.pipeline_mode<synchronous>, transform_indices = @transform_5, window_bounds = array<i64: 1, 128>}, {transform_indices = @transform_6, window_bounds = array<i64: 2000, 128>}, {transform_indices = @transform_7, window_bounds = array<i64: 2000, 128>}]} {
    %get3A = arith.constant 0 : index
    %get3A_0 = arith.constant 0 : index
    %get3A_1 = vector.load %arg2[%get3A, %get3A_0] : memref<2000x128xf32, #tpu.memory_space<vmem>>, vector<2000x128xf32>
    %get3A_2 = arith.constant 0 : index
    %get3A_3 = arith.constant 0 : index
    %get3A_4 = vector.load %arg3[%get3A_2, %get3A_3] : memref<128x128xf32, #tpu.memory_space<vmem>>, vector<128x128xf32>
    %dot_general3A = arith.constant dense<0.000000e+00> : vector<2000x128xf32>
    %dot_general3A_5 = tpu.matmul %get3A_1, %get3A_4, %dot_general3A {dimension_numbers = #tpu.dot_dimension_numbers<[1], [0], [0], [1], [0, 0, 1, 1], [], []>, transpose_lhs_hint = false} : vector<2000x128xf32>, vector<128x128xf32>, vector<2000x128xf32> -> vector<2000x128xf32>
    %get3A_6 = arith.constant 0 : index
    %get3A_7 = arith.constant 0 : index
    %get3A_8 = vector.load %arg1[%get3A_6, %get3A_7] : memref<2000x128xf32, #tpu.memory_space<vmem>>, vector<2000x128xf32>
    %add3A = arith.addf %get3A_8, %dot_general3A_5 : vector<2000x128xf32>
    %get3A_9 = arith.constant 0 : index
    %get3A_10 = arith.constant 0 : index
    %get3A_11 = vector.load %arg4[%get3A_9, %get3A_10] : memref<1x128xf32, #tpu.memory_space<vmem>>, vector<1x128xf32>
    %add3A_12 = vector.broadcast %get3A_11 : vector<1x128xf32> to vector<2000x128xf32>
    %add3A_13 = arith.addf %add3A, %add3A_12 : vector<2000x128xf32>
    %ge3A = arith.constant 0.000000e+00 : f32
    %ge3A_14 = vector.broadcast %ge3A : f32 to vector<2000x128xf32>
    %ge3A_15 = arith.cmpf oge, %add3A_13, %ge3A_14 : vector<2000x128xf32>
    %mul3A = arith.constant 0.00999999977 : f32
    %mul3A_16 = vector.broadcast %mul3A : f32 to vector<2000x128xf32>
    %mul3A_17 = arith.mulf %mul3A_16, %add3A_13 : vector<2000x128xf32>
    %select_n3A = arith.select %ge3A_15, %add3A_13, %mul3A_17 : vector<2000x128xi1>, vector<2000x128xf32>
    %swap3A = arith.constant 0 : index
    %swap3A_18 = arith.constant 0 : index
    %swap3A_19 = vector.load %arg7[%swap3A, %swap3A_18] : memref<2000x128xf32, #tpu.memory_space<vmem>>, vector<2000x128xf32>
    tpu.vector_store %arg7[%swap3A, %swap3A_18], %select_n3A {strides = array<i32>} : memref<2000x128xf32, #tpu.memory_space<vmem>>, vector<2000x128xf32>,
    %get3A_20 = arith.constant 0 : index
    %get3A_21 = arith.constant 0 : index
    %get3A_22 = vector.load %arg5[%get3A_20, %get3A_21] : memref<128x128xf32, #tpu.memory_space<vmem>>, vector<128x128xf32>
    %dot_general3A_23 = arith.constant dense<0.000000e+00> : vector<2000x128xf32>
    %dot_general3A_24 = tpu.matmul %select_n3A, %get3A_22, %dot_general3A_23 {dimension_numbers = #tpu.dot_dimension_numbers<[1], [0], [0], [1], [0, 0, 1, 1], [], []>, transpose_lhs_hint = false} : vector<2000x128xf32>, vector<128x128xf32>, vector<2000x128xf32> -> vector<2000x128xf32>
    %get3A_25 = arith.constant 0 : index
    %get3A_26 = arith.constant 0 : index
    %get3A_27 = vector.load %arg6[%get3A_25, %get3A_26] : memref<1x128xf32, #tpu.memory_space<vmem>>, vector<1x128xf32>
    %add3A_28 = vector.broadcast %get3A_27 : vector<1x128xf32> to vector<2000x128xf32>
    %add3A_29 = arith.addf %dot_general3A_24, %add3A_28 : vector<2000x128xf32>
    %ge3A_30 = arith.constant 0.000000e+00 : f32
    %ge3A_31 = vector.broadcast %ge3A_30 : f32 to vector<2000x128xf32>
    %ge3A_32 = arith.cmpf oge, %add3A_29, %ge3A_31 : vector<2000x128xf32>
    %mul3A_33 = arith.constant 0.00999999977 : f32
    %mul3A_34 = vector.broadcast %mul3A_33 : f32 to vector<2000x128xf32>
    %mul3A_35 = arith.mulf %mul3A_34, %add3A_29 : vector<2000x128xf32>
    %select_n3A_36 = arith.select %ge3A_32, %add3A_29, %mul3A_35 : vector<2000x128xi1>, vector<2000x128xf32>
    %swap3A_37 = arith.constant 0 : index
    %swap3A_38 = arith.constant 0 : index
    %swap3A_39 = vector.load %arg8[%swap3A_37, %swap3A_38] : memref<2000x128xf32, #tpu.memory_space<vmem>>, vector<2000x128xf32>
    tpu.vector_store %arg8[%swap3A_37, %swap3A_38], %select_n3A_36 {strides = array<i32>} : memref<2000x128xf32, #tpu.memory_space<vmem>>, vector<2000x128xf32>,
    return
  }
  func.func @transform_0(%arg0: i32) -> (i32, i32) {
    %c0_i32 = arith.constant 0 : i32
    %c0_i32_0 = arith.constant 0 : i32
    return %arg0, %c0_i32 : i32, i32
  }
  func.func @transform_1(%arg0: i32) -> (i32, i32) {
    %c0_i32 = arith.constant 0 : i32
    %c0_i32_0 = arith.constant 0 : i32
    return %arg0, %c0_i32 : i32, i32
  }
  func.func @transform_2(%arg0: i32) -> (i32, i32) {
    %c0_i32 = arith.constant 0 : i32
    %c0_i32_0 = arith.constant 0 : i32
    %c0_i32_1 = arith.constant 0 : i32
    return %c0_i32, %c0_i32_0 : i32, i32
  }
  func.func @transform_3(%arg0: i32) -> (i32, i32) {
    %c0_i32 = arith.constant 0 : i32
    %c0_i32_0 = arith.constant 0 : i32
    %c0_i32_1 = arith.constant 0 : i32
    return %c0_i32, %c0_i32_0 : i32, i32
  }
  func.func @transform_4(%arg0: i32) -> (i32, i32) {
    %c0_i32 = arith.constant 0 : i32
    %c0_i32_0 = arith.constant 0 : i32
    %c0_i32_1 = arith.constant 0 : i32
    return %c0_i32, %c0_i32_0 : i32, i32
  }
  func.func @transform_5(%arg0: i32) -> (i32, i32) {
    %c0_i32 = arith.constant 0 : i32
    %c0_i32_0 = arith.constant 0 : i32
    %c0_i32_1 = arith.constant 0 : i32
    return %c0_i32, %c0_i32_0 : i32, i32
  }
  func.func @transform_6(%arg0: i32) -> (i32, i32) {
    %c0_i32 = arith.constant 0 : i32
    %c0_i32_0 = arith.constant 0 : i32
    return %arg0, %c0_i32 : i32, i32
  }
  func.func @transform_7(%arg0: i32) -> (i32, i32) {
    %c0_i32 = arith.constant 0 : i32
    %c0_i32_0 = arith.constant 0 : i32
    return %arg0, %c0_i32 : i32, i32
  }
}

module attributes {stable_mosaic.version = 14 : i64} {
  func.func @_node_body(%arg0: i32, %arg1: memref<1024x128xf32, #tpu.memory_space<vmem>>, %arg2: memref<1024x128xf32, #tpu.memory_space<vmem>>, %arg3: memref<1024x128xf32, #tpu.memory_space<vmem>>, %arg4: memref<1024x128xf32, #tpu.memory_space<vmem>>, %arg5: memref<128x128xf32, #tpu.memory_space<vmem>>, %arg6: memref<128x128xf32, #tpu.memory_space<vmem>>, %arg7: memref<1x128xf32, #tpu.memory_space<vmem>>, %arg8: memref<1x128xf32, #tpu.memory_space<vmem>>, %arg9: memref<128x128xf32, #tpu.memory_space<vmem>>, %arg10: memref<1x128xf32, #tpu.memory_space<vmem>>, %arg11: memref<128x128xf32, #tpu.memory_space<vmem>>, %arg12: memref<1x128xf32, #tpu.memory_space<vmem>>, %arg13: memref<1024x128xf32, #tpu.memory_space<vmem>>) attributes {dimension_semantics = [#tpu.dimension_semantics<arbitrary>], iteration_bounds = array<i64: 10>, scalar_prefetch = 0 : i64, scratch_operands = 0 : i64, tpu.core_type = #tpu.core_type<tc>, window_params = [{transform_indices = @transform_0, window_bounds = array<i64: 1024, 128>}, {transform_indices = @transform_1, window_bounds = array<i64: 1024, 128>}, {transform_indices = @transform_2, window_bounds = array<i64: 1024, 128>}, {transform_indices = @transform_3, window_bounds = array<i64: 1024, 128>}, {pipeline_mode = #tpu.pipeline_mode<synchronous>, transform_indices = @transform_4, window_bounds = array<i64: 128, 128>}, {pipeline_mode = #tpu.pipeline_mode<synchronous>, transform_indices = @transform_5, window_bounds = array<i64: 128, 128>}, {pipeline_mode = #tpu.pipeline_mode<synchronous>, transform_indices = @transform_6, window_bounds = array<i64: 1, 128>}, {pipeline_mode = #tpu.pipeline_mode<synchronous>, transform_indices = @transform_7, window_bounds = array<i64: 1, 128>}, {pipeline_mode = #tpu.pipeline_mode<synchronous>, transform_indices = @transform_8, window_bounds = array<i64: 128, 128>}, {pipeline_mode = #tpu.pipeline_mode<synchronous>, transform_indices = @transform_9, window_bounds = array<i64: 1, 128>}, {pipeline_mode = #tpu.pipeline_mode<synchronous>, transform_indices = @transform_10, window_bounds = array<i64: 128, 128>}, {pipeline_mode = #tpu.pipeline_mode<synchronous>, transform_indices = @transform_11, window_bounds = array<i64: 1, 128>}, {transform_indices = @transform_12, window_bounds = array<i64: 1024, 128>}]} {
    %get3A = arith.constant 0 : index
    %get3A_0 = arith.constant 0 : index
    %get3A_1 = vector.load %arg3[%get3A, %get3A_0] : memref<1024x128xf32, #tpu.memory_space<vmem>>, vector<1024x1xf32>
    %get3A_2 = arith.constant 0 : index
    %get3A_3 = arith.constant 0 : index
    %get3A_4 = vector.load %arg4[%get3A_2, %get3A_3] : memref<1024x128xf32, #tpu.memory_space<vmem>>, vector<1024x1xf32>
    %get3A_5 = arith.constant 0 : index
    %get3A_6 = arith.constant 0 : index
    %get3A_7 = vector.load %arg1[%get3A_5, %get3A_6] : memref<1024x128xf32, #tpu.memory_space<vmem>>, vector<1024x128xf32>
    %get3A_8 = arith.constant 0 : index
    %get3A_9 = arith.constant 0 : index
    %get3A_10 = vector.load %arg5[%get3A_8, %get3A_9] : memref<128x128xf32, #tpu.memory_space<vmem>>, vector<128x128xf32>
    %dot_general3A = arith.constant dense<0.000000e+00> : vector<1024x128xf32>
    %dot_general3A_11 = tpu.matmul %get3A_7, %get3A_10, %dot_general3A {dimension_numbers = #tpu.dot_dimension_numbers<[1], [0], [0], [1], [0, 0, 1, 1], [], []>, transpose_lhs_hint = false} : vector<1024x128xf32>, vector<128x128xf32>, vector<1024x128xf32> -> vector<1024x128xf32>
    %get3A_12 = arith.constant 0 : index
    %get3A_13 = arith.constant 0 : index
    %get3A_14 = vector.load %arg2[%get3A_12, %get3A_13] : memref<1024x128xf32, #tpu.memory_space<vmem>>, vector<1024x128xf32>
    %get3A_15 = arith.constant 0 : index
    %get3A_16 = arith.constant 0 : index
    %get3A_17 = vector.load %arg6[%get3A_15, %get3A_16] : memref<128x128xf32, #tpu.memory_space<vmem>>, vector<128x128xf32>
    %dot_general3A_18 = arith.constant dense<0.000000e+00> : vector<1024x128xf32>
    %dot_general3A_19 = tpu.matmul %get3A_14, %get3A_17, %dot_general3A_18 {dimension_numbers = #tpu.dot_dimension_numbers<[1], [0], [0], [1], [0, 0, 1, 1], [], []>, transpose_lhs_hint = false} : vector<1024x128xf32>, vector<128x128xf32>, vector<1024x128xf32> -> vector<1024x128xf32>
    %add3A = arith.addf %dot_general3A_11, %dot_general3A_19 : vector<1024x128xf32>
    %get3A_20 = arith.constant 0 : index
    %get3A_21 = arith.constant 0 : index
    %get3A_22 = vector.load %arg7[%get3A_20, %get3A_21] : memref<1x128xf32, #tpu.memory_space<vmem>>, vector<1x128xf32>
    %mul3A = vector.broadcast %get3A_1 : vector<1024x1xf32> to vector<1024x128xf32>
    %mul3A_23 = vector.broadcast %get3A_22 : vector<1x128xf32> to vector<1024x128xf32>
    %mul3A_24 = arith.mulf %mul3A, %mul3A_23 : vector<1024x128xf32>
    %add3A_25 = arith.addf %add3A, %mul3A_24 : vector<1024x128xf32>
    %get3A_26 = arith.constant 0 : index
    %get3A_27 = arith.constant 0 : index
    %get3A_28 = vector.load %arg8[%get3A_26, %get3A_27] : memref<1x128xf32, #tpu.memory_space<vmem>>, vector<1x128xf32>
    %mul3A_29 = vector.broadcast %get3A_4 : vector<1024x1xf32> to vector<1024x128xf32>
    %mul3A_30 = vector.broadcast %get3A_28 : vector<1x128xf32> to vector<1024x128xf32>
    %mul3A_31 = arith.mulf %mul3A_29, %mul3A_30 : vector<1024x128xf32>
    %add3A_32 = arith.addf %add3A_25, %mul3A_31 : vector<1024x128xf32>
    %add3A_33 = arith.addf %get3A_1, %get3A_4 : vector<1024x1xf32>
    %max3A = arith.constant 1.000000e+00 : f32
    %max3A_34 = vector.broadcast %max3A : f32 to vector<1024x1xf32>
    %max3A_35 = arith.maximumf %add3A_33, %max3A_34 : vector<1024x1xf32>
    %div3A = vector.broadcast %max3A_35 : vector<1024x1xf32> to vector<1024x128xf32>
    %div3A_36 = arith.divf %add3A_32, %div3A : vector<1024x128xf32>
    %ge3A = arith.constant 0.000000e+00 : f32
    %ge3A_37 = vector.broadcast %ge3A : f32 to vector<1024x128xf32>
    %ge3A_38 = arith.cmpf oge, %div3A_36, %ge3A_37 : vector<1024x128xf32>
    %mul3A_39 = arith.constant 0.00999999977 : f32
    %mul3A_40 = vector.broadcast %mul3A_39 : f32 to vector<1024x128xf32>
    %mul3A_41 = arith.mulf %mul3A_40, %div3A_36 : vector<1024x128xf32>
    %select_n3A = arith.select %ge3A_38, %div3A_36, %mul3A_41 : vector<1024x128xi1>, vector<1024x128xf32>
    %get3A_42 = arith.constant 0 : index
    %get3A_43 = arith.constant 0 : index
    %get3A_44 = vector.load %arg9[%get3A_42, %get3A_43] : memref<128x128xf32, #tpu.memory_space<vmem>>, vector<128x128xf32>
    %dot_general3A_45 = arith.constant dense<0.000000e+00> : vector<1024x128xf32>
    %dot_general3A_46 = tpu.matmul %select_n3A, %get3A_44, %dot_general3A_45 {dimension_numbers = #tpu.dot_dimension_numbers<[1], [0], [0], [1], [0, 0, 1, 1], [], []>, transpose_lhs_hint = false} : vector<1024x128xf32>, vector<128x128xf32>, vector<1024x128xf32> -> vector<1024x128xf32>
    %get3A_47 = arith.constant 0 : index
    %get3A_48 = arith.constant 0 : index
    %get3A_49 = vector.load %arg10[%get3A_47, %get3A_48] : memref<1x128xf32, #tpu.memory_space<vmem>>, vector<1x128xf32>
    %add3A_50 = vector.broadcast %get3A_49 : vector<1x128xf32> to vector<1024x128xf32>
    %add3A_51 = arith.addf %dot_general3A_46, %add3A_50 : vector<1024x128xf32>
    %ge3A_52 = arith.constant 0.000000e+00 : f32
    %ge3A_53 = vector.broadcast %ge3A_52 : f32 to vector<1024x128xf32>
    %ge3A_54 = arith.cmpf oge, %add3A_51, %ge3A_53 : vector<1024x128xf32>
    %mul3A_55 = arith.constant 0.00999999977 : f32
    %mul3A_56 = vector.broadcast %mul3A_55 : f32 to vector<1024x128xf32>
    %mul3A_57 = arith.mulf %mul3A_56, %add3A_51 : vector<1024x128xf32>
    %select_n3A_58 = arith.select %ge3A_54, %add3A_51, %mul3A_57 : vector<1024x128xi1>, vector<1024x128xf32>
    %get3A_59 = arith.constant 0 : index
    %get3A_60 = arith.constant 0 : index
    %get3A_61 = vector.load %arg11[%get3A_59, %get3A_60] : memref<128x128xf32, #tpu.memory_space<vmem>>, vector<128x128xf32>
    %dot_general3A_62 = arith.constant dense<0.000000e+00> : vector<1024x128xf32>
    %dot_general3A_63 = tpu.matmul %select_n3A_58, %get3A_61, %dot_general3A_62 {dimension_numbers = #tpu.dot_dimension_numbers<[1], [0], [0], [1], [0, 0, 1, 1], [], []>, transpose_lhs_hint = false} : vector<1024x128xf32>, vector<128x128xf32>, vector<1024x128xf32> -> vector<1024x128xf32>
    %get3A_64 = arith.constant 0 : index
    %get3A_65 = arith.constant 0 : index
    %get3A_66 = vector.load %arg12[%get3A_64, %get3A_65] : memref<1x128xf32, #tpu.memory_space<vmem>>, vector<1x128xf32>
    %add3A_67 = vector.broadcast %get3A_66 : vector<1x128xf32> to vector<1024x128xf32>
    %add3A_68 = arith.addf %dot_general3A_63, %add3A_67 : vector<1024x128xf32>
    %ge3A_69 = arith.constant 0.000000e+00 : f32
    %ge3A_70 = vector.broadcast %ge3A_69 : f32 to vector<1024x128xf32>
    %ge3A_71 = arith.cmpf oge, %add3A_68, %ge3A_70 : vector<1024x128xf32>
    %mul3A_72 = arith.constant 0.00999999977 : f32
    %mul3A_73 = vector.broadcast %mul3A_72 : f32 to vector<1024x128xf32>
    %mul3A_74 = arith.mulf %mul3A_73, %add3A_68 : vector<1024x128xf32>
    %select_n3A_75 = arith.select %ge3A_71, %add3A_68, %mul3A_74 : vector<1024x128xi1>, vector<1024x128xf32>
    %swap3A = arith.constant 0 : index
    %swap3A_76 = arith.constant 0 : index
    %swap3A_77 = vector.load %arg13[%swap3A, %swap3A_76] : memref<1024x128xf32, #tpu.memory_space<vmem>>, vector<1024x128xf32>
    tpu.vector_store %arg13[%swap3A, %swap3A_76], %select_n3A_75 {strides = array<i32>} : memref<1024x128xf32, #tpu.memory_space<vmem>>, vector<1024x128xf32>,
    return
  }
  func.func @transform_0(%arg0: i32) -> (i32, i32) {
    %c0_i32 = arith.constant 0 : i32
    %c0_i32_0 = arith.constant 0 : i32
    return %arg0, %c0_i32 : i32, i32
  }
  func.func @transform_1(%arg0: i32) -> (i32, i32) {
    %c0_i32 = arith.constant 0 : i32
    %c0_i32_0 = arith.constant 0 : i32
    return %arg0, %c0_i32 : i32, i32
  }
  func.func @transform_2(%arg0: i32) -> (i32, i32) {
    %c0_i32 = arith.constant 0 : i32
    %c0_i32_0 = arith.constant 0 : i32
    return %arg0, %c0_i32 : i32, i32
  }
  func.func @transform_3(%arg0: i32) -> (i32, i32) {
    %c0_i32 = arith.constant 0 : i32
    %c0_i32_0 = arith.constant 0 : i32
    return %arg0, %c0_i32 : i32, i32
  }
  func.func @transform_4(%arg0: i32) -> (i32, i32) {
    %c0_i32 = arith.constant 0 : i32
    %c0_i32_0 = arith.constant 0 : i32
    %c0_i32_1 = arith.constant 0 : i32
    return %c0_i32, %c0_i32_0 : i32, i32
  }
  func.func @transform_5(%arg0: i32) -> (i32, i32) {
    %c0_i32 = arith.constant 0 : i32
    %c0_i32_0 = arith.constant 0 : i32
    %c0_i32_1 = arith.constant 0 : i32
    return %c0_i32, %c0_i32_0 : i32, i32
  }
  func.func @transform_6(%arg0: i32) -> (i32, i32) {
    %c0_i32 = arith.constant 0 : i32
    %c0_i32_0 = arith.constant 0 : i32
    %c0_i32_1 = arith.constant 0 : i32
    return %c0_i32, %c0_i32_0 : i32, i32
  }
  func.func @transform_7(%arg0: i32) -> (i32, i32) {
    %c0_i32 = arith.constant 0 : i32
    %c0_i32_0 = arith.constant 0 : i32
    %c0_i32_1 = arith.constant 0 : i32
    return %c0_i32, %c0_i32_0 : i32, i32
  }
  func.func @transform_8(%arg0: i32) -> (i32, i32) {
    %c0_i32 = arith.constant 0 : i32
    %c0_i32_0 = arith.constant 0 : i32
    %c0_i32_1 = arith.constant 0 : i32
    return %c0_i32, %c0_i32_0 : i32, i32
  }
  func.func @transform_9(%arg0: i32) -> (i32, i32) {
    %c0_i32 = arith.constant 0 : i32
    %c0_i32_0 = arith.constant 0 : i32
    %c0_i32_1 = arith.constant 0 : i32
    return %c0_i32, %c0_i32_0 : i32, i32
  }
  func.func @transform_10(%arg0: i32) -> (i32, i32) {
    %c0_i32 = arith.constant 0 : i32
    %c0_i32_0 = arith.constant 0 : i32
    %c0_i32_1 = arith.constant 0 : i32
    return %c0_i32, %c0_i32_0 : i32, i32
  }
  func.func @transform_11(%arg0: i32) -> (i32, i32) {
    %c0_i32 = arith.constant 0 : i32
    %c0_i32_0 = arith.constant 0 : i32
    %c0_i32_1 = arith.constant 0 : i32
    return %c0_i32, %c0_i32_0 : i32, i32
  }
  func.func @transform_12(%arg0: i32) -> (i32, i32) {
    %c0_i32 = arith.constant 0 : i32
    %c0_i32_0 = arith.constant 0 : i32
    return %arg0, %c0_i32 : i32, i32
  }
}

</mosaic_0001>

<sc_bundles>
// kernel: kernel.11.cloned.1.call-start
scs
__scs_entry_jumppad:
0x0: {  	(pc) =	sbr.rel $0x88, $3  }
0x1: {  	(tag) =	ssettag $0x0;
	lr =	simm.s32 $0x1  }
0x2: {  	[smem:$0x3F96] =	sst lr;
	_ =	strace $0xD0000000  }
0x3: {  	_ = 	snop  }
0x4: {  	_ = 	snop  }
0x5: {  	_ = 	snop  }
0x6: {  	_ = 	snop  }
0x7: {  	_ = 	snop  }
__scs_overlays_trampoline_lowered:
0x8: {  	[smem:$0x3FA5] =	sst s0  }
0x9: {  	[smem:$0x3FA6] =	sst s1  }
0xa: {  	[smem:$0x3FA7] =	sst s2  }
0xb: {  	[smem:$0x3FA8] =	sst s3  }
0xc: {  	[smem:$0x3FA9] =	sst s4  }
0xd: {  	[smem:$0x3FAA] =	sst s5  }
0xe: {  	[smem:$0x3FAB] =	sst s6  }
0xf: {  	[smem:$0x3FAC] =	sst s7  }
0x10: {  	[smem:$0x3FAD] =	sst s8  }
0x11: {  	[smem:$0x3FAE] =	sst s9;
	s0 =	simm.s32 @!p0 $0x0  }
0x12: {  	s1 =	sld [smem:$0x3F94];
	s0 =	simm.s32 @p0 $0x1  }
0x13: {  	[smem:$0x3FAF] =	sst s0;
	s0 =	simm.s32 @!p1 $0x0  }
0x14: {  	s2 =	sld [smem:$0x3F93];
	s0 =	simm.s32 @p1 $0x1  }
0x15: {  	[smem:$0x3FB0] =	sst s0;
	s0 =	simm.s32 @!p2 $0x0  }
0x16: {  	s3 =	sld [smem:$0x3FDB];
	s0 =	simm.s32 @p2 $0x1  }
0x17: {  	s4 =	simm.s32 $0x1BF5;
	[smem:$0x3FB2] =	sst s0  }
0x18: {  	s0 =	sld [smem:$0x3F95];
	_ =	swait.ge [sflag:s4], $0x0  }
0x19: {  	s7 =	sld [smem:$0x3F96]  }
0x1a: {  	s8 =	sadd.s32 $0xFFFFE003, lr  }
0x1b: {  	s9 =	sadd.s32 $0xFFFFFEF7, lr;
	s5 =	simm.s32 $0xFFFFFFFF;
	p2 =	slt.u32 s8, $0xFFFFF086  }
0x1c: {  	p1 =	slt.u32 s9, $0xF7A;
	s5 =	simm.s32 @!p2 $0x0  }
0x1d: {  	s5 =	simm.s32 @p1 $0x1;
	p0 =	seq.s32 s7, s2  }
0x1e: {  	s7 =	smul.u32 @!p0 $0xF7A, s2;
	p2 =	seq.s32 @!p0 s5, $0x0  }
0x1f: {  	s9 =	smul.u32 $0xF7A, s1;
	s8 =	simm.s32 @!p0 $0x1BF5;
	p2 =	por !p2, p0  }
0x20: {  	[sflag:s8] =	ssyncset.s32 @!p0 $0xFFFFF086;
	s6 =	sadd.s32 @!p0 s3, s7;
	s7 =	simm.s32 @!p0 $0x108  }
0x21: {  	s3 =	sadd.s32 s3, s9;
	s6 =	sadd.s32 @!p0 $0x88, s6;
	s7 =	simm.s32 @p2 $0x1082  }
0x22: {  	[simem:s7], [sflag:s8] =	dma.local @!p0 [hbm:s6], $0xF7A  }
0x23: {  	s9 =	sor.u32 $0xD0000000, s2;
	s6 =	simm.s32 $0x108;
	_ =	swait.ge @!p0 [sflag:s8], $0x0  }
0x24: {  	s3 =	sadd.s32 $0x88, s3;
	s6 =	simm.s32 @!p1 $0x1082;
	[sflag:s4] =	ssyncset.s32 $0xFFFFF086  }
0x25: {  	[simem:s6], [sflag:s4] =	dma.local [hbm:s3], $0xF7A  }
0x26: {  	[smem:$0x3F96] =	sst s1;
	(tag) =	ssettag s2;
	_ =	strace s9  }
0x27: {  	s1 =	sld [smem:$0x3FA6]  }
0x28: {  	s2 =	sld [smem:$0x3FA7]  }
0x29: {  	s4 =	sld [smem:$0x3FA9]  }
0x2a: {  	p0 =	seq.s32 s5, $0x0;
	s5 =	sld [smem:$0x3FAA]  }
0x2b: {  	s6 =	sld [smem:$0x3FAB]  }
0x2c: {  	s7 =	sld [smem:$0x3FAC]  }
0x2d: {  	s3 =	simm.s32 $0x108;
	s8 =	sld [smem:$0x3FAD]  }
0x2e: {  	s3 =	simm.s32 @!p0 $0x1082;
	s9 =	sld [smem:$0x3FAE]  }
0x2f: {  	lr =	sadd.s32 s0, s3;
	s0 =	sld [smem:$0x3FA5]  }
0x30: {  	s3 =	sld [smem:$0x3FA8]  }
0x31: {  	[smem:$0x3FB1] =	sst s10  }
0x32: {  	s10 =	sld [smem:$0x3FAF];
	_ =	sdelay $0x3  }
0x33: {  	p0 =	seq.s32 s10, $0x1;
	s10 =	sld [smem:$0x3FB1];
	_ =	sdelay $0x3  }
0x34: {  	[smem:$0x3FB1] =	sst s10  }
0x35: {  	s10 =	sld [smem:$0x3FB0];
	_ =	sdelay $0x3  }
0x36: {  	p1 =	seq.s32 s10, $0x1;
	s10 =	sld [smem:$0x3FB1];
	_ =	sdelay $0x3  }
0x37: {  	[smem:$0x3FB1] =	sst s10  }
0x38: {  	s10 =	sld [smem:$0x3FB2]  }
0x39: {  	_ = 	snop;
	(pc) =	sbr.ind lr, $3  }
0x3a: {  	_ = 	snop  }
0x3b: {  	_ = 	snop  }
0x3c: {  	p2 =	seq.s32 s10, $0x1;
	s10 =	sld [smem:$0x3FB1]  }
0x3d: {  	_ =	shalt  }
0x3e: {  	_ =	shalt  }
0x3f: {  	_ =	shalt  }
0x40: {  	_ =	shalt  }
0x41: {  	_ =	shalt  }
0x42: {  	_ =	shalt  }
0x43: {  	_ =	shalt  }
0x44: {  	_ =	shalt  }
0x45: {  	_ =	shalt  }
0x46: {  	_ =	shalt  }
0x47: {  	_ =	shalt  }
0x48: {  	_ =	shalt  }
0x49: {  	_ =	shalt  }
0x4a: {  	_ =	shalt  }
0x4b: {  	_ =	shalt  }
0x4c: {  	_ =	shalt  }
0x4d: {  	_ =	shalt  }
0x4e: {  	_ =	shalt  }
0x4f: {  	_ =	shalt  }
0x50: {  	_ =	shalt  }
0x51: {  	_ =	shalt  }
0x52: {  	_ =	shalt  }
0x53: {  	_ =	shalt  }
0x54: {  	_ =	shalt  }
0x55: {  	_ =	shalt  }
0x56: {  	_ =	shalt  }
0x57: {  	_ =	shalt  }
0x58: {  	_ =	shalt  }
0x59: {  	_ =	shalt  }
0x5a: {  	_ =	shalt  }
0x5b: {  	_ =	shalt  }
0x5c: {  	_ =	shalt  }
0x5d: {  	_ =	shalt  }
0x5e: {  	_ =	shalt  }
0x5f: {  	_ =	shalt  }
0x60: {  	_ =	shalt  }
0x61: {  	_ =	shalt  }
0x62: {  	_ =	shalt  }
0x63: {  	_ =	shalt  }
0x64: {  	_ =	shalt  }
0x65: {  	_ =	shalt  }
0x66: {  	_ =	shalt  }
0x67: {  	_ =	shalt  }
0x68: {  	_ =	shalt  }
0x69: {  	_ =	shalt  }
0x6a: {  	_ =	shalt  }
0x6b: {  	_ =	shalt  }
0x6c: {  	_ =	shalt  }
0x6d: {  	_ =	shalt  }
0x6e: {  	_ =	shalt  }
0x6f: {  	_ =	shalt  }
0x70: {  	_ =	shalt  }
0x71: {  	_ =	shalt  }
0x72: {  	_ =	shalt  }
0x73: {  	_ =	shalt  }
0x74: {  	_ =	shalt  }
0x75: {  	_ =	shalt  }
0x76: {  	_ =	shalt  }
0x77: {  	_ =	shalt  }
0x78: {  	_ =	shalt  }
0x79: {  	_ =	shalt  }
0x7a: {  	_ =	shalt  }
0x7b: {  	_ =	shalt  }
0x7c: {  	_ =	shalt  }
0x7d: {  	_ =	shalt  }
0x7e: {  	_ =	shalt  }
0x7f: {  	_ =	shalt  }
0x80: {  	_ =	shalt  }
0x81: {  	_ =	shalt  }
0x82: {  	_ =	shalt  }
0x83: {  	_ =	shalt  }
0x84: {  	_ =	shalt  }
0x85: {  	_ =	shalt  }
0x86: {  	_ =	shalt  }
0x87: {  	_ =	shalt  }
.Lfunc_end0:
.L_simem_size_0:
called_computation.1_lowered:
.L_overlay_start_0:
0x88: {  	s2 =	sld [smem:$0x3FD9]  }
0x89: {  	s3 =	sld [smem:$0x3FFE];
	_ =	sdelay $0x1  }
0x8a: {  	s1 =	srdreg.scid  }
0x8b: {  	s0 =	sand.u32 $0x1, s1  }
0x8c: {  	s17 =	sshll.u32 s0, $0xA;
	s2 =	sadd.s32 s3, s2  }
0x8d: {  	s2 =	sadd.s32 s2, s17  }
0x8e: {  	[smem:$0x3FBD] =	sst s2  }
0x8f: {  	_ = 	snop  }
0x90: {  	(tm) =	ssettm $0x1  }
0x91: {  	s18 =	sld [smem:$0x3FFB];
	_ =	sdelay $0x3  }
0x92: {  	_ =	strace s18  }
0x93: {  	s2 =	sld [smem:$0x3FFC];
	_ =	sdelay $0x3  }
0x94: {  	_ =	strace s2  }
0x95: {  	s2 =	sld [smem:$0x3FFD];
	_ =	sdelay $0x3  }
0x96: {  	_ =	strace s2  }
0x97: {  	_ =	strace $0x8FFFFFFF  }
0x98: {  	s19 =	sld [smem:$0x3FDB];
	_ =	sdelay $0x1  }
0x99: {  	s20 =	simm.s32 $_scs_section_size  }
0x9a: {  	s4 =	simm.s32 $_size__tile_overlayer_lowered;
	s5 =	simm.s32 $_tile_overlayer_lowered  }
0x9b: {  	s6 =	simm.s32 $0x1BFF;
	s21 =	sshll.u32 s5, $0x1;
	s3 =	sadd.s32 s20, s19  }
0x9c: {  	s22 =	simm.s32 $0x0;
	s4 =	sshll.u32 s4, $0x1;
	s5 =	sadd.s32 s21, s3  }
0x9d: {  	[timem:s22], [sflag:s6] =	dma.local [hbm:s5], s4  }
0x9e: {  	_ =	swait.ge [sflag:s6], s4  }
0x9f: {  	s4 =	ssub.s32 $0x0, s4;
	[sflag:s6] =	ssyncset.done $0x0  }
0xa0: {  	[sflag:s6] =	ssyncadd.s32 s4;
	_ =	sdelay $0x1  }
0xa1: {  	s23 =	simm.s32 $0x1B8B  }
0xa2: {  	_ =	swait.ge [sflag:s23], $0x1  }
0xa3: {  	[sflag:s23] =	ssyncset.done $0x0  }
0xa4: {  	[sflag:s23] =	ssyncadd.s32 $0xFFFFFFFF  }
0xa5: {  	s4 =	sld [smem:$0x0]  }
0xa6: {  	s5 =	sand.u32 $0xFFFFFFFE, s1  }
0xa7: {  	p0 =	sne.s32 s1, s5  }
0xa8: {  	s5 =	sshll.u32 @p0 s5, $0xE  }
0xa9: {  	s5 =	sadd.s32 @p0 $0x11B8D, s5;
	s6 =	sshll.u32 @p0 s4, $0x11  }
0xaa: {  	s5 =	sor.u32 @p0 s6, s5  }
0xab: {  	[sflag:s5] =	ssyncadd.remote.s32 @p0 $0x1;
	_ =	sdelay $0x1  }
0xac: {  	s5 =	simm.s32 @p0 $0x1B8D  }
0xad: {  	_ =	swait.eq @p0 [sflag:s5], $0x1  }
0xae: {  	[sflag:s5] =	ssyncadd.s32 @p0 $0xFFFFFFFF  }
0xaf: {  	s6 =	sshll.u32 @!p0 s1, $0xE  }
0xb0: {  	s6 =	sor.u32 @!p0 $0x4000, s6;
	s5 =	simm.s32 @!p0 $0x1B8D  }
0xb1: {  	s4 =	sshll.u32 @!p0 s4, $0x11;
	s6 =	sadd.s32 @!p0 $0x11B8D, s6;
	_ =	swait.eq @!p0 [sflag:s5], $0x1  }
0xb2: {  	s4 =	sor.u32 @!p0 s4, s6;
	[sflag:s5] =	ssyncadd.s32 @!p0 $0xFFFFFFFF  }
0xb3: {  	s25 =	simm.s32 $0x1B8E;
	s24 =	sld [smem:$0x3FFE];
	[sflag:s4] =	ssyncadd.remote.s32 @!p0 $0x1  }
0xb4: {  	s26 =	simm.s32 $execute0_lowered;
	[smem:$0x3FD2] =	sst s25  }
0xb5: {  	s5 =	sshll.u32 s26, $0x1;
	_ =	strace $0x80000049;
	[dreg:$0x1] =	wrdreg $0xFFFFFFFF  }
0xb6: {  	s28 =	simm.s32 $_size_execute0_lowered;
	s3 =	sadd.s32 s3, s5;
	[dreg:$0x0] =	wrdreg $0x0  }
0xb7: {  	s5 =	sshll.u32 s28, $0x1;
	[dreg:$0x2] =	wrdreg s3  }
0xb8: {  	[dreg:$0x3] =	wrdreg s5  }
0xb9: {  	[dreg:$0x4] =	wrdreg $0xC0  }
0xba: {  	_ =	task [dreg:s22], $0x5FFFF  }
0xbb: {  	[dreg:$0x1] =	wrdreg $0xFFFFFFFF  }
0xbc: {  	[dreg:$0x0] =	wrdreg $0x60  }
0xbd: {  	[dreg:$0x2] =	wrdreg s24  }
0xbe: {  	[dreg:$0x3] =	wrdreg $0x0  }
0xbf: {  	[dreg:$0x4] =	wrdreg $0x9  }
0xc0: {  	_ =	task.clear_ibuf [dreg:s22], $0x5FFFF;
	_ =	strace $0x90000049  }
0xc1: {  	s29 =	simm.s32 $0x9;
	_ =	strace $0x8000004B  }
0xc2: {  	_ =	swait.ge [sflag:s29], $0x1  }
0xc3: {  	[sflag:s29] =	ssyncadd.s32 $0xFFFFFFFF  }
0xc4: {  	_ =	strace $0x9000004B  }
0xc5: {  	_ =	sfence  }
0xc6: {  	s30 =	sld [smem:$0x0];
	_ =	sdelay $0x2  }
0xc7: {  	s31 =	sshll.u32 s1, $0xD;
	s1 =	sshrl.u32 s1, $0x2  }
0xc8: {  	s4 =	sand.u32 $0x4000, s31;
	s1 =	sadd.s32 s1, s30  }
0xc9: {  	s0 =	sor.u32 s4, s0;
	s1 =	sshll.u32 s1, $0x11  }
0xca: {  	s0 =	sor.u32 s1, s0  }
0xcb: {  	s0 =	sadd.s32 $0x8F2B, s0  }
0xcc: {  	[sflag:s0] =	ssyncadd.remote.s32 $0x1  }
0xcd: {  	_ =	sfence.sel $0xFFFF  }
0xce: {  	[dreg:$0x0] =	wrdreg $0xFFFFFFFF;
	(pc) =	sbr.abs _section_cstart, $3  }
0xcf: {  	[dreg:$0x1] =	wrdreg $0xFFFFFFFF  }
0xd0: {  	_ =	task.clear_ibuf [dreg:s22], $0x2FFFF;
	_ =	strace $0x9FFFFFFF  }
0xd1: {  	(tm) =	ssettm $0x7FFFFFFF  }
tec
execute0_lowered:
.L_overlay_start_1:
0x0: {  	(tag) =	ssettag $0x1  }
0x1: {  	s5 =	rddreg [dreg:$0x0]  }
0x2: {  	s1 =	rddreg [dreg:$0x1]  }
0x3: {  	s0 =	rddreg [dreg:$0x2];
	s3 =	simm.s32 $0x0  }
0x4: {  	s4 =	srdreg.scid;
	s2 =	stileid.u32;
	s15 =	simm.s32 $0x14000  }
0x5: {  	s16 =	simm.s32 $0x1;
	[smem:$0x7FF] =	sst s3;
	s17 =	sand.u32 $0x1, s4  }
0x6: {  	s30 =	sshll.u32 s2, $0x4;
	s7 =	smul.u32 $0x50000, s2;
	s4 =	sadd.s32 $0x51C200, s5  }
0x7: {  	_ =	strace $0x8000004A;
	s6 =	ssub.s32 $0x2, s17;
	s14 =	sadd.s32 s30, s5  }
.Ltmp0:
0x8: {  	s5 =	sadd.s32 $0x544200, s5;
	p0 =	sne.s32 s17, $0x0;
	(pc) =	sbr.rel .LBB2_1-.Ltmp0, $4  }
0x9: {  	s8 =	sshrl.u32 s6, $0x1;
	s31 =	sshrl.u32 s7, $0x2;
	s7 =	smul.u32 $0x2800, s2  }
0xa: {  	s13 =	sadd.s32 $0xE400, s14;
	s8 =	ssub.s32 s6, s8;
	s6 =	sadd.s32 s31, s1  }
0xb: {  	s14 =	sadd.s32 $0x4600, s14;
	s8 =	smax.u32 s8, $0x1;
	s9 =	sadd.s32 $0x4000, s6  }
0xc: {  	v0 =	vimm.f32 $0.0e+00;
	v1 =	vimm.f32 $1.000000000e+00;
	s10 =	sadd.s32 $0x8000, s6;
	s11 =	sadd.s32 $0xC000, s6;
	s12 =	sadd.s32 $0x10000, s6  }
.LBB2_11:
0xd: {  	s18 =	simm.s32 @!p2 $0x0  }
0xe: {  	[sflag:s19] =	ssyncset.done @!p1 $0x0;
	p1 =	por p1, p1;
	p3 =	por p2, p2  }
0xf: {  	s20 =	simm.s32 @!p2 $0x18000;
	s21 =	simm.s32 @!p3 $0x2;
	[sflag:s19] =	ssyncadd.s32 @!p1 $0xFFFFC000  }
0x10: {  	[tilespmem:s20], [sflag:$0x2] =	stream.linear.gather @!p3 [hbm4b:s17+s18], $0x80, $0x38;
	[tilespmem:$0x18080] =	vst v63  }
0x11: {  	_ =	swait.ge @!p3 [sflag:s21], $0x80  }
0x12: {  	s19 =	simm.s32 @!p3 $0x14000;
	[sflag:s21] =	ssyncset.done @!p3 $0x0  }
0x13: {  	s17 =	simm.s32 @!p3 $0x1;
	s18 =	simm.s32 @!p3 $0x80;
	[sflag:s21] =	ssyncadd.s32 @!p3 $0xFFFFFF80  }
0x14: {  	[spmem:s1] =	stream.indirect.scatter.add.f32 @!p3 [tilespmem:s19], [sflag:$0x1], $0x80, s20, s18, $0xb8;
	[tilespmem:$0x18080] =	vst v63  }
0x15: {  	_ =	swait.ge @!p3 [sflag:s17], $0x4000  }
0x16: {  	p1 =	por p3, p3;
	[sflag:s17] =	ssyncset.done @!p3 $0x0  }
0x17: {  	[sflag:s17] =	ssyncadd.s32 @!p1 $0xFFFFC000;
	s17 =	smov.u32 s5  }
.LBB2_12:
0x18: {  	s17 =	sadd.s32 s17, s7;
	s3 =	sadd.s32 $0x1, s3  }
0x19: {  	s18 =	sshll.u32 s2, $0x6;
	[bflag:$0x0] =	sbarrier.arrive $0xFFFF;
	p1 =	sne.s32 s3, s8  }
.Ltmp1:
0x1a: {  	s19 =	sshrl.u32 s6, $0x3;
	s18 =	sor.u32 $0x1C01, s18;
	(pc) =	sbr.rel @!p1 .LBB2_13-.Ltmp1, $4  }
0x1b: {  	[hbm:s17], [sflag:s18] =	dma.local [spmem:s19], $0x2800  }
0x1c: {  	_ =	swait.ge [sflag:s16], $0x2800  }
0x1d: {  	[sflag:s16] =	ssyncset.done $0x0  }
0x1e: {  	[sflag:s16] =	ssyncadd.s32 $0xFFFFD800  }
.LBB2_1:
0x1f: {  	s17 =	simm.s32 $0x0;
	s18 =	simm.s32 $0x200  }
.LBB2_2:
0x20: {  	p1 =	sne.s32 s18, $0xFE00;
	[tilespmem:s17+$0x14070] =	vst v0  }
0x21: {  	[tilespmem:s17+$0x14000] =	vst v0  }
0x22: {  	[tilespmem:s17+$0x14010] =	vst v0  }
.Ltmp2:
0x23: {  	[tilespmem:s17+$0x14020] =	vst v0;
	(pc) =	sbr.rel @p1 .LBB2_2-.Ltmp2, $4  }
0x24: {  	[tilespmem:s17+$0x14030] =	vst v0  }
0x25: {  	[tilespmem:s17+$0x14040] =	vst v0  }
0x26: {  	[tilespmem:s17+$0x14050] =	vst v0  }
0x27: {  	[tilespmem:s17+$0x14060] =	vst v0;
	s17 =	sshra.s32 s18, $0x2;
	s18 =	sadd.s32 $0x200, s18  }
0x28: {  	[tilespmem:s17+$0x14070] =	vst v0  }
0x29: {  	[tilespmem:s17+$0x14000] =	vst v0  }
0x2a: {  	[tilespmem:s17+$0x14010] =	vst v0  }
0x2b: {  	[tilespmem:s17+$0x14020] =	vst v0  }
0x2c: {  	[tilespmem:s17+$0x14030] =	vst v0  }
0x2d: {  	[tilespmem:s17+$0x14040] =	vst v0  }
0x2e: {  	[tilespmem:s17+$0x14050] =	vst v0  }
0x2f: {  	[tilespmem:s17+$0x14060] =	vst v0  }
0x30: {  	[spmem:s6] =	stream.linear.scatter [tilespmem:s15], [sflag:$0x1], $0x4000, $0x38;
	[tilespmem:$0x18080] =	vst v63  }
0x31: {  	_ =	swait.ge [sflag:s16], $0x4000  }
0x32: {  	[sflag:s16] =	ssyncset.done $0x0  }
0x33: {  	[sflag:s16] =	ssyncadd.s32 $0xFFFFC000  }
0x34: {  	[spmem:s9] =	stream.linear.scatter [tilespmem:s15], [sflag:$0x1], $0x4000, $0x38;
	[tilespmem:$0x18080] =	vst v63  }
0x35: {  	_ =	swait.ge [sflag:s16], $0x4000  }
0x36: {  	[sflag:s16] =	ssyncset.done $0x0  }
0x37: {  	[sflag:s16] =	ssyncadd.s32 $0xFFFFC000  }
0x38: {  	[spmem:s10] =	stream.linear.scatter [tilespmem:s15], [sflag:$0x1], $0x4000, $0x38;
	[tilespmem:$0x18080] =	vst v63  }
0x39: {  	_ =	swait.ge [sflag:s16], $0x4000  }
0x3a: {  	[sflag:s16] =	ssyncset.done $0x0  }
0x3b: {  	[sflag:s16] =	ssyncadd.s32 $0xFFFFC000  }
0x3c: {  	[spmem:s11] =	stream.linear.scatter [tilespmem:s15], [sflag:$0x1], $0x4000, $0x38;
	[tilespmem:$0x18080] =	vst v63  }
0x3d: {  	_ =	swait.ge [sflag:s16], $0x4000  }
0x3e: {  	[sflag:s16] =	ssyncset.done $0x0  }
0x3f: {  	[sflag:s16] =	ssyncadd.s32 $0xFFFFC000  }
0x40: {  	[spmem:s12] =	stream.linear.scatter [tilespmem:s15], [sflag:$0x1], $0x4000, $0x38;
	[tilespmem:$0x18080] =	vst v63  }
0x41: {  	_ =	swait.ge [sflag:s16], $0x4000  }
0x42: {  	[sflag:s16] =	ssyncset.done $0x0  }
0x43: {  	s17 =	simm.s32 $0x0;
	s18 =	simm.s32 $0x200;
	[sflag:s16] =	ssyncadd.s32 $0xFFFFC000  }
.LBB2_4:
0x44: {  	p1 =	sne.s32 s18, $0xFE00;
	[tilespmem:s17+$0x14070] =	vst v1  }
0x45: {  	[tilespmem:s17+$0x14000] =	vst v1  }
0x46: {  	[tilespmem:s17+$0x14010] =	vst v1  }
.Ltmp3:
0x47: {  	[tilespmem:s17+$0x14020] =	vst v1;
	(pc) =	sbr.rel @p1 .LBB2_4-.Ltmp3, $4  }
0x48: {  	[tilespmem:s17+$0x14030] =	vst v1  }
0x49: {  	[tilespmem:s17+$0x14040] =	vst v1  }
0x4a: {  	[tilespmem:s17+$0x14050] =	vst v1  }
0x4b: {  	[tilespmem:s17+$0x14060] =	vst v1;
	s17 =	sshra.s32 s18, $0x2;
	s18 =	sadd.s32 $0x200, s18  }
0x4c: {  	[tilespmem:s17+$0x14070] =	vst v1  }
0x4d: {  	[tilespmem:s17+$0x14000] =	vst v1  }
0x4e: {  	[tilespmem:s17+$0x14010] =	vst v1  }
0x4f: {  	[tilespmem:s17+$0x14020] =	vst v1  }
0x50: {  	[tilespmem:s17+$0x14030] =	vst v1  }
.Ltmp4:
0x51: {  	[tilespmem:s17+$0x14040] =	vst v1;
	(pc) =	sbr.rel @p0 .LBB2_9-.Ltmp4, $4  }
0x52: {  	[tilespmem:s17+$0x14050] =	vst v1  }
0x53: {  	[tilespmem:s17+$0x14060] =	vst v1;
	s31 =	sadd.s32 $0x0, s2  }
0x54: {  	[bflag:$0x0] =	sbarrier.arrive $0xFFFF;
	p2 =	sgt.u32 s31, $0x9C3  }
0x55: {  	p1 =	por p2, p2  }
0x56: {  	s17 =	simm.s32 @!p2 $0x0;
	s18 =	simm.s32 @!p2 $0x18000;
	s19 =	simm.s32 @!p1 $0x2  }
0x57: {  	[tilespmem:s18], [sflag:$0x2] =	stream.linear.gather @!p1 [hbm4b:s14+s17], $0x80, $0x38;
	[tilespmem:$0x18080] =	vst v63  }
0x58: {  	_ =	swait.ge @!p1 [sflag:s19], $0x80  }
0x59: {  	s31 =	sadd.s32 $0x10, s2;
	[sflag:s19] =	ssyncset.done @!p1 $0x0  }
0x5a: {  	s17 =	simm.s32 @!p1 $0x80;
	[sflag:s19] =	ssyncadd.s32 @!p1 $0xFFFFFF80;
	s19 =	simm.s32 @!p1 $0x14000  }
0x5b: {  	[spmem:s1] =	stream.indirect.scatter.add.f32 @!p1 [tilespmem:s19], [sflag:$0x1], $0x80, s18, s17, $0xb8;
	[tilespmem:$0x18080] =	vst v63  }
0x5c: {  	p2 =	sgt.u32 s31, $0x9C3;
	s19 =	simm.s32 @!p1 $0x1  }
0x5d: {  	s18 =	simm.s32 $0x20;
	s17 =	sadd.s32 $0x100, s14;
	_ =	swait.ge @!p1 [sflag:s19], $0x4000  }
.LBB2_7:
0x5e: {  	s20 =	simm.s32 @!p2 $0x0  }
0x5f: {  	s21 =	simm.s32 @!p2 $0x18000;
	[sflag:s19] =	ssyncset.done @!p1 $0x0;
	s22 =	smov.u32 s18  }
0x60: {  	p3 =	por p1, p1;
	p1 =	por p2, p2;
	s18 =	sadd.s32 $0x10, s18  }
0x61: {  	s23 =	simm.s32 @!p1 $0x2;
	[sflag:s19] =	ssyncadd.s32 @!p3 $0xFFFFC000;
	p3 =	seq.s32 s18, $0x9D0  }
0x62: {  	[tilespmem:s21], [sflag:$0x2] =	stream.linear.gather @!p1 [hbm4b:s17+s20], $0x80, $0x38;
	[tilespmem:$0x18080] =	vst v63  }
.Ltmp5:
0x63: {  	_ =	swait.ge @!p1 [sflag:s23], $0x80;
	(pc) =	sbr.rel @!p3 .LBB2_7-.Ltmp5, $4  }
0x64: {  	s19 =	simm.s32 @!p1 $0x1;
	s20 =	sadd.s32 s22, s2;
	[sflag:s23] =	ssyncset.done @!p1 $0x0  }
0x65: {  	s22 =	simm.s32 @!p1 $0x80;
	[sflag:s23] =	ssyncadd.s32 @!p1 $0xFFFFFF80;
	s23 =	simm.s32 @!p1 $0x14000  }
0x66: {  	[spmem:s1] =	stream.indirect.scatter.add.f32 @!p1 [tilespmem:s23], [sflag:$0x1], $0x80, s21, s22, $0xb8;
	[tilespmem:$0x18080] =	vst v63  }
0x67: {  	s17 =	sadd.s32 $0x100, s17;
	p2 =	sgt.u32 s20, $0x9C3;
	_ =	swait.ge @!p1 [sflag:s19], $0x4000  }
0x68: {  	s18 =	simm.s32 @!p2 $0x0  }
0x69: {  	[sflag:s19] =	ssyncset.done @!p1 $0x0;
	p1 =	por p1, p1;
	p3 =	por p2, p2  }
0x6a: {  	s20 =	simm.s32 @!p2 $0x18000;
	s21 =	simm.s32 @!p3 $0x2;
	[sflag:s19] =	ssyncadd.s32 @!p1 $0xFFFFC000  }
0x6b: {  	[tilespmem:s20], [sflag:$0x2] =	stream.linear.gather @!p3 [hbm4b:s17+s18], $0x80, $0x38;
	[tilespmem:$0x18080] =	vst v63  }
0x6c: {  	_ =	swait.ge @!p3 [sflag:s21], $0x80  }
0x6d: {  	s19 =	simm.s32 @!p3 $0x14000;
	s17 =	simm.s32 @!p3 $0x1;
	[sflag:s21] =	ssyncset.done @!p3 $0x0  }
.Ltmp6:
0x6e: {  	s18 =	simm.s32 @!p3 $0x80;
	[sflag:s21] =	ssyncadd.s32 @!p3 $0xFFFFFF80;
	(pc) =	sbr.rel .LBB2_12-.Ltmp6, $4  }
0x6f: {  	[spmem:s1] =	stream.indirect.scatter.add.f32 @!p3 [tilespmem:s19], [sflag:$0x1], $0x80, s20, s18, $0xb8;
	[tilespmem:$0x18080] =	vst v63  }
0x70: {  	_ =	swait.ge @!p3 [sflag:s17], $0x4000  }
0x71: {  	p1 =	por p3, p3;
	[sflag:s17] =	ssyncset.done @!p3 $0x0  }
0x72: {  	[sflag:s17] =	ssyncadd.s32 @!p1 $0xFFFFC000;
	s17 =	smov.u32 s4  }
.LBB2_9:
0x73: {  	s17 =	simm.s32 @!p2 $0x0;
	s18 =	simm.s32 @!p2 $0x18000;
	s19 =	simm.s32 @!p1 $0x2  }
0x74: {  	[tilespmem:s18], [sflag:$0x2] =	stream.linear.gather @!p1 [hbm4b:s13+s17], $0x80, $0x38;
	[tilespmem:$0x18080] =	vst v63  }
0x75: {  	_ =	swait.ge @!p1 [sflag:s19], $0x80  }
0x76: {  	s31 =	sadd.s32 $0x10, s2;
	[sflag:s19] =	ssyncset.done @!p1 $0x0  }
0x77: {  	s17 =	simm.s32 @!p1 $0x80;
	[sflag:s19] =	ssyncadd.s32 @!p1 $0xFFFFFF80;
	s19 =	simm.s32 @!p1 $0x14000  }
0x78: {  	[spmem:s1] =	stream.indirect.scatter.add.f32 @!p1 [tilespmem:s19], [sflag:$0x1], $0x80, s18, s17, $0xb8;
	[tilespmem:$0x18080] =	vst v63  }
0x79: {  	p2 =	sgt.u32 s31, $0x9C3;
	s19 =	simm.s32 @!p1 $0x1  }
0x7a: {  	s18 =	simm.s32 $0x20;
	s17 =	sadd.s32 $0x100, s13;
	_ =	swait.ge @!p1 [sflag:s19], $0x4000  }
.LBB2_10:
0x7b: {  	s20 =	simm.s32 @!p2 $0x0  }
0x7c: {  	s21 =	simm.s32 @!p2 $0x18000;
	[sflag:s19] =	ssyncset.done @!p1 $0x0;
	s22 =	smov.u32 s18  }
0x7d: {  	p3 =	por p1, p1;
	p1 =	por p2, p2;
	s18 =	sadd.s32 $0x10, s18  }
0x7e: {  	s23 =	simm.s32 @!p1 $0x2;
	[sflag:s19] =	ssyncadd.s32 @!p3 $0xFFFFC000;
	p3 =	sne.s32 s18, $0x9D0  }
0x7f: {  	[tilespmem:s21], [sflag:$0x2] =	stream.linear.gather @!p1 [hbm4b:s17+s20], $0x80, $0x38;
	[tilespmem:$0x18080] =	vst v63  }
.Ltmp7:
0x80: {  	_ =	swait.ge @!p1 [sflag:s23], $0x80;
	(pc) =	sbr.rel @p3 .LBB2_10-.Ltmp7, $4  }
0x81: {  	s19 =	simm.s32 @!p1 $0x1;
	s20 =	sadd.s32 s22, s2;
	[sflag:s23] =	ssyncset.done @!p1 $0x0  }
0x82: {  	s22 =	simm.s32 @!p1 $0x80;
	[sflag:s23] =	ssyncadd.s32 @!p1 $0xFFFFFF80;
	s23 =	simm.s32 @!p1 $0x14000  }
0x83: {  	[spmem:s1] =	stream.indirect.scatter.add.f32 @!p1 [tilespmem:s23], [sflag:$0x1], $0x80, s21, s22, $0xb8;
	[tilespmem:$0x18080] =	vst v63  }
0x84: {  	s17 =	sadd.s32 $0x100, s17;
	p2 =	sgt.u32 s20, $0x9C3;
	_ =	swait.ge @!p1 [sflag:s19], $0x4000  }
.Ltmp8:
0x85: {  	_ = 	snop;
	(pc) =	sbr.rel .LBB2_11-.Ltmp8, $1  }
0x86: {  	_ =	sdelay $0x3  }
.LBB2_13:
0x87: {  	_ =	sfence.sel $0x180000  }
0x88: {  	[bflag:$0x0] =	sbarrier.arrive $0xFFFF  }
0x89: {  	p0 =	sne.s32 s2, $0x0;
	_ =	strace $0x9000004A  }
0x8a: {  	s0 =	sadd.s32 @!p0 $0x100000, s0;
	[bflag:$0x2] =	sbarrier.arrive $0xFFFF  }
0x8b: {  	[sflag:s0] =	ssyncadd.tile.s32 @!p0 $0x1;
	_ =	shalt  }
.Lfunc_end2:
_tile_overlayer_lowered:
.L_overlay_start_2:
0x8c: {  	(tag) =	ssettag $0x2  }
0x8d: {  	s0 =	rddreg [dreg:$0x0];
	s2 =	stileid.u32  }
0x8e: {  	s1 =	rddreg [dreg:$0x1];
	p0 =	sne.s32 s2, $0x0  }
0x8f: {  	s3 =	rddreg [dreg:$0x2];
	[bflag:$0x3] =	sbarrier.arrive $0xFFFF;
	s2 =	simm.s32 @!p0 $0x1C01  }
0x90: {  	[timem:s3], [sflag:s2] =	dma.local @!p0 [hbm:s0], s1  }
0x91: {  	s0 =	simm.s32 @!p0 $0x1  }
0x92: {  	_ =	swait.ge @!p0 [sflag:s0], s1  }
0x93: {  	s1 =	ssub.s32 @!p0 $0x0, s1;
	[sflag:s0] =	ssyncset.done @!p0 $0x0  }
0x94: {  	[sflag:s0] =	ssyncadd.s32 @!p0 s1  }
0x95: {  	[bflag:$0x3] =	sbarrier.arrive $0xFFFF  }
0x96: {  	_ =	shalt  }

// kernel: kernel.14.cloned.1.call-start
scs
__scs_entry_jumppad:
0x0: {  	(pc) =	sbr.rel $0x88, $3  }
0x1: {  	(tag) =	ssettag $0x0;
	lr =	simm.s32 $0x1  }
0x2: {  	[smem:$0x3F96] =	sst lr;
	_ =	strace $0xD0000000  }
0x3: {  	_ = 	snop  }
0x4: {  	_ = 	snop  }
0x5: {  	_ = 	snop  }
0x6: {  	_ = 	snop  }
0x7: {  	_ = 	snop  }
__scs_overlays_trampoline_lowered:
0x8: {  	[smem:$0x3FA5] =	sst s0  }
0x9: {  	[smem:$0x3FA6] =	sst s1  }
0xa: {  	[smem:$0x3FA7] =	sst s2  }
0xb: {  	[smem:$0x3FA8] =	sst s3  }
0xc: {  	[smem:$0x3FA9] =	sst s4  }
0xd: {  	[smem:$0x3FAA] =	sst s5  }
0xe: {  	[smem:$0x3FAB] =	sst s6  }
0xf: {  	[smem:$0x3FAC] =	sst s7  }
0x10: {  	[smem:$0x3FAD] =	sst s8  }
0x11: {  	[smem:$0x3FAE] =	sst s9;
	s0 =	simm.s32 @!p0 $0x0  }
0x12: {  	s1 =	sld [smem:$0x3F94];
	s0 =	simm.s32 @p0 $0x1  }
0x13: {  	[smem:$0x3FAF] =	sst s0;
	s0 =	simm.s32 @!p1 $0x0  }
0x14: {  	s2 =	sld [smem:$0x3F93];
	s0 =	simm.s32 @p1 $0x1  }
0x15: {  	[smem:$0x3FB0] =	sst s0;
	s0 =	simm.s32 @!p2 $0x0  }
0x16: {  	s3 =	sld [smem:$0x3FDB];
	s0 =	simm.s32 @p2 $0x1  }
0x17: {  	s4 =	simm.s32 $0x1BF5;
	[smem:$0x3FB2] =	sst s0  }
0x18: {  	s0 =	sld [smem:$0x3F95];
	_ =	swait.ge [sflag:s4], $0x0  }
0x19: {  	s7 =	sld [smem:$0x3F96]  }
0x1a: {  	s8 =	sadd.s32 $0xFFFFE003, lr  }
0x1b: {  	s9 =	sadd.s32 $0xFFFFFEF7, lr;
	s5 =	simm.s32 $0xFFFFFFFF;
	p2 =	slt.u32 s8, $0xFFFFF086  }
0x1c: {  	p1 =	slt.u32 s9, $0xF7A;
	s5 =	simm.s32 @!p2 $0x0  }
0x1d: {  	s5 =	simm.s32 @p1 $0x1;
	p0 =	seq.s32 s7, s2  }
0x1e: {  	s7 =	smul.u32 @!p0 $0xF7A, s2;
	p2 =	seq.s32 @!p0 s5, $0x0  }
0x1f: {  	s9 =	smul.u32 $0xF7A, s1;
	s8 =	simm.s32 @!p0 $0x1BF5;
	p2 =	por !p2, p0  }
0x20: {  	[sflag:s8] =	ssyncset.s32 @!p0 $0xFFFFF086;
	s6 =	sadd.s32 @!p0 s3, s7;
	s7 =	simm.s32 @!p0 $0x108  }
0x21: {  	s3 =	sadd.s32 s3, s9;
	s6 =	sadd.s32 @!p0 $0x88, s6;
	s7 =	simm.s32 @p2 $0x1082  }
0x22: {  	[simem:s7], [sflag:s8] =	dma.local @!p0 [hbm:s6], $0xF7A  }
0x23: {  	s9 =	sor.u32 $0xD0000000, s2;
	s6 =	simm.s32 $0x108;
	_ =	swait.ge @!p0 [sflag:s8], $0x0  }
0x24: {  	s3 =	sadd.s32 $0x88, s3;
	s6 =	simm.s32 @!p1 $0x1082;
	[sflag:s4] =	ssyncset.s32 $0xFFFFF086  }
0x25: {  	[simem:s6], [sflag:s4] =	dma.local [hbm:s3], $0xF7A  }
0x26: {  	[smem:$0x3F96] =	sst s1;
	(tag) =	ssettag s2;
	_ =	strace s9  }
0x27: {  	s1 =	sld [smem:$0x3FA6]  }
0x28: {  	s2 =	sld [smem:$0x3FA7]  }
0x29: {  	s4 =	sld [smem:$0x3FA9]  }
0x2a: {  	p0 =	seq.s32 s5, $0x0;
	s5 =	sld [smem:$0x3FAA]  }
0x2b: {  	s6 =	sld [smem:$0x3FAB]  }
0x2c: {  	s7 =	sld [smem:$0x3FAC]  }
0x2d: {  	s3 =	simm.s32 $0x108;
	s8 =	sld [smem:$0x3FAD]  }
0x2e: {  	s3 =	simm.s32 @!p0 $0x1082;
	s9 =	sld [smem:$0x3FAE]  }
0x2f: {  	lr =	sadd.s32 s0, s3;
	s0 =	sld [smem:$0x3FA5]  }
0x30: {  	s3 =	sld [smem:$0x3FA8]  }
0x31: {  	[smem:$0x3FB1] =	sst s10  }
0x32: {  	s10 =	sld [smem:$0x3FAF];
	_ =	sdelay $0x3  }
0x33: {  	p0 =	seq.s32 s10, $0x1;
	s10 =	sld [smem:$0x3FB1];
	_ =	sdelay $0x3  }
0x34: {  	[smem:$0x3FB1] =	sst s10  }
0x35: {  	s10 =	sld [smem:$0x3FB0];
	_ =	sdelay $0x3  }
0x36: {  	p1 =	seq.s32 s10, $0x1;
	s10 =	sld [smem:$0x3FB1];
	_ =	sdelay $0x3  }
0x37: {  	[smem:$0x3FB1] =	sst s10  }
0x38: {  	s10 =	sld [smem:$0x3FB2]  }
0x39: {  	_ = 	snop;
	(pc) =	sbr.ind lr, $3  }
0x3a: {  	_ = 	snop  }
0x3b: {  	_ = 	snop  }
0x3c: {  	p2 =	seq.s32 s10, $0x1;
	s10 =	sld [smem:$0x3FB1]  }
0x3d: {  	_ =	shalt  }
0x3e: {  	_ =	shalt  }
0x3f: {  	_ =	shalt  }
0x40: {  	_ =	shalt  }
0x41: {  	_ =	shalt  }
0x42: {  	_ =	shalt  }
0x43: {  	_ =	shalt  }
0x44: {  	_ =	shalt  }
0x45: {  	_ =	shalt  }
0x46: {  	_ =	shalt  }
0x47: {  	_ =	shalt  }
0x48: {  	_ =	shalt  }
0x49: {  	_ =	shalt  }
0x4a: {  	_ =	shalt  }
0x4b: {  	_ =	shalt  }
0x4c: {  	_ =	shalt  }
0x4d: {  	_ =	shalt  }
0x4e: {  	_ =	shalt  }
0x4f: {  	_ =	shalt  }
0x50: {  	_ =	shalt  }
0x51: {  	_ =	shalt  }
0x52: {  	_ =	shalt  }
0x53: {  	_ =	shalt  }
0x54: {  	_ =	shalt  }
0x55: {  	_ =	shalt  }
0x56: {  	_ =	shalt  }
0x57: {  	_ =	shalt  }
0x58: {  	_ =	shalt  }
0x59: {  	_ =	shalt  }
0x5a: {  	_ =	shalt  }
0x5b: {  	_ =	shalt  }
0x5c: {  	_ =	shalt  }
0x5d: {  	_ =	shalt  }
0x5e: {  	_ =	shalt  }
0x5f: {  	_ =	shalt  }
0x60: {  	_ =	shalt  }
0x61: {  	_ =	shalt  }
0x62: {  	_ =	shalt  }
0x63: {  	_ =	shalt  }
0x64: {  	_ =	shalt  }
0x65: {  	_ =	shalt  }
0x66: {  	_ =	shalt  }
0x67: {  	_ =	shalt  }
0x68: {  	_ =	shalt  }
0x69: {  	_ =	shalt  }
0x6a: {  	_ =	shalt  }
0x6b: {  	_ =	shalt  }
0x6c: {  	_ =	shalt  }
0x6d: {  	_ =	shalt  }
0x6e: {  	_ =	shalt  }
0x6f: {  	_ =	shalt  }
0x70: {  	_ =	shalt  }
0x71: {  	_ =	shalt  }
0x72: {  	_ =	shalt  }
0x73: {  	_ =	shalt  }
0x74: {  	_ =	shalt  }
0x75: {  	_ =	shalt  }
0x76: {  	_ =	shalt  }
0x77: {  	_ =	shalt  }
0x78: {  	_ =	shalt  }
0x79: {  	_ =	shalt  }
0x7a: {  	_ =	shalt  }
0x7b: {  	_ =	shalt  }
0x7c: {  	_ =	shalt  }
0x7d: {  	_ =	shalt  }
0x7e: {  	_ =	shalt  }
0x7f: {  	_ =	shalt  }
0x80: {  	_ =	shalt  }
0x81: {  	_ =	shalt  }
0x82: {  	_ =	shalt  }
0x83: {  	_ =	shalt  }
0x84: {  	_ =	shalt  }
0x85: {  	_ =	shalt  }
0x86: {  	_ =	shalt  }
0x87: {  	_ =	shalt  }
.Lfunc_end0:
.L_simem_size_0:
called_computation.2_lowered:
.L_overlay_start_0:
0x88: {  	s2 =	sld [smem:$0x3FD9]  }
0x89: {  	s3 =	sld [smem:$0x3FFE];
	_ =	sdelay $0x1  }
0x8a: {  	s1 =	srdreg.scid  }
0x8b: {  	s0 =	sand.u32 $0x1, s1  }
0x8c: {  	s17 =	sshll.u32 s0, $0xA;
	s2 =	sadd.s32 s3, s2  }
0x8d: {  	s2 =	sadd.s32 s2, s17  }
0x8e: {  	[smem:$0x3FBD] =	sst s2  }
0x8f: {  	_ = 	snop  }
0x90: {  	(tm) =	ssettm $0x1  }
0x91: {  	s18 =	sld [smem:$0x3FFB];
	_ =	sdelay $0x3  }
0x92: {  	_ =	strace s18  }
0x93: {  	s2 =	sld [smem:$0x3FFC];
	_ =	sdelay $0x3  }
0x94: {  	_ =	strace s2  }
0x95: {  	s2 =	sld [smem:$0x3FFD];
	_ =	sdelay $0x3  }
0x96: {  	_ =	strace s2  }
0x97: {  	_ =	strace $0x8FFFFFFF  }
0x98: {  	s19 =	sld [smem:$0x3FDB];
	_ =	sdelay $0x1  }
0x99: {  	s20 =	simm.s32 $_scs_section_size  }
0x9a: {  	s4 =	simm.s32 $_size__tile_overlayer_lowered;
	s5 =	simm.s32 $_tile_overlayer_lowered  }
0x9b: {  	s6 =	simm.s32 $0x1BFF;
	s21 =	sshll.u32 s5, $0x1;
	s3 =	sadd.s32 s20, s19  }
0x9c: {  	s22 =	simm.s32 $0x0;
	s4 =	sshll.u32 s4, $0x1;
	s5 =	sadd.s32 s21, s3  }
0x9d: {  	[timem:s22], [sflag:s6] =	dma.local [hbm:s5], s4  }
0x9e: {  	_ =	swait.ge [sflag:s6], s4  }
0x9f: {  	s4 =	ssub.s32 $0x0, s4;
	[sflag:s6] =	ssyncset.done $0x0  }
0xa0: {  	[sflag:s6] =	ssyncadd.s32 s4;
	_ =	sdelay $0x1  }
0xa1: {  	s23 =	simm.s32 $0x1B8B  }
0xa2: {  	_ =	swait.ge [sflag:s23], $0x1  }
0xa3: {  	[sflag:s23] =	ssyncset.done $0x0  }
0xa4: {  	[sflag:s23] =	ssyncadd.s32 $0xFFFFFFFF  }
0xa5: {  	s4 =	sld [smem:$0x0]  }
0xa6: {  	s5 =	sand.u32 $0xFFFFFFFE, s1  }
0xa7: {  	p0 =	sne.s32 s1, s5  }
0xa8: {  	s5 =	sshll.u32 @p0 s5, $0xE  }
0xa9: {  	s5 =	sadd.s32 @p0 $0x11B8D, s5;
	s6 =	sshll.u32 @p0 s4, $0x11  }
0xaa: {  	s5 =	sor.u32 @p0 s6, s5  }
0xab: {  	[sflag:s5] =	ssyncadd.remote.s32 @p0 $0x1;
	_ =	sdelay $0x1  }
0xac: {  	s5 =	simm.s32 @p0 $0x1B8D  }
0xad: {  	_ =	swait.eq @p0 [sflag:s5], $0x1  }
0xae: {  	[sflag:s5] =	ssyncadd.s32 @p0 $0xFFFFFFFF  }
0xaf: {  	s6 =	sshll.u32 @!p0 s1, $0xE  }
0xb0: {  	s6 =	sor.u32 @!p0 $0x4000, s6;
	s5 =	simm.s32 @!p0 $0x1B8D  }
0xb1: {  	s4 =	sshll.u32 @!p0 s4, $0x11;
	s6 =	sadd.s32 @!p0 $0x11B8D, s6;
	_ =	swait.eq @!p0 [sflag:s5], $0x1  }
0xb2: {  	s4 =	sor.u32 @!p0 s4, s6;
	[sflag:s5] =	ssyncadd.s32 @!p0 $0xFFFFFFFF  }
0xb3: {  	s25 =	simm.s32 $0x1B8E;
	s24 =	sld [smem:$0x3FFE];
	[sflag:s4] =	ssyncadd.remote.s32 @!p0 $0x1  }
0xb4: {  	s26 =	simm.s32 $execute0_lowered;
	[smem:$0x3FD2] =	sst s25  }
0xb5: {  	s5 =	sshll.u32 s26, $0x1;
	_ =	strace $0x8000004C;
	[dreg:$0x1] =	wrdreg $0xFFFFFFFF  }
0xb6: {  	s28 =	simm.s32 $_size_execute0_lowered;
	s3 =	sadd.s32 s3, s5;
	[dreg:$0x0] =	wrdreg $0x0  }
0xb7: {  	s5 =	sshll.u32 s28, $0x1;
	[dreg:$0x2] =	wrdreg s3  }
0xb8: {  	[dreg:$0x3] =	wrdreg s5  }
0xb9: {  	[dreg:$0x4] =	wrdreg $0xC0  }
0xba: {  	_ =	task [dreg:s22], $0x5FFFF  }
0xbb: {  	[dreg:$0x1] =	wrdreg $0xFFFFFFFF  }
0xbc: {  	[dreg:$0x0] =	wrdreg $0x60  }
0xbd: {  	[dreg:$0x2] =	wrdreg s24  }
0xbe: {  	[dreg:$0x3] =	wrdreg $0x0  }
0xbf: {  	[dreg:$0x4] =	wrdreg $0xA  }
0xc0: {  	_ =	task.clear_ibuf [dreg:s22], $0x5FFFF;
	_ =	strace $0x9000004C  }
0xc1: {  	s29 =	simm.s32 $0xA;
	_ =	strace $0x8000004E  }
0xc2: {  	_ =	swait.ge [sflag:s29], $0x1  }
0xc3: {  	[sflag:s29] =	ssyncadd.s32 $0xFFFFFFFF  }
0xc4: {  	_ =	strace $0x9000004E  }
0xc5: {  	_ =	sfence  }
0xc6: {  	s30 =	sld [smem:$0x0];
	_ =	sdelay $0x2  }
0xc7: {  	s31 =	sshll.u32 s1, $0xD;
	s1 =	sshrl.u32 s1, $0x2  }
0xc8: {  	s4 =	sand.u32 $0x4000, s31;
	s1 =	sadd.s32 s1, s30  }
0xc9: {  	s0 =	sor.u32 s4, s0;
	s1 =	sshll.u32 s1, $0x11  }
0xca: {  	s0 =	sor.u32 s1, s0  }
0xcb: {  	s0 =	sadd.s32 $0x8F2B, s0  }
0xcc: {  	[sflag:s0] =	ssyncadd.remote.s32 $0x1  }
0xcd: {  	_ =	sfence.sel $0xFFFF  }
0xce: {  	[dreg:$0x0] =	wrdreg $0xFFFFFFFF;
	(pc) =	sbr.abs _section_cstart, $3  }
0xcf: {  	[dreg:$0x1] =	wrdreg $0xFFFFFFFF  }
0xd0: {  	_ =	task.clear_ibuf [dreg:s22], $0x2FFFF;
	_ =	strace $0x9FFFFFFF  }
0xd1: {  	(tm) =	ssettm $0x7FFFFFFF  }
tec
execute0_lowered:
.L_overlay_start_1:
0x0: {  	(tag) =	ssettag $0x1  }
0x1: {  	s0 =	rddreg [dreg:$0x0]  }
0x2: {  	s1 =	rddreg [dreg:$0x1]  }
0x3: {  	s3 =	simm.s32 $0x0;
	s13 =	stileid.u32;
	s4 =	srdreg.scid  }
0x4: {  	s28 =	simm.s32 $0x3;
	s29 =	simm.s32 $0x1;
	s30 =	simm.s32 $0x18080  }
0x5: {  	s31 =	simm.s32 $0x16000;
	[smem:$0x7FF] =	sst s3;
	s5 =	smul.u32 $0x2800, s13  }
0x6: {  	s2 =	sadd.s32 $0x56C600, s0;
	s6 =	sadd.s32 $0x4600, s0;
	s9 =	smul.u32 $0x50000, s13  }
0x7: {  	s7 =	sand.u32 $0x1, s4;
	s8 =	sadd.s32 $0xE400, s0;
	s10 =	smul.u32 $0x138, s13  }
0x8: {  	s25 =	smin.u32 s13, $0x8;
	p0 =	slt.u32 s13, $0x8;
	s20 =	smul.u32 $0x4E000, s13  }
0x9: {  	s22 =	smul.u32 $0x9C0, s13;
	p2 =	sgt.u32 s13, $0x7;
	_ =	strace $0x8000004D  }
0xa: {  	s4 =	ssub.s32 $0x2, s7;
	p1 =	sne.s32 s7, $0x0;
	s0 =	sadd.s32 s5, s0  }
0xb: {  	s23 =	sshrl.u32 s4, $0x1;
	s24 =	sshrl.u32 s9, $0x2;
	s10 =	sadd.s32 s25, s10  }
0xc: {  	s5 =	simm.s32 $0x139;
	s9 =	simm.s32 $0x4;
	s11 =	ssub.s32 s4, s23  }
0xd: {  	s4 =	sadd.s32 s24, s1;
	s12 =	sshll.u32 s10, $0x3;
	s26 =	sadd.s32 $0x62200, s0  }
0xe: {  	s10 =	sshll.u32 s10, $0xA;
	s0 =	sadd.s32 $0x3A200, s0;
	[dreg:$0x5] =	wrdreg s26  }
0xf: {  	s5 =	simm.s32 @!p0 $0x138;
	s14 =	sadd.s32 s8, s12;
	[dreg:$0x7] =	wrdreg s0  }
0x10: {  	s23 =	sshll.u32 s25, $0xA;
	s10 =	sadd.s32 s2, s10;
	[dreg:$0x3] =	wrdreg s14  }
0x11: {  	s24 =	sadd.s32 s22, s8;
	s15 =	smax.u32 s11, $0x1;
	[dreg:$0x4] =	wrdreg s10  }
0x12: {  	s25 =	sshll.u32 s25, $0x3;
	s16 =	sadd.s32 $0x2000, s4;
	[dreg:$0x8] =	wrdreg s15  }
0x13: {  	s17 =	sadd.s32 $0x4000, s4;
	s18 =	sadd.s32 $0x6000, s4;
	[dreg:$0x9] =	wrdreg s16  }
0x14: {  	s19 =	sadd.s32 $0x8000, s4;
	s21 =	sadd.s32 $0xA000, s4;
	[dreg:$0xa] =	wrdreg s17  }
0x15: {  	s0 =	sadd.s32 s20, s2;
	s20 =	sadd.s32 $0x10000, s4;
	[dreg:$0xb] =	wrdreg s18  }
0x16: {  	s8 =	simm.s32 $0x2;
	s14 =	sadd.s32 s6, s12;
	[dreg:$0xc] =	wrdreg s19  }
0x17: {  	[dreg:$0xd] =	wrdreg s21;
	s17 =	sadd.s32 $0xC000, s4;
	s18 =	sadd.s32 $0xE000, s4  }
.Ltmp0:
0x18: {  	s19 =	sadd.s32 s23, s0;
	s0 =	sadd.s32 s25, s24;
	(pc) =	sbr.rel .LBB2_1-.Ltmp0, $4  }
0x19: {  	s6 =	sadd.s32 s22, s6;
	s21 =	sadd.s32 $0x12000, s4;
	s24 =	simm.s32 $0x14000  }
0x1a: {  	s10 =	simm.s32 $0x0;
	[dreg:$0x6] =	wrdreg s14;
	s22 =	sadd.s32 $0x8, s0  }
0x1b: {  	s26 =	sadd.s32 s25, s6;
	s25 =	simm.s32 $0x5;
	s0 =	simm.s32 $0x40  }
0x1c: {  	v0 =	vimm.f32 $0.0e+00;
	s6 =	simm.s32 $0x6;
	s11 =	sadd.s32 $0x8, s26;
	s26 =	simm.s32 $0x18000  }
.LBB2_10:
0x1d: {  	_ =	swait.ge [sflag:s28], $0x40  }
0x1e: {  	[sflag:s28] =	ssyncset.done $0x0  }
0x1f: {  	[sflag:s28] =	ssyncadd.s32 $0xFFFFFFC0  }
0x20: {  	_ =	swait.ge [sflag:s29], $0x2000  }
0x21: {  	[sflag:s29] =	ssyncset.done $0x0  }
0x22: {  	[sflag:s29] =	ssyncadd.s32 $0xFFFFE000  }
0x23: {  	[spmem:s1] =	stream.indirect.scatter.add.f32 [tilespmem:s24], [sflag:$0x6], $0x80, s26, s0, $0xb8;
	[tilespmem:$0x18100] =	vst v63  }
0x24: {  	_ =	swait.ge [sflag:s6], $0x2000  }
0x25: {  	[sflag:s6] =	ssyncset.done $0x0  }
0x26: {  	[sflag:s6] =	ssyncadd.s32 $0xFFFFE000  }
.LBB2_11:
0x27: {  	s7 =	stileid.u32  }
0x28: {  	s7 =	sshll.u32 s7, $0x6  }
0x29: {  	[bflag:$0x0] =	sbarrier.arrive $0xFFFF;
	s12 =	sshrl.u32 s4, $0x3;
	s7 =	sor.u32 $0x1C05, s7  }
0x2a: {  	[hbm:s2], [sflag:s7] =	dma.local [spmem:s12], $0x2800  }
0x2b: {  	_ =	swait.ge [sflag:s25], $0x2800  }
0x2c: {  	s10 =	sadd.s32 $0x1, s10;
	s23 =	rddreg [dreg:$0x8]  }
0x2d: {  	p3 =	sne.s32 s10, s23  }
.Ltmp1:
0x2e: {  	_ = 	snop;
	(pc) =	sbr.rel @!p3 .LBB2_12-.Ltmp1, $3  }
0x2f: {  	_ =	sdelay $0x1  }
0x30: {  	[sflag:s25] =	ssyncset.done $0x0  }
0x31: {  	[sflag:s25] =	ssyncadd.s32 $0xFFFFD800  }
.LBB2_1:
0x32: {  	s2 =	simm.s32 $0x0;
	s7 =	simm.s32 $0x200  }
.LBB2_2:
0x33: {  	p3 =	sne.s32 s7, $0x7E00;
	[tilespmem:s2+$0x14070] =	vst v0  }
0x34: {  	[tilespmem:s2+$0x14000] =	vst v0  }
0x35: {  	[tilespmem:s2+$0x14010] =	vst v0  }
.Ltmp2:
0x36: {  	[tilespmem:s2+$0x14020] =	vst v0;
	(pc) =	sbr.rel @p3 .LBB2_2-.Ltmp2, $4  }
0x37: {  	[tilespmem:s2+$0x14030] =	vst v0  }
0x38: {  	[tilespmem:s2+$0x14040] =	vst v0  }
0x39: {  	[tilespmem:s2+$0x14050] =	vst v0  }
0x3a: {  	[tilespmem:s2+$0x14060] =	vst v0;
	s2 =	sshra.s32 s7, $0x2;
	s7 =	sadd.s32 $0x200, s7  }
0x3b: {  	[tilespmem:s2+$0x14070] =	vst v0  }
0x3c: {  	[tilespmem:s2+$0x14000] =	vst v0  }
0x3d: {  	[tilespmem:s2+$0x14010] =	vst v0  }
0x3e: {  	[tilespmem:s2+$0x14020] =	vst v0  }
0x3f: {  	[tilespmem:s2+$0x14030] =	vst v0  }
0x40: {  	[tilespmem:s2+$0x14040] =	vst v0  }
0x41: {  	[tilespmem:s2+$0x14050] =	vst v0  }
0x42: {  	[tilespmem:s2+$0x14060] =	vst v0  }
0x43: {  	[spmem:s4] =	stream.linear.scatter [tilespmem:s24], [sflag:$0x5], $0x2000, $0x38;
	[tilespmem:$0x18100] =	vst v63  }
0x44: {  	_ =	swait.ge [sflag:s25], $0x2000  }
0x45: {  	[sflag:s25] =	ssyncset.done $0x0  }
0x46: {  	s13 =	rddreg [dreg:$0x9];
	[sflag:s25] =	ssyncadd.s32 $0xFFFFE000  }
0x47: {  	[spmem:s13] =	stream.linear.scatter [tilespmem:s24], [sflag:$0x5], $0x2000, $0x38;
	[tilespmem:$0x18100] =	vst v63  }
0x48: {  	_ =	swait.ge [sflag:s25], $0x2000  }
0x49: {  	[sflag:s25] =	ssyncset.done $0x0  }
0x4a: {  	s14 =	rddreg [dreg:$0xa];
	[sflag:s25] =	ssyncadd.s32 $0xFFFFE000  }
0x4b: {  	[spmem:s14] =	stream.linear.scatter [tilespmem:s24], [sflag:$0x5], $0x2000, $0x38;
	[tilespmem:$0x18100] =	vst v63  }
0x4c: {  	_ =	swait.ge [sflag:s25], $0x2000  }
0x4d: {  	[sflag:s25] =	ssyncset.done $0x0  }
0x4e: {  	s15 =	rddreg [dreg:$0xb];
	[sflag:s25] =	ssyncadd.s32 $0xFFFFE000  }
0x4f: {  	[spmem:s15] =	stream.linear.scatter [tilespmem:s24], [sflag:$0x5], $0x2000, $0x38;
	[tilespmem:$0x18100] =	vst v63  }
0x50: {  	_ =	swait.ge [sflag:s25], $0x2000  }
0x51: {  	[sflag:s25] =	ssyncset.done $0x0  }
0x52: {  	s16 =	rddreg [dreg:$0xc];
	[sflag:s25] =	ssyncadd.s32 $0xFFFFE000  }
0x53: {  	[spmem:s16] =	stream.linear.scatter [tilespmem:s24], [sflag:$0x5], $0x2000, $0x38;
	[tilespmem:$0x18100] =	vst v63  }
0x54: {  	_ =	swait.ge [sflag:s25], $0x2000  }
0x55: {  	[sflag:s25] =	ssyncset.done $0x0  }
0x56: {  	s23 =	rddreg [dreg:$0xd];
	[sflag:s25] =	ssyncadd.s32 $0xFFFFE000  }
0x57: {  	[spmem:s23] =	stream.linear.scatter [tilespmem:s24], [sflag:$0x5], $0x2000, $0x38;
	[tilespmem:$0x18100] =	vst v63  }
0x58: {  	_ =	swait.ge [sflag:s25], $0x2000  }
0x59: {  	[sflag:s25] =	ssyncset.done $0x0  }
0x5a: {  	[sflag:s25] =	ssyncadd.s32 $0xFFFFE000  }
0x5b: {  	[spmem:s17] =	stream.linear.scatter [tilespmem:s24], [sflag:$0x5], $0x2000, $0x38;
	[tilespmem:$0x18100] =	vst v63  }
0x5c: {  	_ =	swait.ge [sflag:s25], $0x2000  }
0x5d: {  	[sflag:s25] =	ssyncset.done $0x0  }
0x5e: {  	[sflag:s25] =	ssyncadd.s32 $0xFFFFE000  }
0x5f: {  	[spmem:s18] =	stream.linear.scatter [tilespmem:s24], [sflag:$0x5], $0x2000, $0x38;
	[tilespmem:$0x18100] =	vst v63  }
0x60: {  	_ =	swait.ge [sflag:s25], $0x2000  }
0x61: {  	[sflag:s25] =	ssyncset.done $0x0  }
0x62: {  	[sflag:s25] =	ssyncadd.s32 $0xFFFFE000  }
0x63: {  	[spmem:s20] =	stream.linear.scatter [tilespmem:s24], [sflag:$0x5], $0x2000, $0x38;
	[tilespmem:$0x18100] =	vst v63  }
0x64: {  	_ =	swait.ge [sflag:s25], $0x2000  }
0x65: {  	[sflag:s25] =	ssyncset.done $0x0  }
0x66: {  	[sflag:s25] =	ssyncadd.s32 $0xFFFFE000  }
0x67: {  	[spmem:s21] =	stream.linear.scatter [tilespmem:s24], [sflag:$0x5], $0x2000, $0x38;
	[tilespmem:$0x18100] =	vst v63  }
.Ltmp3:
0x68: {  	_ =	swait.ge [sflag:s25], $0x2000;
	(pc) =	sbr.rel @p1 .LBB2_7-.Ltmp3, $4  }
0x69: {  	[sflag:s25] =	ssyncset.done $0x0  }
0x6a: {  	[sflag:s25] =	ssyncadd.s32 $0xFFFFE000  }
0x6b: {  	[bflag:$0x0] =	sbarrier.arrive $0xFFFF  }
0x6c: {  	s2 =	simm.s32 $0x0  }
0x6d: {  	s7 =	rddreg [dreg:$0x6]  }
0x6e: {  	[tilespmem:s26], [sflag:$0x3] =	stream.linear.gather [hbm4b:s7+s2], $0x40, $0x38;
	[tilespmem:$0x18100] =	vst v63  }
0x6f: {  	s16 =	rddreg [dreg:$0x4]  }
0x70: {  	[tilespmem:s24], [sflag:$0x1] =	stream.linear.gather [hbm4b:s16+s2], $0x2000, $0x38;
	[tilespmem:$0x18100] =	vst v63  }
0x71: {  	_ =	swait.ge [sflag:s28], $0x40  }
0x72: {  	[sflag:s28] =	ssyncset.done $0x0  }
0x73: {  	[sflag:s28] =	ssyncadd.s32 $0xFFFFFFC0  }
0x74: {  	_ =	swait.ge [sflag:s29], $0x2000  }
0x75: {  	[sflag:s29] =	ssyncset.done $0x0  }
0x76: {  	s23 =	sadd.s32 $0x0, s19;
	[sflag:s29] =	ssyncadd.s32 $0xFFFFE000  }
0x77: {  	[tilespmem:s30], [sflag:$0x4] =	stream.linear.gather [hbm4b:s11+s3], $0x40, $0x38;
	[tilespmem:$0x18100] =	vst v63  }
0x78: {  	s2 =	sadd.s32 $0x400, s23  }
0x79: {  	[tilespmem:s31], [sflag:$0x2] =	stream.linear.gather [hbm4b:s2+s3], $0x2000, $0x38;
	[tilespmem:$0x18100] =	vst v63  }
0x7a: {  	_ = 	snop  }
0x7b: {  	[spmem:s1] =	stream.indirect.scatter.add.f32 [tilespmem:s24], [sflag:$0x6], $0x80, s26, s0, $0xb8;
	[tilespmem:$0x18100] =	vst v63  }
0x7c: {  	_ =	swait.ge [sflag:s6], $0x2000  }
0x7d: {  	[sflag:s6] =	ssyncset.done $0x0  }
0x7e: {  	[sflag:s6] =	ssyncadd.s32 $0xFFFFE000  }
0x7f: {  	_ =	swait.ge [sflag:s9], $0x40  }
0x80: {  	[sflag:s9] =	ssyncset.done $0x0  }
0x81: {  	[sflag:s9] =	ssyncadd.s32 $0xFFFFFFC0  }
0x82: {  	p3 =	sle.u32 s5, $0x2;
	_ =	swait.ge [sflag:s8], $0x2000  }
0x83: {  	s7 =	simm.s32 @!p3 $0x0;
	s12 =	sadd.s32 @!p3 $0x0, s19;
	[sflag:s8] =	ssyncset.done $0x0  }
0x84: {  	s23 =	simm.s32 @!p3 $0x18000;
	s2 =	sadd.s32 @!p3 $0x8, s11;
	[sflag:s8] =	ssyncadd.s32 $0xFFFFE000  }
0x85: {  	[tilespmem:s23], [sflag:$0x3] =	stream.linear.gather @!p3 [hbm4b:s2+s7], $0x40, $0x38;
	[tilespmem:$0x18100] =	vst v63  }
0x86: {  	s12 =	sadd.s32 @!p3 $0x800, s12;
	s2 =	simm.s32 @!p3 $0x14000  }
0x87: {  	[tilespmem:s2], [sflag:$0x1] =	stream.linear.gather @!p3 [hbm4b:s12+s7], $0x2000, $0x38;
	[tilespmem:$0x18100] =	vst v63  }
0x88: {  	s23 =	smov.u32 s11  }
0x89: {  	[spmem:s1] =	stream.indirect.scatter.add.f32 [tilespmem:s31], [sflag:$0x5], $0x80, s30, s0, $0xb8;
	[tilespmem:$0x18100] =	vst v63  }
0x8a: {  	s2 =	simm.s32 $0x800;
	s7 =	simm.s32 $0x4;
	_ =	swait.ge [sflag:s25], $0x2000  }
.LBB2_5:
0x8b: {  	[sflag:s25] =	ssyncset.done $0x0  }
0x8c: {  	s23 =	sadd.s32 $0x10, s23;
	s12 =	smov.u32 s2;
	s2 =	sadd.s32 $0x800, s2  }
0x8d: {  	p3 =	sne.s32 s2, $0x4E000;
	[sflag:s25] =	ssyncadd.s32 $0xFFFFE000  }
0x8e: {  	_ =	swait.ge [sflag:s28], $0x40  }
0x8f: {  	[sflag:s28] =	ssyncset.done $0x0  }
0x90: {  	[sflag:s28] =	ssyncadd.s32 $0xFFFFFFC0  }
0x91: {  	_ =	swait.ge [sflag:s29], $0x2000  }
0x92: {  	[sflag:s29] =	ssyncset.done $0x0  }
0x93: {  	s13 =	sadd.s32 s12, s19;
	[sflag:s29] =	ssyncadd.s32 $0xFFFFE000  }
0x94: {  	[tilespmem:s30], [sflag:$0x4] =	stream.linear.gather [hbm4b:s23+s3], $0x40, $0x38;
	[tilespmem:$0x18100] =	vst v63  }
0x95: {  	s13 =	sadd.s32 $0x400, s13  }
0x96: {  	[tilespmem:s31], [sflag:$0x2] =	stream.linear.gather [hbm4b:s13+s3], $0x2000, $0x38;
	[tilespmem:$0x18100] =	vst v63  }
0x97: {  	_ = 	snop  }
0x98: {  	[spmem:s1] =	stream.indirect.scatter.add.f32 [tilespmem:s24], [sflag:$0x6], $0x80, s26, s0, $0xb8;
	[tilespmem:$0x18100] =	vst v63  }
0x99: {  	_ =	swait.ge [sflag:s6], $0x2000  }
0x9a: {  	[sflag:s6] =	ssyncset.done $0x0  }
0x9b: {  	[sflag:s6] =	ssyncadd.s32 $0xFFFFE000  }
0x9c: {  	_ =	swait.ge [sflag:s9], $0x40  }
0x9d: {  	[sflag:s9] =	ssyncset.done $0x0  }
0x9e: {  	[sflag:s9] =	ssyncadd.s32 $0xFFFFFFC0  }
0x9f: {  	_ =	swait.ge [sflag:s8], $0x2000  }
0xa0: {  	p4 =	sge.u32 s7, s5;
	[sflag:s8] =	ssyncset.done $0x0  }
0xa1: {  	s14 =	simm.s32 @!p4 $0x0;
	s13 =	sadd.s32 @!p4 $0x8, s23;
	[sflag:s8] =	ssyncadd.s32 $0xFFFFE000  }
0xa2: {  	s15 =	simm.s32 @!p4 $0x18000;
	s12 =	sadd.s32 @!p4 s12, s19;
	s16 =	simm.s32 @!p4 $0x14000  }
0xa3: {  	[tilespmem:s15], [sflag:$0x3] =	stream.linear.gather @!p4 [hbm4b:s13+s14], $0x40, $0x38;
	[tilespmem:$0x18100] =	vst v63  }
.Ltmp4:
0xa4: {  	s12 =	sadd.s32 @!p4 $0x800, s12;
	(pc) =	sbr.rel @p3 .LBB2_5-.Ltmp4, $4  }
0xa5: {  	[tilespmem:s16], [sflag:$0x1] =	stream.linear.gather @!p4 [hbm4b:s12+s14], $0x2000, $0x38;
	[tilespmem:$0x18100] =	vst v63  }
0xa6: {  	_ = 	snop  }
0xa7: {  	[spmem:s1] =	stream.indirect.scatter.add.f32 [tilespmem:s31], [sflag:$0x5], $0x80, s30, s0, $0xb8;
	[tilespmem:$0x18100] =	vst v63  }
0xa8: {  	s7 =	sadd.s32 $0x2, s7;
	_ =	swait.ge [sflag:s25], $0x2000  }
.Ltmp5:
0xa9: {  	(pc) =	sbr.rel @p0 .LBB2_10-.Ltmp5, $4  }
.Ltmp6:
0xaa: {  	(pc) =	sbr.rel @!p0 .LBB2_11-.Ltmp6, $4  }
0xab: {  	_ = 	snop  }
0xac: {  	[sflag:s25] =	ssyncset.done $0x0  }
0xad: {  	s2 =	rddreg [dreg:$0x7];
	[sflag:s25] =	ssyncadd.s32 $0xFFFFE000  }
0xae: {  	_ = 	snop  }
.LBB2_7:
0xaf: {  	s7 =	rddreg [dreg:$0x3]  }
0xb0: {  	[tilespmem:s26], [sflag:$0x3] =	stream.linear.gather [hbm4b:s7+s2], $0x40, $0x38;
	[tilespmem:$0x18100] =	vst v63  }
0xb1: {  	s16 =	rddreg [dreg:$0x4]  }
0xb2: {  	[tilespmem:s24], [sflag:$0x1] =	stream.linear.gather [hbm4b:s16+s2], $0x2000, $0x38;
	[tilespmem:$0x18100] =	vst v63  }
0xb3: {  	_ =	swait.ge [sflag:s28], $0x40  }
0xb4: {  	[sflag:s28] =	ssyncset.done $0x0  }
0xb5: {  	[sflag:s28] =	ssyncadd.s32 $0xFFFFFFC0  }
0xb6: {  	_ =	swait.ge [sflag:s29], $0x2000  }
0xb7: {  	[sflag:s29] =	ssyncset.done $0x0  }
0xb8: {  	s23 =	sadd.s32 $0x0, s19;
	[sflag:s29] =	ssyncadd.s32 $0xFFFFE000  }
0xb9: {  	[tilespmem:s30], [sflag:$0x4] =	stream.linear.gather [hbm4b:s22+s3], $0x40, $0x38;
	[tilespmem:$0x18100] =	vst v63  }
0xba: {  	s2 =	sadd.s32 $0x400, s23  }
0xbb: {  	[tilespmem:s31], [sflag:$0x2] =	stream.linear.gather [hbm4b:s2+s3], $0x2000, $0x38;
	[tilespmem:$0x18100] =	vst v63  }
0xbc: {  	_ = 	snop  }
0xbd: {  	[spmem:s1] =	stream.indirect.scatter.add.f32 [tilespmem:s24], [sflag:$0x6], $0x80, s26, s0, $0xb8;
	[tilespmem:$0x18100] =	vst v63  }
0xbe: {  	_ =	swait.ge [sflag:s6], $0x2000  }
0xbf: {  	[sflag:s6] =	ssyncset.done $0x0  }
0xc0: {  	[sflag:s6] =	ssyncadd.s32 $0xFFFFE000  }
0xc1: {  	_ =	swait.ge [sflag:s9], $0x40  }
0xc2: {  	[sflag:s9] =	ssyncset.done $0x0  }
0xc3: {  	[sflag:s9] =	ssyncadd.s32 $0xFFFFFFC0  }
0xc4: {  	p3 =	sle.u32 s5, $0x2;
	_ =	swait.ge [sflag:s8], $0x2000  }
0xc5: {  	s7 =	simm.s32 @!p3 $0x0;
	s12 =	simm.s32 @!p3 $0x18000;
	[sflag:s8] =	ssyncset.done $0x0  }
0xc6: {  	s13 =	sadd.s32 @!p3 $0x0, s19;
	s2 =	sadd.s32 @!p3 $0x8, s22;
	[sflag:s8] =	ssyncadd.s32 $0xFFFFE000  }
0xc7: {  	[tilespmem:s12], [sflag:$0x3] =	stream.linear.gather @!p3 [hbm4b:s2+s7], $0x40, $0x38;
	[tilespmem:$0x18100] =	vst v63  }
0xc8: {  	s2 =	simm.s32 @!p3 $0x14000;
	s12 =	sadd.s32 @!p3 $0x800, s13  }
0xc9: {  	[tilespmem:s2], [sflag:$0x1] =	stream.linear.gather @!p3 [hbm4b:s12+s7], $0x2000, $0x38;
	[tilespmem:$0x18100] =	vst v63  }
0xca: {  	s23 =	smov.u32 s22  }
0xcb: {  	[spmem:s1] =	stream.indirect.scatter.add.f32 [tilespmem:s31], [sflag:$0x5], $0x80, s30, s0, $0xb8;
	[tilespmem:$0x18100] =	vst v63  }
0xcc: {  	s2 =	simm.s32 $0x800;
	s7 =	simm.s32 $0x4;
	_ =	swait.ge [sflag:s25], $0x2000  }
.LBB2_8:
0xcd: {  	[sflag:s25] =	ssyncset.done $0x0  }
0xce: {  	s23 =	sadd.s32 $0x10, s23;
	s12 =	smov.u32 s2;
	s2 =	sadd.s32 $0x800, s2  }
0xcf: {  	p3 =	sne.s32 s2, $0x4E000;
	[sflag:s25] =	ssyncadd.s32 $0xFFFFE000  }
0xd0: {  	_ =	swait.ge [sflag:s28], $0x40  }
0xd1: {  	[sflag:s28] =	ssyncset.done $0x0  }
0xd2: {  	[sflag:s28] =	ssyncadd.s32 $0xFFFFFFC0  }
0xd3: {  	_ =	swait.ge [sflag:s29], $0x2000  }
0xd4: {  	[sflag:s29] =	ssyncset.done $0x0  }
0xd5: {  	s13 =	sadd.s32 s12, s19;
	[sflag:s29] =	ssyncadd.s32 $0xFFFFE000  }
0xd6: {  	[tilespmem:s30], [sflag:$0x4] =	stream.linear.gather [hbm4b:s23+s3], $0x40, $0x38;
	[tilespmem:$0x18100] =	vst v63  }
0xd7: {  	s13 =	sadd.s32 $0x400, s13  }
0xd8: {  	[tilespmem:s31], [sflag:$0x2] =	stream.linear.gather [hbm4b:s13+s3], $0x2000, $0x38;
	[tilespmem:$0x18100] =	vst v63  }
0xd9: {  	_ = 	snop  }
0xda: {  	[spmem:s1] =	stream.indirect.scatter.add.f32 [tilespmem:s24], [sflag:$0x6], $0x80, s26, s0, $0xb8;
	[tilespmem:$0x18100] =	vst v63  }
0xdb: {  	_ =	swait.ge [sflag:s6], $0x2000  }
0xdc: {  	[sflag:s6] =	ssyncset.done $0x0  }
0xdd: {  	[sflag:s6] =	ssyncadd.s32 $0xFFFFE000  }
0xde: {  	_ =	swait.ge [sflag:s9], $0x40  }
0xdf: {  	[sflag:s9] =	ssyncset.done $0x0  }
0xe0: {  	[sflag:s9] =	ssyncadd.s32 $0xFFFFFFC0  }
0xe1: {  	_ =	swait.ge [sflag:s8], $0x2000  }
0xe2: {  	p4 =	sge.u32 s7, s5;
	[sflag:s8] =	ssyncset.done $0x0  }
0xe3: {  	s14 =	simm.s32 @!p4 $0x0;
	s13 =	sadd.s32 @!p4 $0x8, s23;
	[sflag:s8] =	ssyncadd.s32 $0xFFFFE000  }
0xe4: {  	s15 =	simm.s32 @!p4 $0x18000;
	s12 =	sadd.s32 @!p4 s12, s19;
	s16 =	simm.s32 @!p4 $0x14000  }
0xe5: {  	[tilespmem:s15], [sflag:$0x3] =	stream.linear.gather @!p4 [hbm4b:s13+s14], $0x40, $0x38;
	[tilespmem:$0x18100] =	vst v63  }
.Ltmp7:
0xe6: {  	s12 =	sadd.s32 @!p4 $0x800, s12;
	(pc) =	sbr.rel @p3 .LBB2_8-.Ltmp7, $4  }
0xe7: {  	[tilespmem:s16], [sflag:$0x1] =	stream.linear.gather @!p4 [hbm4b:s12+s14], $0x2000, $0x38;
	[tilespmem:$0x18100] =	vst v63  }
0xe8: {  	_ = 	snop  }
0xe9: {  	[spmem:s1] =	stream.indirect.scatter.add.f32 [tilespmem:s31], [sflag:$0x5], $0x80, s30, s0, $0xb8;
	[tilespmem:$0x18100] =	vst v63  }
0xea: {  	s7 =	sadd.s32 $0x2, s7;
	_ =	swait.ge [sflag:s25], $0x2000  }
.Ltmp8:
0xeb: {  	(pc) =	sbr.rel @p2 .LBB2_11-.Ltmp8, $4  }
.Ltmp9:
0xec: {  	(pc) =	sbr.rel @!p2 .LBB2_10-.Ltmp9, $4  }
0xed: {  	_ = 	snop  }
0xee: {  	[sflag:s25] =	ssyncset.done $0x0  }
0xef: {  	s2 =	rddreg [dreg:$0x5];
	[sflag:s25] =	ssyncadd.s32 $0xFFFFE000  }
0xf0: {  	_ = 	snop  }
.LBB2_12:
0xf1: {  	_ =	sfence.sel $0x180000  }
0xf2: {  	[bflag:$0x0] =	sbarrier.arrive $0xFFFF  }
0xf3: {  	_ =	strace $0x9000004D  }
0xf4: {  	s0 =	stileid.u32;
	[bflag:$0x2] =	sbarrier.arrive $0xFFFF  }
0xf5: {  	p0 =	sne.s32 s0, $0x0;
	s0 =	rddreg [dreg:$0x2]  }
0xf6: {  	s0 =	sadd.s32 @!p0 $0x100000, s0  }
0xf7: {  	[sflag:s0] =	ssyncadd.tile.s32 @!p0 $0x1;
	_ =	shalt  }
.Lfunc_end2:
_tile_overlayer_lowered:
.L_overlay_start_2:
0xf8: {  	(tag) =	ssettag $0x2  }
0xf9: {  	s0 =	rddreg [dreg:$0x0];
	s2 =	stileid.u32  }
0xfa: {  	s1 =	rddreg [dreg:$0x1];
	p0 =	sne.s32 s2, $0x0  }
0xfb: {  	s3 =	rddreg [dreg:$0x2];
	[bflag:$0x3] =	sbarrier.arrive $0xFFFF;
	s2 =	simm.s32 @!p0 $0x1C05  }
0xfc: {  	[timem:s3], [sflag:s2] =	dma.local @!p0 [hbm:s0], s1  }
0xfd: {  	s0 =	simm.s32 @!p0 $0x5  }
0xfe: {  	_ =	swait.ge @!p0 [sflag:s0], s1  }
0xff: {  	s1 =	ssub.s32 @!p0 $0x0, s1;
	[sflag:s0] =	ssyncset.done @!p0 $0x0  }
0x100: {  	[sflag:s0] =	ssyncadd.s32 @!p0 s1  }
0x101: {  	[bflag:$0x3] =	sbarrier.arrive $0xFFFF  }
0x102: {  	_ =	shalt  }

// kernel: kernel.8.cloned.1.call-start
scs
__scs_entry_jumppad:
0x0: {  	(pc) =	sbr.rel $0x88, $3  }
0x1: {  	(tag) =	ssettag $0x0;
	lr =	simm.s32 $0x1  }
0x2: {  	[smem:$0x3F96] =	sst lr;
	_ =	strace $0xD0000000  }
0x3: {  	_ = 	snop  }
0x4: {  	_ = 	snop  }
0x5: {  	_ = 	snop  }
0x6: {  	_ = 	snop  }
0x7: {  	_ = 	snop  }
__scs_overlays_trampoline_lowered:
0x8: {  	[smem:$0x3FA5] =	sst s0  }
0x9: {  	[smem:$0x3FA6] =	sst s1  }
0xa: {  	[smem:$0x3FA7] =	sst s2  }
0xb: {  	[smem:$0x3FA8] =	sst s3  }
0xc: {  	[smem:$0x3FA9] =	sst s4  }
0xd: {  	[smem:$0x3FAA] =	sst s5  }
0xe: {  	[smem:$0x3FAB] =	sst s6  }
0xf: {  	[smem:$0x3FAC] =	sst s7  }
0x10: {  	[smem:$0x3FAD] =	sst s8  }
0x11: {  	[smem:$0x3FAE] =	sst s9;
	s0 =	simm.s32 @!p0 $0x0  }
0x12: {  	s1 =	sld [smem:$0x3F94];
	s0 =	simm.s32 @p0 $0x1  }
0x13: {  	[smem:$0x3FAF] =	sst s0;
	s0 =	simm.s32 @!p1 $0x0  }
0x14: {  	s2 =	sld [smem:$0x3F93];
	s0 =	simm.s32 @p1 $0x1  }
0x15: {  	[smem:$0x3FB0] =	sst s0;
	s0 =	simm.s32 @!p2 $0x0  }
0x16: {  	s3 =	sld [smem:$0x3FDB];
	s0 =	simm.s32 @p2 $0x1  }
0x17: {  	s4 =	simm.s32 $0x1BF5;
	[smem:$0x3FB2] =	sst s0  }
0x18: {  	s0 =	sld [smem:$0x3F95];
	_ =	swait.ge [sflag:s4], $0x0  }
0x19: {  	s7 =	sld [smem:$0x3F96]  }
0x1a: {  	s8 =	sadd.s32 $0xFFFFE003, lr  }
0x1b: {  	s9 =	sadd.s32 $0xFFFFFEF7, lr;
	s5 =	simm.s32 $0xFFFFFFFF;
	p2 =	slt.u32 s8, $0xFFFFF086  }
0x1c: {  	p1 =	slt.u32 s9, $0xF7A;
	s5 =	simm.s32 @!p2 $0x0  }
0x1d: {  	s5 =	simm.s32 @p1 $0x1;
	p0 =	seq.s32 s7, s2  }
0x1e: {  	s7 =	smul.u32 @!p0 $0xF7A, s2;
	p2 =	seq.s32 @!p0 s5, $0x0  }
0x1f: {  	s9 =	smul.u32 $0xF7A, s1;
	s8 =	simm.s32 @!p0 $0x1BF5;
	p2 =	por !p2, p0  }
0x20: {  	[sflag:s8] =	ssyncset.s32 @!p0 $0xFFFFF086;
	s6 =	sadd.s32 @!p0 s3, s7;
	s7 =	simm.s32 @!p0 $0x108  }
0x21: {  	s3 =	sadd.s32 s3, s9;
	s6 =	sadd.s32 @!p0 $0x88, s6;
	s7 =	simm.s32 @p2 $0x1082  }
0x22: {  	[simem:s7], [sflag:s8] =	dma.local @!p0 [hbm:s6], $0xF7A  }
0x23: {  	s9 =	sor.u32 $0xD0000000, s2;
	s6 =	simm.s32 $0x108;
	_ =	swait.ge @!p0 [sflag:s8], $0x0  }
0x24: {  	s3 =	sadd.s32 $0x88, s3;
	s6 =	simm.s32 @!p1 $0x1082;
	[sflag:s4] =	ssyncset.s32 $0xFFFFF086  }
0x25: {  	[simem:s6], [sflag:s4] =	dma.local [hbm:s3], $0xF7A  }
0x26: {  	[smem:$0x3F96] =	sst s1;
	(tag) =	ssettag s2;
	_ =	strace s9  }
0x27: {  	s1 =	sld [smem:$0x3FA6]  }
0x28: {  	s2 =	sld [smem:$0x3FA7]  }
0x29: {  	s4 =	sld [smem:$0x3FA9]  }
0x2a: {  	p0 =	seq.s32 s5, $0x0;
	s5 =	sld [smem:$0x3FAA]  }
0x2b: {  	s6 =	sld [smem:$0x3FAB]  }
0x2c: {  	s7 =	sld [smem:$0x3FAC]  }
0x2d: {  	s3 =	simm.s32 $0x108;
	s8 =	sld [smem:$0x3FAD]  }
0x2e: {  	s3 =	simm.s32 @!p0 $0x1082;
	s9 =	sld [smem:$0x3FAE]  }
0x2f: {  	lr =	sadd.s32 s0, s3;
	s0 =	sld [smem:$0x3FA5]  }
0x30: {  	s3 =	sld [smem:$0x3FA8]  }
0x31: {  	[smem:$0x3FB1] =	sst s10  }
0x32: {  	s10 =	sld [smem:$0x3FAF];
	_ =	sdelay $0x3  }
0x33: {  	p0 =	seq.s32 s10, $0x1;
	s10 =	sld [smem:$0x3FB1];
	_ =	sdelay $0x3  }
0x34: {  	[smem:$0x3FB1] =	sst s10  }
0x35: {  	s10 =	sld [smem:$0x3FB0];
	_ =	sdelay $0x3  }
0x36: {  	p1 =	seq.s32 s10, $0x1;
	s10 =	sld [smem:$0x3FB1];
	_ =	sdelay $0x3  }
0x37: {  	[smem:$0x3FB1] =	sst s10  }
0x38: {  	s10 =	sld [smem:$0x3FB2]  }
0x39: {  	_ = 	snop;
	(pc) =	sbr.ind lr, $3  }
0x3a: {  	_ = 	snop  }
0x3b: {  	_ = 	snop  }
0x3c: {  	p2 =	seq.s32 s10, $0x1;
	s10 =	sld [smem:$0x3FB1]  }
0x3d: {  	_ =	shalt  }
0x3e: {  	_ =	shalt  }
0x3f: {  	_ =	shalt  }
0x40: {  	_ =	shalt  }
0x41: {  	_ =	shalt  }
0x42: {  	_ =	shalt  }
0x43: {  	_ =	shalt  }
0x44: {  	_ =	shalt  }
0x45: {  	_ =	shalt  }
0x46: {  	_ =	shalt  }
0x47: {  	_ =	shalt  }
0x48: {  	_ =	shalt  }
0x49: {  	_ =	shalt  }
0x4a: {  	_ =	shalt  }
0x4b: {  	_ =	shalt  }
0x4c: {  	_ =	shalt  }
0x4d: {  	_ =	shalt  }
0x4e: {  	_ =	shalt  }
0x4f: {  	_ =	shalt  }
0x50: {  	_ =	shalt  }
0x51: {  	_ =	shalt  }
0x52: {  	_ =	shalt  }
0x53: {  	_ =	shalt  }
0x54: {  	_ =	shalt  }
0x55: {  	_ =	shalt  }
0x56: {  	_ =	shalt  }
0x57: {  	_ =	shalt  }
0x58: {  	_ =	shalt  }
0x59: {  	_ =	shalt  }
0x5a: {  	_ =	shalt  }
0x5b: {  	_ =	shalt  }
0x5c: {  	_ =	shalt  }
0x5d: {  	_ =	shalt  }
0x5e: {  	_ =	shalt  }
0x5f: {  	_ =	shalt  }
0x60: {  	_ =	shalt  }
0x61: {  	_ =	shalt  }
0x62: {  	_ =	shalt  }
0x63: {  	_ =	shalt  }
0x64: {  	_ =	shalt  }
0x65: {  	_ =	shalt  }
0x66: {  	_ =	shalt  }
0x67: {  	_ =	shalt  }
0x68: {  	_ =	shalt  }
0x69: {  	_ =	shalt  }
0x6a: {  	_ =	shalt  }
0x6b: {  	_ =	shalt  }
0x6c: {  	_ =	shalt  }
0x6d: {  	_ =	shalt  }
0x6e: {  	_ =	shalt  }
0x6f: {  	_ =	shalt  }
0x70: {  	_ =	shalt  }
0x71: {  	_ =	shalt  }
0x72: {  	_ =	shalt  }
0x73: {  	_ =	shalt  }
0x74: {  	_ =	shalt  }
0x75: {  	_ =	shalt  }
0x76: {  	_ =	shalt  }
0x77: {  	_ =	shalt  }
0x78: {  	_ =	shalt  }
0x79: {  	_ =	shalt  }
0x7a: {  	_ =	shalt  }
0x7b: {  	_ =	shalt  }
0x7c: {  	_ =	shalt  }
0x7d: {  	_ =	shalt  }
0x7e: {  	_ =	shalt  }
0x7f: {  	_ =	shalt  }
0x80: {  	_ =	shalt  }
0x81: {  	_ =	shalt  }
0x82: {  	_ =	shalt  }
0x83: {  	_ =	shalt  }
0x84: {  	_ =	shalt  }
0x85: {  	_ =	shalt  }
0x86: {  	_ =	shalt  }
0x87: {  	_ =	shalt  }
.Lfunc_end0:
.L_simem_size_0:
called_computation_lowered:
.L_overlay_start_0:
0x88: {  	s2 =	sld [smem:$0x3FD9]  }
0x89: {  	s3 =	sld [smem:$0x3FFE];
	_ =	sdelay $0x1  }
0x8a: {  	s1 =	srdreg.scid  }
0x8b: {  	s0 =	sand.u32 $0x1, s1  }
0x8c: {  	s14 =	sshll.u32 s0, $0xA;
	s2 =	sadd.s32 s3, s2  }
0x8d: {  	s2 =	sadd.s32 s2, s14  }
0x8e: {  	[smem:$0x3FBD] =	sst s2  }
0x8f: {  	_ = 	snop  }
0x90: {  	s2 =	sld [smem:$0x3FD0];
	_ =	sdelay $0x2  }
0x91: {  	s15 =	simm.s32 $0xB;
	s4 =	simm.s32 $0x10  }
0x92: {  	[smem:s4], [sflag:s15] =	dma.local [hbm:s2], $0x1  }
0x93: {  	_ =	swait.eq [sflag:s15], $0x1  }
0x94: {  	[sflag:s15] =	ssyncset.done $0x0  }
0x95: {  	s16 =	sld [smem:$0x10];
	[sflag:s15] =	ssyncadd.s32 $0xFFFFFFFF  }
0x96: {  	s17 =	sld [smem:$0x11];
	(tm) =	ssettm $0x1  }
0x97: {  	s18 =	sld [smem:$0x3FFB];
	_ =	sdelay $0x3  }
0x98: {  	_ =	strace s18  }
0x99: {  	s4 =	sld [smem:$0x3FFC];
	_ =	sdelay $0x3  }
0x9a: {  	_ =	strace s4  }
0x9b: {  	s4 =	sld [smem:$0x3FFD];
	_ =	sdelay $0x3  }
0x9c: {  	_ =	strace s4  }
0x9d: {  	_ =	strace $0x8FFFFFFF  }
0x9e: {  	s19 =	sld [smem:$0x3FDB];
	_ =	sdelay $0x1  }
0x9f: {  	s5 =	simm.s32 $_scs_section_size  }
0xa0: {  	s6 =	simm.s32 $_size__tile_overlayer_lowered;
	s7 =	simm.s32 $_tile_overlayer_lowered  }
0xa1: {  	s22 =	simm.s32 $0x1BFF;
	s21 =	sshll.u32 s7, $0x1;
	s4 =	sadd.s32 s5, s19  }
0xa2: {  	s8 =	simm.s32 $0x0;
	s20 =	sshll.u32 s6, $0x1;
	s6 =	sadd.s32 s21, s4  }
0xa3: {  	[timem:s8], [sflag:s22] =	dma.local [hbm:s6], s20  }
0xa4: {  	_ =	swait.ge [sflag:s22], s20  }
0xa5: {  	s5 =	ssub.s32 $0x0, s20;
	[sflag:s22] =	ssyncset.done $0x0  }
0xa6: {  	[sflag:s22] =	ssyncadd.s32 s5;
	_ =	sdelay $0x1  }
0xa7: {  	s23 =	simm.s32 $0x1B8B  }
0xa8: {  	_ =	swait.ge [sflag:s23], $0x1  }
0xa9: {  	[sflag:s23] =	ssyncset.done $0x0  }
0xaa: {  	s25 =	simm.s32 $0x1B8E;
	s24 =	sld [smem:$0x3FFE];
	[sflag:s23] =	ssyncadd.s32 $0xFFFFFFFF  }
0xab: {  	s26 =	simm.s32 $execute0_lowered;
	[smem:$0x3FD2] =	sst s25  }
0xac: {  	s6 =	sshll.u32 s26, $0x1;
	_ =	strace $0x80000046;
	[dreg:$0x1] =	wrdreg $0xFFFFFFFF  }
0xad: {  	s28 =	simm.s32 $_size_execute0_lowered;
	s4 =	sadd.s32 s4, s6;
	[dreg:$0x0] =	wrdreg $0x0  }
0xae: {  	s6 =	sshll.u32 s28, $0x1;
	[dreg:$0x2] =	wrdreg s4  }
0xaf: {  	[dreg:$0x3] =	wrdreg s6  }
0xb0: {  	[dreg:$0x4] =	wrdreg $0xC0  }
0xb1: {  	_ =	task [dreg:s8], $0x5FFFF  }
0xb2: {  	[dreg:$0x1] =	wrdreg $0xFFFFFFFF  }
0xb3: {  	[dreg:$0x0] =	wrdreg $0x60  }
0xb4: {  	[dreg:$0x2] =	wrdreg s16  }
0xb5: {  	[dreg:$0x3] =	wrdreg s17  }
0xb6: {  	[dreg:$0x4] =	wrdreg s24  }
0xb7: {  	[dreg:$0x5] =	wrdreg $0xA  }
0xb8: {  	_ =	task.clear_ibuf [dreg:s8], $0x6FFFF;
	_ =	strace $0x90000046  }
0xb9: {  	s29 =	simm.s32 $0xA;
	_ =	strace $0x80000048  }
0xba: {  	_ =	swait.ge [sflag:s29], $0x1  }
0xbb: {  	[sflag:s29] =	ssyncadd.s32 $0xFFFFFFFF  }
0xbc: {  	_ =	strace $0x90000048  }
0xbd: {  	_ =	sfence  }
0xbe: {  	s30 =	sld [smem:$0x0];
	_ =	sdelay $0x2  }
0xbf: {  	s31 =	sshll.u32 s1, $0xD;
	s1 =	sshrl.u32 s1, $0x2  }
0xc0: {  	s3 =	sand.u32 $0x4000, s31;
	s1 =	sadd.s32 s1, s30  }
0xc1: {  	s0 =	sor.u32 s3, s0;
	s1 =	sshll.u32 s1, $0x11  }
0xc2: {  	s0 =	sor.u32 s1, s0  }
0xc3: {  	s0 =	sadd.s32 $0x8F2B, s0  }
0xc4: {  	[sflag:s0] =	ssyncadd.remote.s32 $0x1  }
0xc5: {  	_ =	sfence.sel $0xFFFF  }
0xc6: {  	[dreg:$0x0] =	wrdreg $0xFFFFFFFF;
	(pc) =	sbr.abs _section_cstart, $3  }
0xc7: {  	[dreg:$0x1] =	wrdreg $0xFFFFFFFF  }
0xc8: {  	_ =	task.clear_ibuf [dreg:s8], $0x2FFFF;
	_ =	strace $0x9FFFFFFF  }
0xc9: {  	(tm) =	ssettm $0x7FFFFFFF  }
tec
execute0_lowered:
.L_overlay_start_1:
0x0: {  	(tag) =	ssettag $0x1  }
0x1: {  	s1 =	rddreg [dreg:$0x0]  }
0x2: {  	s3 =	rddreg [dreg:$0x1]  }
0x3: {  	s5 =	rddreg [dreg:$0x2]  }
0x4: {  	s0 =	rddreg [dreg:$0x3]  }
0x5: {  	s6 =	srdreg.scid;
	s2 =	stileid.u32  }
0x6: {  	s4 =	simm.s32 $0x0;
	s10 =	simm.s32 $0x7;
	s11 =	simm.s32 $0x4000  }
0x7: {  	s12 =	simm.s32 $0x50;
	s13 =	simm.s32 $0x8000;
	s14 =	simm.s32 $0xD000  }
0x8: {  	s15 =	simm.s32 $0x1;
	s16 =	simm.s32 $0x3;
	s17 =	simm.s32 $0xA800  }
0x9: {  	s18 =	simm.s32 $0xF800;
	s19 =	simm.s32 $0x2;
	s20 =	simm.s32 $0x4  }
0xa: {  	s21 =	simm.s32 $0x5;
	s6 =	sand.u32 $0x1, s6;
	s7 =	sshll.u32 s2, $0x1  }
.Ltmp0:
0xb: {  	s22 =	simm.s32 $0x0;
	s7 =	sor.u32 s6, s7;
	(pc) =	sbr.rel .LBB2_1-.Ltmp0, $4  }
0xc: {  	[smem:$0x7FF] =	sst s4;
	s6 =	ssub.s32 $0x2, s6;
	s8 =	sshll.u32 s7, $0xB  }
0xd: {  	_ =	strace $0x80000047;
	s9 =	sshrl.u32 s6, $0x1;
	s8 =	sadd.s32 s8, s5  }
0xe: {  	s5 =	sadd.s32 $0x3A200, s5;
	s9 =	ssub.s32 s6, s9;
	s6 =	smul.u32 $0x2710, s7  }
0xf: {  	s7 =	sadd.s32 $0x18200, s8;
	s8 =	sadd.s32 $0x28200, s8;
	s9 =	smax.u32 s9, $0x1  }
.LBB2_12:
0x10: {  	s22 =	sadd.s32 $0x1, s22  }
0x11: {  	p0 =	sne.s32 s22, s9  }
.Ltmp1:
0x12: {  	_ = 	snop;
	(pc) =	sbr.rel @!p0 .LBB2_13-.Ltmp1, $4  }
0x13: {  	_ = 	snop  }
0x14: {  	_ =	swait.ge [sflag:s21], $0x2800  }
0x15: {  	[sflag:s21] =	ssyncset.done $0x0  }
0x16: {  	[sflag:s21] =	ssyncadd.s32 $0xFFFFD800  }
.LBB2_1:
0x17: {  	[tilespmem:s4], [sflag:$0x7] =	stream.linear.gather [hbm4b:s7+s4], $0x3E80, $0x38;
	[tilespmem:$0x12000] =	vst v63  }
0x18: {  	_ =	swait.ge [sflag:s10], $0x3E80  }
0x19: {  	[sflag:s10] =	ssyncset.done $0x0  }
0x1a: {  	[sflag:s10] =	ssyncadd.s32 $0xFFFFC180  }
0x1b: {  	[tilespmem:s11], [sflag:$0x7] =	stream.linear.gather [hbm4b:s8+s4], $0x3E80, $0x38;
	[tilespmem:$0x12000] =	vst v63  }
0x1c: {  	_ =	swait.ge [sflag:s10], $0x3E80  }
.Ltmp2:
0x1d: {  	[sflag:s10] =	ssyncset.done $0x0;
	(pc) =	sbr.rel .LBB2_2-.Ltmp2, $4  }
0x1e: {  	[sflag:s10] =	ssyncadd.s32 $0xFFFFC180  }
0x1f: {  	[tilespmem:s13], [sflag:$0x1] =	stream.indirect.gather [hbm4b:s1+s12], $0x80, s4, s12, $0xb8;
	[tilespmem:$0x12000] =	vst v63  }
0x20: {  	s23 =	simm.s32 $0x0  }
0x21: {  	[tilespmem:s14], [sflag:$0x3] =	stream.indirect.gather [hbm4b:s3+s12], $0x80, s11, s12, $0xb8;
	[tilespmem:$0x12000] =	vst v63  }
.LBB2_11:
0x22: {  	s23 =	sadd.s32 $0x1, s23  }
0x23: {  	p0 =	sne.s32 s23, $0x3F  }
.Ltmp3:
0x24: {  	_ = 	snop;
	(pc) =	sbr.rel @!p0 .LBB2_12-.Ltmp3, $1  }
0x25: {  	_ =	sdelay $0x3  }
.LBB2_2:
0x26: {  	_ =	swait.ge [sflag:s15], $0x2800;
	p0 =	seq.s32 s23, $0x0  }
0x27: {  	[sflag:s15] =	ssyncset.done $0x0;
	s24 =	sshllo.u32 @!p0 s23, $0x1  }
0x28: {  	[sflag:s15] =	ssyncadd.s32 $0xFFFFD800;
	p1 =	sgt.u32 @!p0 s24, $0x7C  }
0x29: {  	_ =	swait.ge [sflag:s16], $0x2800;
	p1 =	por p0, !p1  }
.Ltmp4:
0x2a: {  	[sflag:s16] =	ssyncset.done $0x0;
	(pc) =	sbr.rel @!p1 .LBB2_3-.Ltmp4, $4  }
0x2b: {  	s25 =	simm.s32 @!p0 $0x6;
	[sflag:s16] =	ssyncadd.s32 $0xFFFFD800  }
0x2c: {  	_ =	swait.ge @!p0 [sflag:s25], $0x2800  }
0x2d: {  	[sflag:s25] =	ssyncset.done @!p0 $0x0  }
0x2e: {  	[sflag:s25] =	ssyncadd.s32 @!p0 $0xFFFFD800  }
.Ltmp5:
0x2f: {  	s24 =	simm.s32 @p0 $0x1;
	(pc) =	sbr.rel .LBB2_5-.Ltmp5, $4  }
0x30: {  	s25 =	sshll.u32 s24, $0x7  }
0x31: {  	[tilespmem:s17], [sflag:$0x2] =	stream.indirect.gather [hbm4b:s1+s12], $0x80, s25, s12, $0xb8;
	[tilespmem:$0x12000] =	vst v63  }
0x32: {  	p0 =	por $0x1, $0x1;
	s24 =	smul.u32 $0x50, s24;
	s25 =	sadd.s32 $0x4000, s25  }
0x33: {  	[tilespmem:s18], [sflag:$0x4] =	stream.indirect.gather [hbm4b:s3+s12], $0x80, s25, s12, $0xb8;
	[tilespmem:$0x12000] =	vst v63  }
.LBB2_3:
0x34: {  	s24 =	simm.s32 @!p0 $0x2710;
	p0 =	por @!p0 $0x0, $0x0  }
.LBB2_5:
0x35: {  	s25 =	simm.s32 $0x0  }
0x36: {  	v6 =	vld [tilespmem:s25+$0xD000]  }
0x37: {  	v11 =	vld [tilespmem:s25+$0xD010]  }
0x38: {  	v5 =	vld [tilespmem:s25+$0xD020]  }
0x39: {  	v4 =	vld [tilespmem:s25+$0xD030]  }
0x3a: {  	v3 =	vld [tilespmem:s25+$0xD040]  }
0x3b: {  	v2 =	vld [tilespmem:s25+$0xD050]  }
0x3c: {  	v1 =	vld [tilespmem:s25+$0xD060]  }
0x3d: {  	v0 =	vld [tilespmem:s25+$0xD070]  }
0x3e: {  	v12 =	vld [tilespmem:s25+$0x8000]  }
0x3f: {  	v13 =	vld [tilespmem:s25+$0x8010]  }
0x40: {  	v10 =	vld [tilespmem:s25+$0x8020]  }
0x41: {  	v9 =	vld [tilespmem:s25+$0x8030]  }
0x42: {  	v8 =	vld [tilespmem:s25+$0x8040]  }
0x43: {  	v7 =	vld [tilespmem:s25+$0x8050];
	v12 =	vadd.f32 v6, v12  }
0x44: {  	s26 =	simm.s32 $0x200;
	v11 =	vadd.f32 v11, v13;
	v6 =	vld [tilespmem:s25+$0x8060]  }
.LBB2_6:
0x45: {  	s28 =	sshra.s32 s26, $0x2;
	p1 =	sne.s32 s26, $0x9E00;
	[tilespmem:s25+$0x8000] =	vst v12;
	v5 =	vadd.f32 v5, v10;
	v10 =	vld [tilespmem:s25+$0x8070]  }
0x46: {  	v12 =	vld [tilespmem:s28+$0xD000];
	[tilespmem:s25+$0x8010] =	vst v11;
	v4 =	vadd.f32 v4, v9  }
0x47: {  	v11 =	vld [tilespmem:s28+$0xD010];
	[tilespmem:s25+$0x8020] =	vst v5;
	v3 =	vadd.f32 v3, v8  }
0x48: {  	v5 =	vld [tilespmem:s28+$0xD020];
	[tilespmem:s25+$0x8030] =	vst v4;
	v2 =	vadd.f32 v2, v7  }
0x49: {  	v4 =	vld [tilespmem:s28+$0xD030];
	[tilespmem:s25+$0x8040] =	vst v3;
	v1 =	vadd.f32 v1, v6  }
0x4a: {  	v3 =	vld [tilespmem:s28+$0xD040];
	[tilespmem:s25+$0x8050] =	vst v2;
	v0 =	vadd.f32 v0, v10  }
0x4b: {  	v2 =	vld [tilespmem:s28+$0xD050];
	[tilespmem:s25+$0x8060] =	vst v1  }
0x4c: {  	v1 =	vld [tilespmem:s28+$0xD060];
	[tilespmem:s25+$0x8070] =	vst v0;
	s25 =	smov.u32 s28  }
0x4d: {  	v0 =	vld [tilespmem:s25+$0xD070]  }
0x4e: {  	v6 =	vld [tilespmem:s25+$0x8000]  }
0x4f: {  	v13 =	vld [tilespmem:s25+$0x8010]  }
.Ltmp6:
0x50: {  	v10 =	vld [tilespmem:s25+$0x8020];
	(pc) =	sbr.rel @p1 .LBB2_6-.Ltmp6, $4  }
0x51: {  	v9 =	vld [tilespmem:s25+$0x8030]  }
0x52: {  	v8 =	vld [tilespmem:s25+$0x8040]  }
0x53: {  	v12 =	vadd.f32 v12, v6;
	v7 =	vld [tilespmem:s25+$0x8050]  }
0x54: {  	s26 =	sadd.s32 $0x200, s26;
	v11 =	vadd.f32 v11, v13;
	v6 =	vld [tilespmem:s25+$0x8060]  }
0x55: {  	[tilespmem:s25+$0x8000] =	vst v12;
	v5 =	vadd.f32 v5, v10;
	v63 =	vld [tilespmem:s25+$0x8070]  }
0x56: {  	[tilespmem:s25+$0x8010] =	vst v11;
	v4 =	vadd.f32 v4, v9  }
0x57: {  	[tilespmem:s25+$0x8020] =	vst v5;
	v3 =	vadd.f32 v3, v8  }
0x58: {  	s26 =	smul.u32 $0xA0, s23;
	[tilespmem:s25+$0x8030] =	vst v4;
	v2 =	vadd.f32 v2, v7  }
.Ltmp7:
0x59: {  	[tilespmem:s25+$0x8040] =	vst v3;
	v1 =	vadd.f32 v1, v6;
	(pc) =	sbr.rel @!p0 .LBB2_11-.Ltmp7, $4  }
0x5a: {  	s26 =	sadd.s32 s6, s26;
	[tilespmem:s25+$0x8050] =	vst v2;
	v0 =	vadd.f32 v0, v63  }
0x5b: {  	s26 =	sshll.u32 s26, $0x4;
	[tilespmem:s25+$0x8060] =	vst v1  }
0x5c: {  	s31 =	sadd.s32 s5, s26;
	[tilespmem:s25+$0x8070] =	vst v0  }
0x5d: {  	[hbm4b:s31+s4] =	stream.linear.scatter [tilespmem:s13], [sflag:$0x5], $0x2800, $0x38;
	[tilespmem:$0x12000] =	vst v63  }
0x5e: {  	_ =	swait.ge [sflag:s19], $0x2800  }
0x5f: {  	[sflag:s19] =	ssyncset.done $0x0  }
0x60: {  	[sflag:s19] =	ssyncadd.s32 $0xFFFFD800  }
0x61: {  	_ =	swait.ge [sflag:s20], $0x2800  }
0x62: {  	[sflag:s20] =	ssyncset.done $0x0  }
0x63: {  	[sflag:s20] =	ssyncadd.s32 $0xFFFFD800  }
0x64: {  	p0 =	seq.s32 s23, $0x3E;
	_ =	swait.ge [sflag:s21], $0x2800  }
0x65: {  	s25 =	sshll.u32 @!p0 s23, $0x8;
	s28 =	simm.s32 @!p0 $0x50;
	[sflag:s21] =	ssyncset.done $0x0  }
0x66: {  	s29 =	simm.s32 @!p0 $0x8000;
	s26 =	sadd.s32 @!p0 $0x100, s25;
	[sflag:s21] =	ssyncadd.s32 $0xFFFFD800  }
0x67: {  	[tilespmem:s29], [sflag:$0x1] =	stream.indirect.gather @!p0 [hbm4b:s1+s28], $0x80, s26, s28, $0xb8;
	[tilespmem:$0x12000] =	vst v63  }
0x68: {  	s25 =	sadd.s32 @!p0 $0x4100, s25;
	s26 =	simm.s32 @!p0 $0xD000  }
0x69: {  	[tilespmem:s26], [sflag:$0x3] =	stream.indirect.gather @!p0 [hbm4b:s3+s28], $0x80, s25, s28, $0xb8;
	[tilespmem:$0x12000] =	vst v63  }
0x6a: {  	s25 =	simm.s32 $0x0  }
0x6b: {  	v7 =	vld [tilespmem:s25+$0xF800]  }
0x6c: {  	v11 =	vld [tilespmem:s25+$0xF810]  }
0x6d: {  	v5 =	vld [tilespmem:s25+$0xF820]  }
0x6e: {  	v4 =	vld [tilespmem:s25+$0xF830]  }
0x6f: {  	v3 =	vld [tilespmem:s25+$0xF840]  }
0x70: {  	v2 =	vld [tilespmem:s25+$0xF850]  }
0x71: {  	v1 =	vld [tilespmem:s25+$0xF860]  }
0x72: {  	v0 =	vld [tilespmem:s25+$0xF870]  }
0x73: {  	v12 =	vld [tilespmem:s25+$0xA800]  }
0x74: {  	v13 =	vld [tilespmem:s25+$0xA810]  }
0x75: {  	v10 =	vld [tilespmem:s25+$0xA820]  }
0x76: {  	v9 =	vld [tilespmem:s25+$0xA830]  }
0x77: {  	v8 =	vld [tilespmem:s25+$0xA840]  }
0x78: {  	v6 =	vld [tilespmem:s25+$0xA850];
	v12 =	vadd.f32 v7, v12  }
0x79: {  	s26 =	simm.s32 $0x200;
	v11 =	vadd.f32 v11, v13;
	v7 =	vld [tilespmem:s25+$0xA860]  }
.LBB2_9:
0x7a: {  	s28 =	sshra.s32 s26, $0x2;
	p0 =	sne.s32 s26, $0x9E00;
	[tilespmem:s25+$0xA800] =	vst v12;
	v5 =	vadd.f32 v5, v10;
	v10 =	vld [tilespmem:s25+$0xA870]  }
0x7b: {  	v12 =	vld [tilespmem:s28+$0xF800];
	[tilespmem:s25+$0xA810] =	vst v11;
	v4 =	vadd.f32 v4, v9  }
0x7c: {  	v11 =	vld [tilespmem:s28+$0xF810];
	[tilespmem:s25+$0xA820] =	vst v5;
	v3 =	vadd.f32 v3, v8  }
0x7d: {  	v5 =	vld [tilespmem:s28+$0xF820];
	[tilespmem:s25+$0xA830] =	vst v4;
	v2 =	vadd.f32 v2, v6  }
0x7e: {  	v4 =	vld [tilespmem:s28+$0xF830];
	[tilespmem:s25+$0xA840] =	vst v3;
	v1 =	vadd.f32 v1, v7  }
0x7f: {  	v3 =	vld [tilespmem:s28+$0xF840];
	[tilespmem:s25+$0xA850] =	vst v2;
	v0 =	vadd.f32 v0, v10  }
0x80: {  	v2 =	vld [tilespmem:s28+$0xF850];
	[tilespmem:s25+$0xA860] =	vst v1  }
0x81: {  	v1 =	vld [tilespmem:s28+$0xF860];
	[tilespmem:s25+$0xA870] =	vst v0;
	s25 =	smov.u32 s28  }
0x82: {  	v0 =	vld [tilespmem:s25+$0xF870]  }
0x83: {  	v6 =	vld [tilespmem:s25+$0xA800]  }
0x84: {  	v7 =	vld [tilespmem:s25+$0xA810]  }
.Ltmp8:
0x85: {  	v10 =	vld [tilespmem:s25+$0xA820];
	(pc) =	sbr.rel @p0 .LBB2_9-.Ltmp8, $4  }
0x86: {  	v9 =	vld [tilespmem:s25+$0xA830]  }
0x87: {  	v8 =	vld [tilespmem:s25+$0xA840]  }
0x88: {  	v12 =	vadd.f32 v12, v6;
	v6 =	vld [tilespmem:s25+$0xA850]  }
0x89: {  	s26 =	sadd.s32 $0x200, s26;
	v11 =	vadd.f32 v11, v7;
	v7 =	vld [tilespmem:s25+$0xA860]  }
0x8a: {  	[tilespmem:s25+$0xA800] =	vst v12;
	v5 =	vadd.f32 v5, v10;
	v63 =	vld [tilespmem:s25+$0xA870]  }
0x8b: {  	[tilespmem:s25+$0xA810] =	vst v11;
	v4 =	vadd.f32 v4, v9  }
0x8c: {  	[tilespmem:s25+$0xA820] =	vst v5;
	v3 =	vadd.f32 v3, v8  }
0x8d: {  	[tilespmem:s25+$0xA830] =	vst v4;
	v2 =	vadd.f32 v2, v6  }
.Ltmp9:
0x8e: {  	[tilespmem:s25+$0xA840] =	vst v3;
	v1 =	vadd.f32 v1, v7;
	(pc) =	sbr.rel .LBB2_11-.Ltmp9, $4  }
0x8f: {  	s24 =	sadd.s32 s6, s24;
	[tilespmem:s25+$0xA850] =	vst v2;
	v0 =	vadd.f32 v0, v63  }
0x90: {  	s24 =	sshll.u32 s24, $0x4;
	[tilespmem:s25+$0xA860] =	vst v1  }
0x91: {  	s24 =	sadd.s32 s5, s24;
	[tilespmem:s25+$0xA870] =	vst v0  }
0x92: {  	[hbm4b:s24+s4] =	stream.linear.scatter [tilespmem:s17], [sflag:$0x6], $0x2800, $0x38;
	[tilespmem:$0x12000] =	vst v63  }
.LBB2_13:
0x93: {  	_ =	sfence.sel $0x180000  }
0x94: {  	[bflag:$0x0] =	sbarrier.arrive $0xFFFF  }
0x95: {  	p0 =	sne.s32 s2, $0x0;
	_ =	strace $0x90000047  }
0x96: {  	s0 =	sadd.s32 @!p0 $0x100000, s0;
	[bflag:$0x2] =	sbarrier.arrive $0xFFFF  }
0x97: {  	[sflag:s0] =	ssyncadd.tile.s32 @!p0 $0x1;
	_ =	shalt  }
.Lfunc_end2:
_tile_overlayer_lowered:
.L_overlay_start_2:
0x98: {  	(tag) =	ssettag $0x2  }
0x99: {  	s0 =	rddreg [dreg:$0x0];
	s2 =	stileid.u32  }
0x9a: {  	s1 =	rddreg [dreg:$0x1];
	p0 =	sne.s32 s2, $0x0  }
0x9b: {  	s3 =	rddreg [dreg:$0x2];
	[bflag:$0x3] =	sbarrier.arrive $0xFFFF;
	s2 =	simm.s32 @!p0 $0x1C07  }
0x9c: {  	[timem:s3], [sflag:s2] =	dma.local @!p0 [hbm:s0], s1  }
0x9d: {  	s0 =	simm.s32 @!p0 $0x7  }
0x9e: {  	_ =	swait.ge @!p0 [sflag:s0], s1  }
0x9f: {  	s1 =	ssub.s32 @!p0 $0x0, s1;
	[sflag:s0] =	ssyncset.done @!p0 $0x0  }
0xa0: {  	[sflag:s0] =	ssyncadd.s32 @!p0 s1  }
0xa1: {  	[bflag:$0x3] =	sbarrier.arrive $0xFFFF  }
0xa2: {  	_ =	shalt  }

</sc_bundles>
